<compile_context>
chip_gen: v7x
topology: tpu7x:2x2x1
jax: 0.10.2.dev20260603
libtpu: 0.0.44.dev20260713+nightly
codegen_flags: <defaults>
</compile_context>

<pallas_src>
import jax
import jax.numpy as jnp
from jax import lax
from jax.experimental import pallas as pl
from jax.experimental.pallas import tpu as pltpu
from jax.experimental.pallas import tpu_sc as plsc

NUM_EMBEDDINGS = 100000
EMBEDDING_DIM = 128
WORDS = EMBEDDING_DIM // 4
NW = 32
BATCH = 4096
SEQ = 50
B_TOTAL = BATCH * SEQ
BPW = BATCH // NW
PER_W = BPW * SEQ
OUT_TILE = BPW * EMBEDDING_DIM

RP_ROWS = 800
RP_BLOCKS = NUM_EMBEDDINGS // RP_ROWS


def _repack_body(in_ref, out_ref):
    q = pltpu.bitcast(in_ref[...], jnp.int32)
    m = lax.broadcasted_iota(jnp.int32, q.shape, 1) // WORDS
    sh = m * 8
    acc = None
    for k in range(4):
        s_k = jnp.concatenate([q[:, WORDS * k:WORDS * (k + 1)]] * 4, axis=1)
        p_k = lax.shift_right_logical(s_k, sh) & 0xFF
        acc = p_k if k == 0 else acc | (p_k << (8 * k))
    out_ref[...] = acc


_repack = pl.pallas_call(
    _repack_body,
    grid=(RP_BLOCKS,),
    in_specs=[pl.BlockSpec((RP_ROWS, EMBEDDING_DIM), lambda i: (i, 0))],
    out_specs=pl.BlockSpec((RP_ROWS // 4, EMBEDDING_DIM), lambda i: (i, 0)),
    out_shape=jax.ShapeDtypeStruct((NUM_EMBEDDINGS // 4, EMBEDDING_DIM),
                                   jnp.int32),
)


NBUF = 5


def _body(ids_hbm, table_hbm, params_hbm, out_hbm,
          idx_t, rows_v, out_v, lut_v, par_v, *sems):
    c = lax.axis_index("c")
    s_ax = lax.axis_index("s")
    wid = s_ax * 2 + c
    sem_g = sems[:NBUF]
    sem_o = sems[NBUF:]

    pltpu.sync_copy(params_hbm, par_v)
    pltpu.sync_copy(ids_hbm.at[:, pl.ds(pl.multiple_of(wid * BPW, 8), BPW)],
                    idx_t)

    scv = par_v[pl.ds(0, 16)]
    zpv = par_v[pl.ds(16, 16)]
    ii = lax.iota(jnp.int32, 16)

    for k in range(16):
        qv = (ii + 16 * k).astype(jnp.float32)
        lut_v[pl.ds(16 * k, 16)] = (qv - zpv) * scv

    def gather_copy(s, b):
        return pltpu.make_async_copy(
            table_hbm.at[idx_t.at[s]],
            rows_v.at[b], sem_g[b])

    def dequant_tile(b):
        @plsc.parallel_loop(0, BPW, unroll=4)
        def _(r):
            base = (b * BPW + r) * EMBEDDING_DIM
            for h in range(2):
                w = rows_v[b, r, pl.ds(16 * h, 16)]
                for k in range(4):
                    qb = lax.shift_right_logical(w, k * 8) if k else w
                    if k in (1, 2):
                        val = plsc.load_gather(lut_v, [qb & 0xFF])
                    else:
                        qf = (qb & 0xFF if k == 0 else qb).astype(jnp.float32)
                        val = (qf - zpv) * scv
                    out_v[pl.ds(base + WORDS * k + 16 * h, 16)] = val

    def out_copy(s, b):
        return pltpu.make_async_copy(
            out_v.at[pl.ds(b * OUT_TILE, OUT_TILE)],
            out_hbm.at[pl.ds(
                pl.multiple_of(wid * OUT_TILE, 8) + s * (BATCH * EMBEDDING_DIM),
                OUT_TILE)],
            sem_o[b])

    for p in range(NBUF - 1):
        gather_copy(p, p).start()

    @pl.loop(0, SEQ, step=NBUF)
    def _(s):
        for par in range(NBUF):
            sb = s + par

            @pl.when(sb + NBUF - 1 < SEQ)
            def _():
                gather_copy(sb + NBUF - 1, (par + NBUF - 1) % NBUF).start()

            gather_copy(sb, par).wait()

            @pl.when(sb >= NBUF)
            def _():
                out_copy(sb - NBUF, par).wait()

            dequant_tile(par)
            out_copy(sb, par).start()

    for p in range(NBUF):
        out_copy(SEQ - NBUF + p, p).wait()


_gather_dequant = pl.kernel(
    _body,
    out_type=jax.ShapeDtypeStruct((B_TOTAL * EMBEDDING_DIM,), jnp.float32),
    mesh=plsc.VectorSubcoreMesh(core_axis_name="c", subcore_axis_name="s"),
    compiler_params=pltpu.CompilerParams(needs_layout_passes=False,
                                         use_tc_tiling_on_sc=False),
    scratch_types=[
        pltpu.VMEM((SEQ, BPW), jnp.int32),
        pltpu.VMEM((NBUF, BPW, WORDS), jnp.int32),
        pltpu.VMEM((NBUF * OUT_TILE,), jnp.float32),
        pltpu.VMEM((256,), jnp.float32),
        pltpu.VMEM((32,), jnp.float32),
    ] + [pltpu.SemaphoreType.DMA] * (2 * NBUF),
)


def kernel(input_ids, weight_quantized, scale, zero_point):
    ids = input_ids.T
    table = _repack(weight_quantized).reshape(NUM_EMBEDDINGS, WORDS)
    params = jnp.concatenate([
        jnp.broadcast_to(scale.astype(jnp.float32), (16,)),
        jnp.broadcast_to(zero_point.astype(jnp.float32), (16,)),
    ])
    out = _gather_dequant(ids, table, params)
    return out.reshape(SEQ, BATCH, EMBEDDING_DIM).transpose(1, 0, 2)

# --- scband reference (transcript-rebuilt; emitter-appended) ---
"""Pipeline reference for scband-quantized-embedding-34634616275186 (READ-ONLY COPY).

The authoritative reference and input builder live on the scoring server;
editing this copy changes nothing except your own understanding.
"""

import jax, jax.numpy as jnp
import numpy as np

NUM_EMBEDDINGS = 100000
EMBEDDING_DIM = 128
BATCH = 4096
SEQ_LEN = 50


def setup_inputs(seed: int = 0) -> dict:
    key = jax.random.key(seed)
    k1, k2 = jax.random.split(key)
    input_ids = jax.random.randint(k1, (BATCH, SEQ_LEN), 0, NUM_EMBEDDINGS, dtype=jnp.int32)
    # Materialize the float weight then quantize, mirroring __init__ + _quantize_weights
    w = jax.random.normal(k2, (NUM_EMBEDDINGS, EMBEDDING_DIM), dtype=jnp.float32) * 0.02
    w_min = jnp.min(w)
    w_max = jnp.max(w)
    scale = ((w_max - w_min) / 255.0).reshape(1).astype(jnp.float32)
    # torch uses int(-weight_min / scale) -> truncation toward zero
    zero_point = jnp.trunc(-w_min / scale[0]).astype(jnp.int32).reshape(1)
    quantized = jnp.clip(w / scale[0] + zero_point[0].astype(jnp.float32), 0, 255).astype(jnp.uint8)
    return {
        "input_ids": input_ids,
        "weight_quantized": quantized,
        "scale": scale,
        "zero_point": zero_point,
    }


def reference(input_ids, weight_quantized, scale, zero_point):
    # _dequantize_weights: (uint8 -> float32) then affine dequant
    weight = (weight_quantized.astype(jnp.float32) - zero_point.astype(jnp.float32)) * scale
    # F.embedding -> row gather
    return jnp.take(weight, input_ids, axis=0)

if __name__ == "__main__":
    import jax
    _d = setup_inputs()
    print(jax.jit(kernel)(*tuple(_d.values())))

</pallas_src>

<mosaic_0001>
#map = affine_map<(d0, d1) -> (0, 0)>
#map1 = affine_map<(d0, d1) -> (0)>
module attributes {stable_mosaic.version = 14 : i64} {
  func.func @_body(%arg0: i32, %arg1: i32, %arg2: memref<50x4096xi32, #tpu.memory_space<hbm>>, %arg3: memref<100000x32xi32, #tpu.memory_space<hbm>>, %arg4: memref<32xf32, #tpu.memory_space<hbm>>, %arg5: memref<26214400xf32, #tpu.memory_space<hbm>>, %arg6: memref<50x128xi32, #tpu.memory_space<vmem>>, %arg7: memref<5x128x32xi32, #tpu.memory_space<vmem>>, %arg8: memref<81920xf32, #tpu.memory_space<vmem>>, %arg9: memref<256xf32, #tpu.memory_space<vmem>>, %arg10: memref<32xf32, #tpu.memory_space<vmem>>, %arg11: memref<!tpu.dma_semaphore, #tpu.memory_space<semaphore_mem>>, %arg12: memref<!tpu.dma_semaphore, #tpu.memory_space<semaphore_mem>>, %arg13: memref<!tpu.dma_semaphore, #tpu.memory_space<semaphore_mem>>, %arg14: memref<!tpu.dma_semaphore, #tpu.memory_space<semaphore_mem>>, %arg15: memref<!tpu.dma_semaphore, #tpu.memory_space<semaphore_mem>>, %arg16: memref<!tpu.dma_semaphore, #tpu.memory_space<semaphore_mem>>, %arg17: memref<!tpu.dma_semaphore, #tpu.memory_space<semaphore_mem>>, %arg18: memref<!tpu.dma_semaphore, #tpu.memory_space<semaphore_mem>>, %arg19: memref<!tpu.dma_semaphore, #tpu.memory_space<semaphore_mem>>, %arg20: memref<!tpu.dma_semaphore, #tpu.memory_space<semaphore_mem>>) attributes {dimension_semantics = [#tpu.dimension_semantics<core_parallel>, #tpu.dimension_semantics<subcore_parallel>], iteration_bounds = array<i64: 2, 16>, scalar_prefetch = 0 : i64, scratch_operands = 15 : i64, tpu.core_type = #tpu.core_type<sc_vector_subcore>, window_params = [{transform_indices = #map}, {transform_indices = #map}, {transform_indices = #map1}, {transform_indices = #map1}]} {
    %mul3A = arith.constant 2 : i32
    %mul3A_0 = arith.muli %arg1, %mul3A : i32
    %add3A = arith.addi %mul3A_0, %arg0 : i32
    "tpu.region"() ({
      %run_scoped3A = tpu.sem_alloc : memref<!tpu.dma_semaphore, #tpu.memory_space<semaphore_mem>>
      tpu.enqueue_dma source(%arg4 : memref<32xf32, #tpu.memory_space<hbm>>) target(%arg10 : memref<32xf32, #tpu.memory_space<vmem>>) target_semaphore(%run_scoped3A : memref<!tpu.dma_semaphore, #tpu.memory_space<semaphore_mem>>)
      tpu.wait_dma2 semaphore(%run_scoped3A : memref<!tpu.dma_semaphore, #tpu.memory_space<semaphore_mem>>) src(%arg4 : memref<32xf32, #tpu.memory_space<hbm>>) dst(%arg10 : memref<32xf32, #tpu.memory_space<vmem>>)
      tpu.yield
    }) : () -> ()
    %mul3A_1 = arith.constant 128 : i32
    %mul3A_2 = arith.muli %add3A, %mul3A_1 : i32
    %multiple_of3A = tpu.assume_multiple %mul3A_2, 8 : i32
    "tpu.region"() ({
      %run_scoped3A = tpu.sem_alloc : memref<!tpu.dma_semaphore, #tpu.memory_space<semaphore_mem>>
      %dma_start3A_236 = arith.constant 0 : i32
      %dma_start3A_237 = tpu.memref_slice %arg2[%dma_start3A_236, %multiple_of3A] : memref<50x4096xi32, #tpu.memory_space<hbm>> -> memref<50x128xi32, #tpu.memory_space<hbm>>
      %dma_start3A_238 = arith.constant 0 : i32
      %dma_start3A_239 = tpu.memref_slice %arg2[%dma_start3A_238, %multiple_of3A] : memref<50x4096xi32, #tpu.memory_space<hbm>> -> memref<50x128xi32, #tpu.memory_space<hbm>>
      tpu.enqueue_dma source(%dma_start3A_239 : memref<50x128xi32, #tpu.memory_space<hbm>>) target(%arg6 : memref<50x128xi32, #tpu.memory_space<vmem>>) target_semaphore(%run_scoped3A : memref<!tpu.dma_semaphore, #tpu.memory_space<semaphore_mem>>)
      %dma_wait3A_240 = arith.constant 0 : i32
      %dma_wait3A_241 = tpu.memref_slice %arg2[%dma_wait3A_240, %multiple_of3A] : memref<50x4096xi32, #tpu.memory_space<hbm>> -> memref<50x128xi32, #tpu.memory_space<hbm>>
      %dma_wait3A_242 = arith.constant 0 : i32
      %dma_wait3A_243 = tpu.memref_slice %arg2[%dma_wait3A_242, %multiple_of3A] : memref<50x4096xi32, #tpu.memory_space<hbm>> -> memref<50x128xi32, #tpu.memory_space<hbm>>
      tpu.wait_dma2 semaphore(%run_scoped3A : memref<!tpu.dma_semaphore, #tpu.memory_space<semaphore_mem>>) src(%dma_wait3A_243 : memref<50x128xi32, #tpu.memory_space<hbm>>) dst(%arg6 : memref<50x128xi32, #tpu.memory_space<vmem>>)
      tpu.yield
    }) : () -> ()
    %get3A = arith.constant 0 : index
    %get3A_3 = tpu.vector_load %arg10[%get3A] {strides = array<i32>} : memref<32xf32, #tpu.memory_space<vmem>>, vector<16xf32>,
    %get3A_4 = arith.constant 16 : index
    %get3A_5 = tpu.vector_load %arg10[%get3A_4] {strides = array<i32>} : memref<32xf32, #tpu.memory_space<vmem>>, vector<16xf32>,
    %iota3A = tpu.iota {dimensions = array<i32: 0>} : vector<16xi32>
    %add3A_6 = arith.constant 0 : i32
    %add3A_7 = vector.broadcast %add3A_6 : i32 to vector<16xi32>
    %add3A_8 = arith.addi %iota3A, %add3A_7 : vector<16xi32>
    %convert_element_type3A = arith.sitofp %add3A_8 : vector<16xi32> to vector<16xf32>
    %sub3A = arith.subf %convert_element_type3A, %get3A_5 : vector<16xf32>
    %mul3A_9 = arith.mulf %sub3A, %get3A_3 : vector<16xf32>
    %swap3A = arith.constant 0 : index
    %swap3A_10 = tpu.vector_load %arg9[%swap3A] {strides = array<i32>} : memref<256xf32, #tpu.memory_space<vmem>>, vector<16xf32>,
    tpu.vector_store %arg9[%swap3A], %mul3A_9 {strides = array<i32>} : memref<256xf32, #tpu.memory_space<vmem>>, vector<16xf32>,
    %add3A_11 = arith.constant 16 : i32
    %add3A_12 = vector.broadcast %add3A_11 : i32 to vector<16xi32>
    %add3A_13 = arith.addi %iota3A, %add3A_12 : vector<16xi32>
    %convert_element_type3A_14 = arith.sitofp %add3A_13 : vector<16xi32> to vector<16xf32>
    %sub3A_15 = arith.subf %convert_element_type3A_14, %get3A_5 : vector<16xf32>
    %mul3A_16 = arith.mulf %sub3A_15, %get3A_3 : vector<16xf32>
    %swap3A_17 = arith.constant 16 : index
    %swap3A_18 = tpu.vector_load %arg9[%swap3A_17] {strides = array<i32>} : memref<256xf32, #tpu.memory_space<vmem>>, vector<16xf32>,
    tpu.vector_store %arg9[%swap3A_17], %mul3A_16 {strides = array<i32>} : memref<256xf32, #tpu.memory_space<vmem>>, vector<16xf32>,
    %add3A_19 = arith.constant 32 : i32
    %add3A_20 = vector.broadcast %add3A_19 : i32 to vector<16xi32>
    %add3A_21 = arith.addi %iota3A, %add3A_20 : vector<16xi32>
    %convert_element_type3A_22 = arith.sitofp %add3A_21 : vector<16xi32> to vector<16xf32>
    %sub3A_23 = arith.subf %convert_element_type3A_22, %get3A_5 : vector<16xf32>
    %mul3A_24 = arith.mulf %sub3A_23, %get3A_3 : vector<16xf32>
    %swap3A_25 = arith.constant 32 : index
    %swap3A_26 = tpu.vector_load %arg9[%swap3A_25] {strides = array<i32>} : memref<256xf32, #tpu.memory_space<vmem>>, vector<16xf32>,
    tpu.vector_store %arg9[%swap3A_25], %mul3A_24 {strides = array<i32>} : memref<256xf32, #tpu.memory_space<vmem>>, vector<16xf32>,
    %add3A_27 = arith.constant 48 : i32
    %add3A_28 = vector.broadcast %add3A_27 : i32 to vector<16xi32>
    %add3A_29 = arith.addi %iota3A, %add3A_28 : vector<16xi32>
    %convert_element_type3A_30 = arith.sitofp %add3A_29 : vector<16xi32> to vector<16xf32>
    %sub3A_31 = arith.subf %convert_element_type3A_30, %get3A_5 : vector<16xf32>
    %mul3A_32 = arith.mulf %sub3A_31, %get3A_3 : vector<16xf32>
    %swap3A_33 = arith.constant 48 : index
    %swap3A_34 = tpu.vector_load %arg9[%swap3A_33] {strides = array<i32>} : memref<256xf32, #tpu.memory_space<vmem>>, vector<16xf32>,
    tpu.vector_store %arg9[%swap3A_33], %mul3A_32 {strides = array<i32>} : memref<256xf32, #tpu.memory_space<vmem>>, vector<16xf32>,
    %add3A_35 = arith.constant 64 : i32
    %add3A_36 = vector.broadcast %add3A_35 : i32 to vector<16xi32>
    %add3A_37 = arith.addi %iota3A, %add3A_36 : vector<16xi32>
    %convert_element_type3A_38 = arith.sitofp %add3A_37 : vector<16xi32> to vector<16xf32>
    %sub3A_39 = arith.subf %convert_element_type3A_38, %get3A_5 : vector<16xf32>
    %mul3A_40 = arith.mulf %sub3A_39, %get3A_3 : vector<16xf32>
    %swap3A_41 = arith.constant 64 : index
    %swap3A_42 = tpu.vector_load %arg9[%swap3A_41] {strides = array<i32>} : memref<256xf32, #tpu.memory_space<vmem>>, vector<16xf32>,
    tpu.vector_store %arg9[%swap3A_41], %mul3A_40 {strides = array<i32>} : memref<256xf32, #tpu.memory_space<vmem>>, vector<16xf32>,
    %add3A_43 = arith.constant 80 : i32
    %add3A_44 = vector.broadcast %add3A_43 : i32 to vector<16xi32>
    %add3A_45 = arith.addi %iota3A, %add3A_44 : vector<16xi32>
    %convert_element_type3A_46 = arith.sitofp %add3A_45 : vector<16xi32> to vector<16xf32>
    %sub3A_47 = arith.subf %convert_element_type3A_46, %get3A_5 : vector<16xf32>
    %mul3A_48 = arith.mulf %sub3A_47, %get3A_3 : vector<16xf32>
    %swap3A_49 = arith.constant 80 : index
    %swap3A_50 = tpu.vector_load %arg9[%swap3A_49] {strides = array<i32>} : memref<256xf32, #tpu.memory_space<vmem>>, vector<16xf32>,
    tpu.vector_store %arg9[%swap3A_49], %mul3A_48 {strides = array<i32>} : memref<256xf32, #tpu.memory_space<vmem>>, vector<16xf32>,
    %add3A_51 = arith.constant 96 : i32
    %add3A_52 = vector.broadcast %add3A_51 : i32 to vector<16xi32>
    %add3A_53 = arith.addi %iota3A, %add3A_52 : vector<16xi32>
    %convert_element_type3A_54 = arith.sitofp %add3A_53 : vector<16xi32> to vector<16xf32>
    %sub3A_55 = arith.subf %convert_element_type3A_54, %get3A_5 : vector<16xf32>
    %mul3A_56 = arith.mulf %sub3A_55, %get3A_3 : vector<16xf32>
    %swap3A_57 = arith.constant 96 : index
    %swap3A_58 = tpu.vector_load %arg9[%swap3A_57] {strides = array<i32>} : memref<256xf32, #tpu.memory_space<vmem>>, vector<16xf32>,
    tpu.vector_store %arg9[%swap3A_57], %mul3A_56 {strides = array<i32>} : memref<256xf32, #tpu.memory_space<vmem>>, vector<16xf32>,
    %add3A_59 = arith.constant 112 : i32
    %add3A_60 = vector.broadcast %add3A_59 : i32 to vector<16xi32>
    %add3A_61 = arith.addi %iota3A, %add3A_60 : vector<16xi32>
    %convert_element_type3A_62 = arith.sitofp %add3A_61 : vector<16xi32> to vector<16xf32>
    %sub3A_63 = arith.subf %convert_element_type3A_62, %get3A_5 : vector<16xf32>
    %mul3A_64 = arith.mulf %sub3A_63, %get3A_3 : vector<16xf32>
    %swap3A_65 = arith.constant 112 : index
    %swap3A_66 = tpu.vector_load %arg9[%swap3A_65] {strides = array<i32>} : memref<256xf32, #tpu.memory_space<vmem>>, vector<16xf32>,
    tpu.vector_store %arg9[%swap3A_65], %mul3A_64 {strides = array<i32>} : memref<256xf32, #tpu.memory_space<vmem>>, vector<16xf32>,
    %add3A_67 = arith.constant 128 : i32
    %add3A_68 = vector.broadcast %add3A_67 : i32 to vector<16xi32>
    %add3A_69 = arith.addi %iota3A, %add3A_68 : vector<16xi32>
    %convert_element_type3A_70 = arith.sitofp %add3A_69 : vector<16xi32> to vector<16xf32>
    %sub3A_71 = arith.subf %convert_element_type3A_70, %get3A_5 : vector<16xf32>
    %mul3A_72 = arith.mulf %sub3A_71, %get3A_3 : vector<16xf32>
    %swap3A_73 = arith.constant 128 : index
    %swap3A_74 = tpu.vector_load %arg9[%swap3A_73] {strides = array<i32>} : memref<256xf32, #tpu.memory_space<vmem>>, vector<16xf32>,
    tpu.vector_store %arg9[%swap3A_73], %mul3A_72 {strides = array<i32>} : memref<256xf32, #tpu.memory_space<vmem>>, vector<16xf32>,
    %add3A_75 = arith.constant 144 : i32
    %add3A_76 = vector.broadcast %add3A_75 : i32 to vector<16xi32>
    %add3A_77 = arith.addi %iota3A, %add3A_76 : vector<16xi32>
    %convert_element_type3A_78 = arith.sitofp %add3A_77 : vector<16xi32> to vector<16xf32>
    %sub3A_79 = arith.subf %convert_element_type3A_78, %get3A_5 : vector<16xf32>
    %mul3A_80 = arith.mulf %sub3A_79, %get3A_3 : vector<16xf32>
    %swap3A_81 = arith.constant 144 : index
    %swap3A_82 = tpu.vector_load %arg9[%swap3A_81] {strides = array<i32>} : memref<256xf32, #tpu.memory_space<vmem>>, vector<16xf32>,
    tpu.vector_store %arg9[%swap3A_81], %mul3A_80 {strides = array<i32>} : memref<256xf32, #tpu.memory_space<vmem>>, vector<16xf32>,
    %add3A_83 = arith.constant 160 : i32
    %add3A_84 = vector.broadcast %add3A_83 : i32 to vector<16xi32>
    %add3A_85 = arith.addi %iota3A, %add3A_84 : vector<16xi32>
    %convert_element_type3A_86 = arith.sitofp %add3A_85 : vector<16xi32> to vector<16xf32>
    %sub3A_87 = arith.subf %convert_element_type3A_86, %get3A_5 : vector<16xf32>
    %mul3A_88 = arith.mulf %sub3A_87, %get3A_3 : vector<16xf32>
    %swap3A_89 = arith.constant 160 : index
    %swap3A_90 = tpu.vector_load %arg9[%swap3A_89] {strides = array<i32>} : memref<256xf32, #tpu.memory_space<vmem>>, vector<16xf32>,
    tpu.vector_store %arg9[%swap3A_89], %mul3A_88 {strides = array<i32>} : memref<256xf32, #tpu.memory_space<vmem>>, vector<16xf32>,
    %add3A_91 = arith.constant 176 : i32
    %add3A_92 = vector.broadcast %add3A_91 : i32 to vector<16xi32>
    %add3A_93 = arith.addi %iota3A, %add3A_92 : vector<16xi32>
    %convert_element_type3A_94 = arith.sitofp %add3A_93 : vector<16xi32> to vector<16xf32>
    %sub3A_95 = arith.subf %convert_element_type3A_94, %get3A_5 : vector<16xf32>
    %mul3A_96 = arith.mulf %sub3A_95, %get3A_3 : vector<16xf32>
    %swap3A_97 = arith.constant 176 : index
    %swap3A_98 = tpu.vector_load %arg9[%swap3A_97] {strides = array<i32>} : memref<256xf32, #tpu.memory_space<vmem>>, vector<16xf32>,
    tpu.vector_store %arg9[%swap3A_97], %mul3A_96 {strides = array<i32>} : memref<256xf32, #tpu.memory_space<vmem>>, vector<16xf32>,
    %add3A_99 = arith.constant 192 : i32
    %add3A_100 = vector.broadcast %add3A_99 : i32 to vector<16xi32>
    %add3A_101 = arith.addi %iota3A, %add3A_100 : vector<16xi32>
    %convert_element_type3A_102 = arith.sitofp %add3A_101 : vector<16xi32> to vector<16xf32>
    %sub3A_103 = arith.subf %convert_element_type3A_102, %get3A_5 : vector<16xf32>
    %mul3A_104 = arith.mulf %sub3A_103, %get3A_3 : vector<16xf32>
    %swap3A_105 = arith.constant 192 : index
    %swap3A_106 = tpu.vector_load %arg9[%swap3A_105] {strides = array<i32>} : memref<256xf32, #tpu.memory_space<vmem>>, vector<16xf32>,
    tpu.vector_store %arg9[%swap3A_105], %mul3A_104 {strides = array<i32>} : memref<256xf32, #tpu.memory_space<vmem>>, vector<16xf32>,
    %add3A_107 = arith.constant 208 : i32
    %add3A_108 = vector.broadcast %add3A_107 : i32 to vector<16xi32>
    %add3A_109 = arith.addi %iota3A, %add3A_108 : vector<16xi32>
    %convert_element_type3A_110 = arith.sitofp %add3A_109 : vector<16xi32> to vector<16xf32>
    %sub3A_111 = arith.subf %convert_element_type3A_110, %get3A_5 : vector<16xf32>
    %mul3A_112 = arith.mulf %sub3A_111, %get3A_3 : vector<16xf32>
    %swap3A_113 = arith.constant 208 : index
    %swap3A_114 = tpu.vector_load %arg9[%swap3A_113] {strides = array<i32>} : memref<256xf32, #tpu.memory_space<vmem>>, vector<16xf32>,
    tpu.vector_store %arg9[%swap3A_113], %mul3A_112 {strides = array<i32>} : memref<256xf32, #tpu.memory_space<vmem>>, vector<16xf32>,
    %add3A_115 = arith.constant 224 : i32
    %add3A_116 = vector.broadcast %add3A_115 : i32 to vector<16xi32>
    %add3A_117 = arith.addi %iota3A, %add3A_116 : vector<16xi32>
    %convert_element_type3A_118 = arith.sitofp %add3A_117 : vector<16xi32> to vector<16xf32>
    %sub3A_119 = arith.subf %convert_element_type3A_118, %get3A_5 : vector<16xf32>
    %mul3A_120 = arith.mulf %sub3A_119, %get3A_3 : vector<16xf32>
    %swap3A_121 = arith.constant 224 : index
    %swap3A_122 = tpu.vector_load %arg9[%swap3A_121] {strides = array<i32>} : memref<256xf32, #tpu.memory_space<vmem>>, vector<16xf32>,
    tpu.vector_store %arg9[%swap3A_121], %mul3A_120 {strides = array<i32>} : memref<256xf32, #tpu.memory_space<vmem>>, vector<16xf32>,
    %add3A_123 = arith.constant 240 : i32
    %add3A_124 = vector.broadcast %add3A_123 : i32 to vector<16xi32>
    %add3A_125 = arith.addi %iota3A, %add3A_124 : vector<16xi32>
    %convert_element_type3A_126 = arith.sitofp %add3A_125 : vector<16xi32> to vector<16xf32>
    %sub3A_127 = arith.subf %convert_element_type3A_126, %get3A_5 : vector<16xf32>
    %mul3A_128 = arith.mulf %sub3A_127, %get3A_3 : vector<16xf32>
    %swap3A_129 = arith.constant 240 : index
    %swap3A_130 = tpu.vector_load %arg9[%swap3A_129] {strides = array<i32>} : memref<256xf32, #tpu.memory_space<vmem>>, vector<16xf32>,
    tpu.vector_store %arg9[%swap3A_129], %mul3A_128 {strides = array<i32>} : memref<256xf32, #tpu.memory_space<vmem>>, vector<16xf32>,
    %dma_start3A = arith.constant 0 : i32
    %dma_start3A_131 = arith.constant 0 : i32
    %dma_start3A_132 = arith.constant 0 : i32
    %dma_start3A_133 = arith.constant 0 : i32
    %dma_start3A_134 = tpu.memref_slice %arg7[%dma_start3A_131, %dma_start3A_132, %dma_start3A_133] : memref<5x128x32xi32, #tpu.memory_space<vmem>> -> memref<1x128x32xi32, #tpu.memory_space<vmem>>
    %dma_start3A_135 = tpu.memref_squeeze %dma_start3A_134 : memref<1x128x32xi32, #tpu.memory_space<vmem>> -> memref<128x32xi32, #tpu.memory_space<vmem>>
    %dma_start3A_136 = arith.constant 0 : i32
    %dma_start3A_137 = tpu.memref_slice %arg6[%dma_start3A, %dma_start3A_136] : memref<50x128xi32, #tpu.memory_space<vmem>> -> memref<1x128xi32, #tpu.memory_space<vmem>>
    %dma_start3A_138 = tpu.memref_squeeze %dma_start3A_137 : memref<1x128xi32, #tpu.memory_space<vmem>> -> memref<128xi32, #tpu.memory_space<vmem>>
    %dma_start3A_139 = arith.constant 0 : i32
    %dma_start3A_140 = arith.constant 0 : i32
    %dma_start3A_141 = tpu.memref_slice %arg3[%dma_start3A_139, %dma_start3A_140] : memref<100000x32xi32, #tpu.memory_space<hbm>> -> memref<100000x32xi32, #tpu.memory_space<hbm>>
    tpu.enqueue_indirect_dma source(%dma_start3A_141 : memref<100000x32xi32, #tpu.memory_space<hbm>>) target(%dma_start3A_135 : memref<128x32xi32, #tpu.memory_space<vmem>>) offsets(%dma_start3A_138 : memref<128xi32, #tpu.memory_space<vmem>>) semaphore(%arg11 : memref<!tpu.dma_semaphore, #tpu.memory_space<semaphore_mem>>)
    %dma_start3A_142 = arith.constant 1 : i32
    %dma_start3A_143 = arith.constant 1 : i32
    %dma_start3A_144 = arith.constant 0 : i32
    %dma_start3A_145 = arith.constant 0 : i32
    %dma_start3A_146 = tpu.memref_slice %arg7[%dma_start3A_143, %dma_start3A_144, %dma_start3A_145] : memref<5x128x32xi32, #tpu.memory_space<vmem>> -> memref<1x128x32xi32, #tpu.memory_space<vmem>>
    %dma_start3A_147 = tpu.memref_squeeze %dma_start3A_146 : memref<1x128x32xi32, #tpu.memory_space<vmem>> -> memref<128x32xi32, #tpu.memory_space<vmem>>
    %dma_start3A_148 = arith.constant 0 : i32
    %dma_start3A_149 = tpu.memref_slice %arg6[%dma_start3A_142, %dma_start3A_148] : memref<50x128xi32, #tpu.memory_space<vmem>> -> memref<1x128xi32, #tpu.memory_space<vmem>>
    %dma_start3A_150 = tpu.memref_squeeze %dma_start3A_149 : memref<1x128xi32, #tpu.memory_space<vmem>> -> memref<128xi32, #tpu.memory_space<vmem>>
    %dma_start3A_151 = arith.constant 0 : i32
    %dma_start3A_152 = arith.constant 0 : i32
    %dma_start3A_153 = tpu.memref_slice %arg3[%dma_start3A_151, %dma_start3A_152] : memref<100000x32xi32, #tpu.memory_space<hbm>> -> memref<100000x32xi32, #tpu.memory_space<hbm>>
    tpu.enqueue_indirect_dma source(%dma_start3A_153 : memref<100000x32xi32, #tpu.memory_space<hbm>>) target(%dma_start3A_147 : memref<128x32xi32, #tpu.memory_space<vmem>>) offsets(%dma_start3A_150 : memref<128xi32, #tpu.memory_space<vmem>>) semaphore(%arg12 : memref<!tpu.dma_semaphore, #tpu.memory_space<semaphore_mem>>)
    %dma_start3A_154 = arith.constant 2 : i32
    %dma_start3A_155 = arith.constant 2 : i32
    %dma_start3A_156 = arith.constant 0 : i32
    %dma_start3A_157 = arith.constant 0 : i32
    %dma_start3A_158 = tpu.memref_slice %arg7[%dma_start3A_155, %dma_start3A_156, %dma_start3A_157] : memref<5x128x32xi32, #tpu.memory_space<vmem>> -> memref<1x128x32xi32, #tpu.memory_space<vmem>>
    %dma_start3A_159 = tpu.memref_squeeze %dma_start3A_158 : memref<1x128x32xi32, #tpu.memory_space<vmem>> -> memref<128x32xi32, #tpu.memory_space<vmem>>
    %dma_start3A_160 = arith.constant 0 : i32
    %dma_start3A_161 = tpu.memref_slice %arg6[%dma_start3A_154, %dma_start3A_160] : memref<50x128xi32, #tpu.memory_space<vmem>> -> memref<1x128xi32, #tpu.memory_space<vmem>>
    %dma_start3A_162 = tpu.memref_squeeze %dma_start3A_161 : memref<1x128xi32, #tpu.memory_space<vmem>> -> memref<128xi32, #tpu.memory_space<vmem>>
    %dma_start3A_163 = arith.constant 0 : i32
    %dma_start3A_164 = arith.constant 0 : i32
    %dma_start3A_165 = tpu.memref_slice %arg3[%dma_start3A_163, %dma_start3A_164] : memref<100000x32xi32, #tpu.memory_space<hbm>> -> memref<100000x32xi32, #tpu.memory_space<hbm>>
    tpu.enqueue_indirect_dma source(%dma_start3A_165 : memref<100000x32xi32, #tpu.memory_space<hbm>>) target(%dma_start3A_159 : memref<128x32xi32, #tpu.memory_space<vmem>>) offsets(%dma_start3A_162 : memref<128xi32, #tpu.memory_space<vmem>>) semaphore(%arg13 : memref<!tpu.dma_semaphore, #tpu.memory_space<semaphore_mem>>)
    %dma_start3A_166 = arith.constant 3 : i32
    %dma_start3A_167 = arith.constant 3 : i32
    %dma_start3A_168 = arith.constant 0 : i32
    %dma_start3A_169 = arith.constant 0 : i32
    %dma_start3A_170 = tpu.memref_slice %arg7[%dma_start3A_167, %dma_start3A_168, %dma_start3A_169] : memref<5x128x32xi32, #tpu.memory_space<vmem>> -> memref<1x128x32xi32, #tpu.memory_space<vmem>>
    %dma_start3A_171 = tpu.memref_squeeze %dma_start3A_170 : memref<1x128x32xi32, #tpu.memory_space<vmem>> -> memref<128x32xi32, #tpu.memory_space<vmem>>
    %dma_start3A_172 = arith.constant 0 : i32
    %dma_start3A_173 = tpu.memref_slice %arg6[%dma_start3A_166, %dma_start3A_172] : memref<50x128xi32, #tpu.memory_space<vmem>> -> memref<1x128xi32, #tpu.memory_space<vmem>>
    %dma_start3A_174 = tpu.memref_squeeze %dma_start3A_173 : memref<1x128xi32, #tpu.memory_space<vmem>> -> memref<128xi32, #tpu.memory_space<vmem>>
    %dma_start3A_175 = arith.constant 0 : i32
    %dma_start3A_176 = arith.constant 0 : i32
    %dma_start3A_177 = tpu.memref_slice %arg3[%dma_start3A_175, %dma_start3A_176] : memref<100000x32xi32, #tpu.memory_space<hbm>> -> memref<100000x32xi32, #tpu.memory_space<hbm>>
    tpu.enqueue_indirect_dma source(%dma_start3A_177 : memref<100000x32xi32, #tpu.memory_space<hbm>>) target(%dma_start3A_171 : memref<128x32xi32, #tpu.memory_space<vmem>>) offsets(%dma_start3A_174 : memref<128xi32, #tpu.memory_space<vmem>>) semaphore(%arg14 : memref<!tpu.dma_semaphore, #tpu.memory_space<semaphore_mem>>)
    %scan3A = arith.constant 0 : i32
    %scan3A_178 = arith.constant 10 : i32
    %scan3A_179 = arith.addi %scan3A, %scan3A_178 : i32
    %scan3A_180 = arith.constant 1 : i32
    scf.for %scan3A_236 = %scan3A to %scan3A_179 step %scan3A_180  : i32 {
      %mul3A_237 = arith.constant 5 : i32
      %mul3A_238 = arith.muli %scan3A_236, %mul3A_237 : i32
      %add3A_239 = arith.constant 0 : i32
      %add3A_240 = arith.addi %add3A_239, %mul3A_238 : i32
      %add3A_241 = arith.constant 0 : i32
      %add3A_242 = arith.addi %add3A_240, %add3A_241 : i32
      %add3A_243 = arith.constant 5 : i32
      %add3A_244 = arith.addi %add3A_242, %add3A_243 : i32
      %sub3A_245 = arith.constant 1 : i32
      %sub3A_246 = arith.subi %add3A_244, %sub3A_245 : i32
      %lt3A = arith.constant 50 : i32
      %lt3A_247 = arith.cmpi slt, %sub3A_246, %lt3A : i32
      %convert_element_type3A_248 = arith.extui %lt3A_247 : i1 to i32
      %cond3A = arith.constant 0 : i32
      %cond3A_249 = arith.cmpi ne, %convert_element_type3A_248, %cond3A : i32
      scf.if %cond3A_249 {
        %add3A_447 = arith.constant 5 : i32
        %add3A_448 = arith.addi %add3A_242, %add3A_447 : i32
        %sub3A_449 = arith.constant 1 : i32
        %sub3A_450 = arith.subi %add3A_448, %sub3A_449 : i32
        %dma_start3A_451 = arith.constant 4 : i32
        %dma_start3A_452 = arith.constant 0 : i32
        %dma_start3A_453 = arith.constant 0 : i32
        %dma_start3A_454 = tpu.memref_slice %arg7[%dma_start3A_451, %dma_start3A_452, %dma_start3A_453] : memref<5x128x32xi32, #tpu.memory_space<vmem>> -> memref<1x128x32xi32, #tpu.memory_space<vmem>>
        %dma_start3A_455 = tpu.memref_squeeze %dma_start3A_454 : memref<1x128x32xi32, #tpu.memory_space<vmem>> -> memref<128x32xi32, #tpu.memory_space<vmem>>
        %dma_start3A_456 = arith.constant 0 : i32
        %dma_start3A_457 = tpu.memref_slice %arg6[%sub3A_450, %dma_start3A_456] : memref<50x128xi32, #tpu.memory_space<vmem>> -> memref<1x128xi32, #tpu.memory_space<vmem>>
        %dma_start3A_458 = tpu.memref_squeeze %dma_start3A_457 : memref<1x128xi32, #tpu.memory_space<vmem>> -> memref<128xi32, #tpu.memory_space<vmem>>
        %dma_start3A_459 = arith.constant 0 : i32
        %dma_start3A_460 = arith.constant 0 : i32
        %dma_start3A_461 = tpu.memref_slice %arg3[%dma_start3A_459, %dma_start3A_460] : memref<100000x32xi32, #tpu.memory_space<hbm>> -> memref<100000x32xi32, #tpu.memory_space<hbm>>
        tpu.enqueue_indirect_dma source(%dma_start3A_461 : memref<100000x32xi32, #tpu.memory_space<hbm>>) target(%dma_start3A_455 : memref<128x32xi32, #tpu.memory_space<vmem>>) offsets(%dma_start3A_458 : memref<128xi32, #tpu.memory_space<vmem>>) semaphore(%arg15 : memref<!tpu.dma_semaphore, #tpu.memory_space<semaphore_mem>>)
      } else {
      }
      %dma_wait3A_250 = arith.constant 0 : i32
      %dma_wait3A_251 = arith.constant 0 : i32
      %dma_wait3A_252 = arith.constant 0 : i32
      %dma_wait3A_253 = tpu.memref_slice %arg7[%dma_wait3A_250, %dma_wait3A_251, %dma_wait3A_252] : memref<5x128x32xi32, #tpu.memory_space<vmem>> -> memref<1x128x32xi32, #tpu.memory_space<vmem>>
      %dma_wait3A_254 = tpu.memref_squeeze %dma_wait3A_253 : memref<1x128x32xi32, #tpu.memory_space<vmem>> -> memref<128x32xi32, #tpu.memory_space<vmem>>
      %dma_wait3A_255 = arith.constant 0 : i32
      %dma_wait3A_256 = tpu.memref_slice %arg6[%add3A_242, %dma_wait3A_255] : memref<50x128xi32, #tpu.memory_space<vmem>> -> memref<1x128xi32, #tpu.memory_space<vmem>>
      %dma_wait3A_257 = tpu.memref_squeeze %dma_wait3A_256 : memref<1x128xi32, #tpu.memory_space<vmem>> -> memref<128xi32, #tpu.memory_space<vmem>>
      %dma_wait3A_258 = arith.constant 0 : i32
      %dma_wait3A_259 = arith.constant 0 : i32
      %dma_wait3A_260 = tpu.memref_slice %arg3[%dma_wait3A_258, %dma_wait3A_259] : memref<100000x32xi32, #tpu.memory_space<hbm>> -> memref<100000x32xi32, #tpu.memory_space<hbm>>
      tpu.wait_indirect_dma semaphore(%arg11 : memref<!tpu.dma_semaphore, #tpu.memory_space<semaphore_mem>>) src(%dma_wait3A_260 : memref<100000x32xi32, #tpu.memory_space<hbm>>) dst(%dma_wait3A_254 : memref<128x32xi32, #tpu.memory_space<vmem>>)
      %ge3A = arith.constant 5 : i32
      %ge3A_261 = arith.cmpi sge, %add3A_242, %ge3A : i32
      %convert_element_type3A_262 = arith.extui %ge3A_261 : i1 to i32
      %cond3A_263 = arith.constant 0 : i32
      %cond3A_264 = arith.cmpi ne, %convert_element_type3A_262, %cond3A_263 : i32
      scf.if %cond3A_264 {
        %sub3A_447 = arith.constant 5 : i32
        %sub3A_448 = arith.subi %add3A_242, %sub3A_447 : i32
        %mul3A_449 = arith.constant 16384 : i32
        %mul3A_450 = arith.muli %add3A, %mul3A_449 : i32
        %multiple_of3A_451 = tpu.assume_multiple %mul3A_450, 8 : i32
        %mul3A_452 = arith.constant 524288 : i32
        %mul3A_453 = arith.muli %sub3A_448, %mul3A_452 : i32
        %add3A_454 = arith.addi %multiple_of3A_451, %mul3A_453 : i32
        %dma_wait3A_455 = arith.constant 0 : i32
        %dma_wait3A_456 = tpu.memref_slice %arg8[%dma_wait3A_455] : memref<81920xf32, #tpu.memory_space<vmem>> -> memref<16384xf32, #tpu.memory_space<vmem>>
        %dma_wait3A_457 = tpu.memref_slice %arg5[%add3A_454] : memref<26214400xf32, #tpu.memory_space<hbm>> -> memref<16384xf32, #tpu.memory_space<hbm>>
        %dma_wait3A_458 = tpu.memref_slice %arg5[%add3A_454] : memref<26214400xf32, #tpu.memory_space<hbm>> -> memref<16384xf32, #tpu.memory_space<hbm>>
        %dma_wait3A_459 = arith.constant 0 : i32
        %dma_wait3A_460 = tpu.memref_slice %arg8[%dma_wait3A_459] : memref<81920xf32, #tpu.memory_space<vmem>> -> memref<16384xf32, #tpu.memory_space<vmem>>
        tpu.wait_dma2 semaphore(%arg16 : memref<!tpu.dma_semaphore, #tpu.memory_space<semaphore_mem>>) src(%dma_wait3A_460 : memref<16384xf32, #tpu.memory_space<vmem>>) dst(%dma_wait3A_458 : memref<16384xf32, #tpu.memory_space<hbm>>)
      } else {
      }
      %parallel_loop3A = arith.constant 0 : i32
      %parallel_loop3A_265 = arith.constant 128 : i32
      %parallel_loop3A_266 = arith.constant 1 : i32
      scf.for %parallel_loop3A_447 = %parallel_loop3A to %parallel_loop3A_265 step %parallel_loop3A_266  : i32 {
        %parallel_loop3A_448 = arith.constant 0 : i32
        %parallel_loop3A_449 = arith.addi %parallel_loop3A_448, %parallel_loop3A_447 : i32
        %parallel_loop3A_450 = arith.constant 128 : i32
        %parallel_loop3A_451 = arith.muli %parallel_loop3A_449, %parallel_loop3A_450 : i32
        %parallel_loop3A_452 = arith.constant 0 : i32
        %parallel_loop3A_453 = arith.index_cast %parallel_loop3A_452 : i32 to index
        %parallel_loop3A_454 = arith.index_cast %parallel_loop3A_447 : i32 to index
        %parallel_loop3A_455 = arith.constant 0 : index
        %parallel_loop3A_456 = tpu.vector_load %arg7[%parallel_loop3A_453, %parallel_loop3A_454, %parallel_loop3A_455] {strides = array<i32>} : memref<5x128x32xi32, #tpu.memory_space<vmem>>, vector<16xi32>,
        %parallel_loop3A_457 = arith.constant 255 : i32
        %parallel_loop3A_458 = vector.broadcast %parallel_loop3A_457 : i32 to vector<16xi32>
        %parallel_loop3A_459 = arith.andi %parallel_loop3A_456, %parallel_loop3A_458 : vector<16xi32>
        %parallel_loop3A_460 = arith.sitofp %parallel_loop3A_459 : vector<16xi32> to vector<16xf32>
        %parallel_loop3A_461 = arith.subf %parallel_loop3A_460, %get3A_5 : vector<16xf32>
        %parallel_loop3A_462 = arith.mulf %parallel_loop3A_461, %get3A_3 : vector<16xf32>
        %parallel_loop3A_463 = arith.constant 0 : i32
        %parallel_loop3A_464 = arith.addi %parallel_loop3A_451, %parallel_loop3A_463 : i32
        %parallel_loop3A_465 = arith.constant 0 : i32
        %parallel_loop3A_466 = arith.addi %parallel_loop3A_464, %parallel_loop3A_465 : i32
        %parallel_loop3A_467 = arith.index_cast %parallel_loop3A_466 : i32 to index
        %parallel_loop3A_468 = tpu.vector_load %arg8[%parallel_loop3A_467] {strides = array<i32>} : memref<81920xf32, #tpu.memory_space<vmem>>, vector<16xf32>,
        tpu.vector_store %arg8[%parallel_loop3A_467], %parallel_loop3A_462 {strides = array<i32>} : memref<81920xf32, #tpu.memory_space<vmem>>, vector<16xf32>,
        %parallel_loop3A_469 = arith.constant 8 : i32
        %parallel_loop3A_470 = vector.broadcast %parallel_loop3A_469 : i32 to vector<16xi32>
        %parallel_loop3A_471 = arith.shrui %parallel_loop3A_456, %parallel_loop3A_470 : vector<16xi32>
        %parallel_loop3A_472 = arith.constant 255 : i32
        %parallel_loop3A_473 = vector.broadcast %parallel_loop3A_472 : i32 to vector<16xi32>
        %parallel_loop3A_474 = arith.andi %parallel_loop3A_471, %parallel_loop3A_473 : vector<16xi32>
        %parallel_loop3A_475 = tpu.vector_load_idx %arg9[%parallel_loop3A_474] : memref<256xf32, #tpu.memory_space<vmem>>[vector<16xi32>], vector<16xf32>,
        %parallel_loop3A_476 = arith.constant 32 : i32
        %parallel_loop3A_477 = arith.addi %parallel_loop3A_451, %parallel_loop3A_476 : i32
        %parallel_loop3A_478 = arith.constant 0 : i32
        %parallel_loop3A_479 = arith.addi %parallel_loop3A_477, %parallel_loop3A_478 : i32
        %parallel_loop3A_480 = arith.index_cast %parallel_loop3A_479 : i32 to index
        %parallel_loop3A_481 = tpu.vector_load %arg8[%parallel_loop3A_480] {strides = array<i32>} : memref<81920xf32, #tpu.memory_space<vmem>>, vector<16xf32>,
        tpu.vector_store %arg8[%parallel_loop3A_480], %parallel_loop3A_475 {strides = array<i32>} : memref<81920xf32, #tpu.memory_space<vmem>>, vector<16xf32>,
        %parallel_loop3A_482 = arith.constant 16 : i32
        %parallel_loop3A_483 = vector.broadcast %parallel_loop3A_482 : i32 to vector<16xi32>
        %parallel_loop3A_484 = arith.shrui %parallel_loop3A_456, %parallel_loop3A_483 : vector<16xi32>
        %parallel_loop3A_485 = arith.constant 255 : i32
        %parallel_loop3A_486 = vector.broadcast %parallel_loop3A_485 : i32 to vector<16xi32>
        %parallel_loop3A_487 = arith.andi %parallel_loop3A_484, %parallel_loop3A_486 : vector<16xi32>
        %parallel_loop3A_488 = tpu.vector_load_idx %arg9[%parallel_loop3A_487] : memref<256xf32, #tpu.memory_space<vmem>>[vector<16xi32>], vector<16xf32>,
        %parallel_loop3A_489 = arith.constant 64 : i32
        %parallel_loop3A_490 = arith.addi %parallel_loop3A_451, %parallel_loop3A_489 : i32
        %parallel_loop3A_491 = arith.constant 0 : i32
        %parallel_loop3A_492 = arith.addi %parallel_loop3A_490, %parallel_loop3A_491 : i32
        %parallel_loop3A_493 = arith.index_cast %parallel_loop3A_492 : i32 to index
        %parallel_loop3A_494 = tpu.vector_load %arg8[%parallel_loop3A_493] {strides = array<i32>} : memref<81920xf32, #tpu.memory_space<vmem>>, vector<16xf32>,
        tpu.vector_store %arg8[%parallel_loop3A_493], %parallel_loop3A_488 {strides = array<i32>} : memref<81920xf32, #tpu.memory_space<vmem>>, vector<16xf32>,
        %parallel_loop3A_495 = arith.constant 24 : i32
        %parallel_loop3A_496 = vector.broadcast %parallel_loop3A_495 : i32 to vector<16xi32>
        %parallel_loop3A_497 = arith.shrui %parallel_loop3A_456, %parallel_loop3A_496 : vector<16xi32>
        %parallel_loop3A_498 = arith.sitofp %parallel_loop3A_497 : vector<16xi32> to vector<16xf32>
        %parallel_loop3A_499 = arith.subf %parallel_loop3A_498, %get3A_5 : vector<16xf32>
        %parallel_loop3A_500 = arith.mulf %parallel_loop3A_499, %get3A_3 : vector<16xf32>
        %parallel_loop3A_501 = arith.constant 96 : i32
        %parallel_loop3A_502 = arith.addi %parallel_loop3A_451, %parallel_loop3A_501 : i32
        %parallel_loop3A_503 = arith.constant 0 : i32
        %parallel_loop3A_504 = arith.addi %parallel_loop3A_502, %parallel_loop3A_503 : i32
        %parallel_loop3A_505 = arith.index_cast %parallel_loop3A_504 : i32 to index
        %parallel_loop3A_506 = tpu.vector_load %arg8[%parallel_loop3A_505] {strides = array<i32>} : memref<81920xf32, #tpu.memory_space<vmem>>, vector<16xf32>,
        tpu.vector_store %arg8[%parallel_loop3A_505], %parallel_loop3A_500 {strides = array<i32>} : memref<81920xf32, #tpu.memory_space<vmem>>, vector<16xf32>,
        %parallel_loop3A_507 = arith.constant 0 : i32
        %parallel_loop3A_508 = arith.index_cast %parallel_loop3A_507 : i32 to index
        %parallel_loop3A_509 = arith.index_cast %parallel_loop3A_447 : i32 to index
        %parallel_loop3A_510 = arith.constant 16 : index
        %parallel_loop3A_511 = tpu.vector_load %arg7[%parallel_loop3A_508, %parallel_loop3A_509, %parallel_loop3A_510] {strides = array<i32>} : memref<5x128x32xi32, #tpu.memory_space<vmem>>, vector<16xi32>,
        %parallel_loop3A_512 = arith.constant 255 : i32
        %parallel_loop3A_513 = vector.broadcast %parallel_loop3A_512 : i32 to vector<16xi32>
        %parallel_loop3A_514 = arith.andi %parallel_loop3A_511, %parallel_loop3A_513 : vector<16xi32>
        %parallel_loop3A_515 = arith.sitofp %parallel_loop3A_514 : vector<16xi32> to vector<16xf32>
        %parallel_loop3A_516 = arith.subf %parallel_loop3A_515, %get3A_5 : vector<16xf32>
        %parallel_loop3A_517 = arith.mulf %parallel_loop3A_516, %get3A_3 : vector<16xf32>
        %parallel_loop3A_518 = arith.constant 0 : i32
        %parallel_loop3A_519 = arith.addi %parallel_loop3A_451, %parallel_loop3A_518 : i32
        %parallel_loop3A_520 = arith.constant 16 : i32
        %parallel_loop3A_521 = arith.addi %parallel_loop3A_519, %parallel_loop3A_520 : i32
        %parallel_loop3A_522 = arith.index_cast %parallel_loop3A_521 : i32 to index
        %parallel_loop3A_523 = tpu.vector_load %arg8[%parallel_loop3A_522] {strides = array<i32>} : memref<81920xf32, #tpu.memory_space<vmem>>, vector<16xf32>,
        tpu.vector_store %arg8[%parallel_loop3A_522], %parallel_loop3A_517 {strides = array<i32>} : memref<81920xf32, #tpu.memory_space<vmem>>, vector<16xf32>,
        %parallel_loop3A_524 = arith.constant 8 : i32
        %parallel_loop3A_525 = vector.broadcast %parallel_loop3A_524 : i32 to vector<16xi32>
        %parallel_loop3A_526 = arith.shrui %parallel_loop3A_511, %parallel_loop3A_525 : vector<16xi32>
        %parallel_loop3A_527 = arith.constant 255 : i32
        %parallel_loop3A_528 = vector.broadcast %parallel_loop3A_527 : i32 to vector<16xi32>
        %parallel_loop3A_529 = arith.andi %parallel_loop3A_526, %parallel_loop3A_528 : vector<16xi32>
        %parallel_loop3A_530 = tpu.vector_load_idx %arg9[%parallel_loop3A_529] : memref<256xf32, #tpu.memory_space<vmem>>[vector<16xi32>], vector<16xf32>,
        %parallel_loop3A_531 = arith.constant 32 : i32
        %parallel_loop3A_532 = arith.addi %parallel_loop3A_451, %parallel_loop3A_531 : i32
        %parallel_loop3A_533 = arith.constant 16 : i32
        %parallel_loop3A_534 = arith.addi %parallel_loop3A_532, %parallel_loop3A_533 : i32
        %parallel_loop3A_535 = arith.index_cast %parallel_loop3A_534 : i32 to index
        %parallel_loop3A_536 = tpu.vector_load %arg8[%parallel_loop3A_535] {strides = array<i32>} : memref<81920xf32, #tpu.memory_space<vmem>>, vector<16xf32>,
        tpu.vector_store %arg8[%parallel_loop3A_535], %parallel_loop3A_530 {strides = array<i32>} : memref<81920xf32, #tpu.memory_space<vmem>>, vector<16xf32>,
        %parallel_loop3A_537 = arith.constant 16 : i32
        %parallel_loop3A_538 = vector.broadcast %parallel_loop3A_537 : i32 to vector<16xi32>
        %parallel_loop3A_539 = arith.shrui %parallel_loop3A_511, %parallel_loop3A_538 : vector<16xi32>
        %parallel_loop3A_540 = arith.constant 255 : i32
        %parallel_loop3A_541 = vector.broadcast %parallel_loop3A_540 : i32 to vector<16xi32>
        %parallel_loop3A_542 = arith.andi %parallel_loop3A_539, %parallel_loop3A_541 : vector<16xi32>
        %parallel_loop3A_543 = tpu.vector_load_idx %arg9[%parallel_loop3A_542] : memref<256xf32, #tpu.memory_space<vmem>>[vector<16xi32>], vector<16xf32>,
        %parallel_loop3A_544 = arith.constant 64 : i32
        %parallel_loop3A_545 = arith.addi %parallel_loop3A_451, %parallel_loop3A_544 : i32
        %parallel_loop3A_546 = arith.constant 16 : i32
        %parallel_loop3A_547 = arith.addi %parallel_loop3A_545, %parallel_loop3A_546 : i32
        %parallel_loop3A_548 = arith.index_cast %parallel_loop3A_547 : i32 to index
        %parallel_loop3A_549 = tpu.vector_load %arg8[%parallel_loop3A_548] {strides = array<i32>} : memref<81920xf32, #tpu.memory_space<vmem>>, vector<16xf32>,
        tpu.vector_store %arg8[%parallel_loop3A_548], %parallel_loop3A_543 {strides = array<i32>} : memref<81920xf32, #tpu.memory_space<vmem>>, vector<16xf32>,
        %parallel_loop3A_550 = arith.constant 24 : i32
        %parallel_loop3A_551 = vector.broadcast %parallel_loop3A_550 : i32 to vector<16xi32>
        %parallel_loop3A_552 = arith.shrui %parallel_loop3A_511, %parallel_loop3A_551 : vector<16xi32>
        %parallel_loop3A_553 = arith.sitofp %parallel_loop3A_552 : vector<16xi32> to vector<16xf32>
        %parallel_loop3A_554 = arith.subf %parallel_loop3A_553, %get3A_5 : vector<16xf32>
        %parallel_loop3A_555 = arith.mulf %parallel_loop3A_554, %get3A_3 : vector<16xf32>
        %parallel_loop3A_556 = arith.constant 96 : i32
        %parallel_loop3A_557 = arith.addi %parallel_loop3A_451, %parallel_loop3A_556 : i32
        %parallel_loop3A_558 = arith.constant 16 : i32
        %parallel_loop3A_559 = arith.addi %parallel_loop3A_557, %parallel_loop3A_558 : i32
        %parallel_loop3A_560 = arith.index_cast %parallel_loop3A_559 : i32 to index
        %parallel_loop3A_561 = tpu.vector_load %arg8[%parallel_loop3A_560] {strides = array<i32>} : memref<81920xf32, #tpu.memory_space<vmem>>, vector<16xf32>,
        tpu.vector_store %arg8[%parallel_loop3A_560], %parallel_loop3A_555 {strides = array<i32>} : memref<81920xf32, #tpu.memory_space<vmem>>, vector<16xf32>,
      } {sc.loop_unroll_factor = 4 : i64, sc.parallel_access}
      %mul3A_267 = arith.constant 16384 : i32
      %mul3A_268 = arith.muli %add3A, %mul3A_267 : i32
      %multiple_of3A_269 = tpu.assume_multiple %mul3A_268, 8 : i32
      %mul3A_270 = arith.constant 524288 : i32
      %mul3A_271 = arith.muli %add3A_242, %mul3A_270 : i32
      %add3A_272 = arith.addi %multiple_of3A_269, %mul3A_271 : i32
      %dma_start3A_273 = arith.constant 0 : i32
      %dma_start3A_274 = tpu.memref_slice %arg8[%dma_start3A_273] : memref<81920xf32, #tpu.memory_space<vmem>> -> memref<16384xf32, #tpu.memory_space<vmem>>
      %dma_start3A_275 = tpu.memref_slice %arg5[%add3A_272] : memref<26214400xf32, #tpu.memory_space<hbm>> -> memref<16384xf32, #tpu.memory_space<hbm>>
      %dma_start3A_276 = tpu.memref_slice %arg5[%add3A_272] : memref<26214400xf32, #tpu.memory_space<hbm>> -> memref<16384xf32, #tpu.memory_space<hbm>>
      %dma_start3A_277 = arith.constant 0 : i32
      %dma_start3A_278 = tpu.memref_slice %arg8[%dma_start3A_277] : memref<81920xf32, #tpu.memory_space<vmem>> -> memref<16384xf32, #tpu.memory_space<vmem>>
      tpu.enqueue_dma source(%dma_start3A_278 : memref<16384xf32, #tpu.memory_space<vmem>>) target(%dma_start3A_276 : memref<16384xf32, #tpu.memory_space<hbm>>) target_semaphore(%arg16 : memref<!tpu.dma_semaphore, #tpu.memory_space<semaphore_mem>>)
      %add3A_279 = arith.constant 1 : i32
      %add3A_280 = arith.addi %add3A_240, %add3A_279 : i32
      %add3A_281 = arith.constant 5 : i32
      %add3A_282 = arith.addi %add3A_280, %add3A_281 : i32
      %sub3A_283 = arith.constant 1 : i32
      %sub3A_284 = arith.subi %add3A_282, %sub3A_283 : i32
      %lt3A_285 = arith.constant 50 : i32
      %lt3A_286 = arith.cmpi slt, %sub3A_284, %lt3A_285 : i32
      %convert_element_type3A_287 = arith.extui %lt3A_286 : i1 to i32
      %cond3A_288 = arith.constant 0 : i32
      %cond3A_289 = arith.cmpi ne, %convert_element_type3A_287, %cond3A_288 : i32
      scf.if %cond3A_289 {
        %add3A_447 = arith.constant 5 : i32
        %add3A_448 = arith.addi %add3A_280, %add3A_447 : i32
        %sub3A_449 = arith.constant 1 : i32
        %sub3A_450 = arith.subi %add3A_448, %sub3A_449 : i32
        %dma_start3A_451 = arith.constant 0 : i32
        %dma_start3A_452 = arith.constant 0 : i32
        %dma_start3A_453 = arith.constant 0 : i32
        %dma_start3A_454 = tpu.memref_slice %arg7[%dma_start3A_451, %dma_start3A_452, %dma_start3A_453] : memref<5x128x32xi32, #tpu.memory_space<vmem>> -> memref<1x128x32xi32, #tpu.memory_space<vmem>>
        %dma_start3A_455 = tpu.memref_squeeze %dma_start3A_454 : memref<1x128x32xi32, #tpu.memory_space<vmem>> -> memref<128x32xi32, #tpu.memory_space<vmem>>
        %dma_start3A_456 = arith.constant 0 : i32
        %dma_start3A_457 = tpu.memref_slice %arg6[%sub3A_450, %dma_start3A_456] : memref<50x128xi32, #tpu.memory_space<vmem>> -> memref<1x128xi32, #tpu.memory_space<vmem>>
        %dma_start3A_458 = tpu.memref_squeeze %dma_start3A_457 : memref<1x128xi32, #tpu.memory_space<vmem>> -> memref<128xi32, #tpu.memory_space<vmem>>
        %dma_start3A_459 = arith.constant 0 : i32
        %dma_start3A_460 = arith.constant 0 : i32
        %dma_start3A_461 = tpu.memref_slice %arg3[%dma_start3A_459, %dma_start3A_460] : memref<100000x32xi32, #tpu.memory_space<hbm>> -> memref<100000x32xi32, #tpu.memory_space<hbm>>
        tpu.enqueue_indirect_dma source(%dma_start3A_461 : memref<100000x32xi32, #tpu.memory_space<hbm>>) target(%dma_start3A_455 : memref<128x32xi32, #tpu.memory_space<vmem>>) offsets(%dma_start3A_458 : memref<128xi32, #tpu.memory_space<vmem>>) semaphore(%arg11 : memref<!tpu.dma_semaphore, #tpu.memory_space<semaphore_mem>>)
      } else {
      }
      %dma_wait3A_290 = arith.constant 1 : i32
      %dma_wait3A_291 = arith.constant 0 : i32
      %dma_wait3A_292 = arith.constant 0 : i32
      %dma_wait3A_293 = tpu.memref_slice %arg7[%dma_wait3A_290, %dma_wait3A_291, %dma_wait3A_292] : memref<5x128x32xi32, #tpu.memory_space<vmem>> -> memref<1x128x32xi32, #tpu.memory_space<vmem>>
      %dma_wait3A_294 = tpu.memref_squeeze %dma_wait3A_293 : memref<1x128x32xi32, #tpu.memory_space<vmem>> -> memref<128x32xi32, #tpu.memory_space<vmem>>
      %dma_wait3A_295 = arith.constant 0 : i32
      %dma_wait3A_296 = tpu.memref_slice %arg6[%add3A_280, %dma_wait3A_295] : memref<50x128xi32, #tpu.memory_space<vmem>> -> memref<1x128xi32, #tpu.memory_space<vmem>>
      %dma_wait3A_297 = tpu.memref_squeeze %dma_wait3A_296 : memref<1x128xi32, #tpu.memory_space<vmem>> -> memref<128xi32, #tpu.memory_space<vmem>>
      %dma_wait3A_298 = arith.constant 0 : i32
      %dma_wait3A_299 = arith.constant 0 : i32
      %dma_wait3A_300 = tpu.memref_slice %arg3[%dma_wait3A_298, %dma_wait3A_299] : memref<100000x32xi32, #tpu.memory_space<hbm>> -> memref<100000x32xi32, #tpu.memory_space<hbm>>
      tpu.wait_indirect_dma semaphore(%arg12 : memref<!tpu.dma_semaphore, #tpu.memory_space<semaphore_mem>>) src(%dma_wait3A_300 : memref<100000x32xi32, #tpu.memory_space<hbm>>) dst(%dma_wait3A_294 : memref<128x32xi32, #tpu.memory_space<vmem>>)
      %ge3A_301 = arith.constant 5 : i32
      %ge3A_302 = arith.cmpi sge, %add3A_280, %ge3A_301 : i32
      %convert_element_type3A_303 = arith.extui %ge3A_302 : i1 to i32
      %cond3A_304 = arith.constant 0 : i32
      %cond3A_305 = arith.cmpi ne, %convert_element_type3A_303, %cond3A_304 : i32
      scf.if %cond3A_305 {
        %sub3A_447 = arith.constant 5 : i32
        %sub3A_448 = arith.subi %add3A_280, %sub3A_447 : i32
        %mul3A_449 = arith.constant 16384 : i32
        %mul3A_450 = arith.muli %add3A, %mul3A_449 : i32
        %multiple_of3A_451 = tpu.assume_multiple %mul3A_450, 8 : i32
        %mul3A_452 = arith.constant 524288 : i32
        %mul3A_453 = arith.muli %sub3A_448, %mul3A_452 : i32
        %add3A_454 = arith.addi %multiple_of3A_451, %mul3A_453 : i32
        %dma_wait3A_455 = arith.constant 16384 : i32
        %dma_wait3A_456 = tpu.memref_slice %arg8[%dma_wait3A_455] : memref<81920xf32, #tpu.memory_space<vmem>> -> memref<16384xf32, #tpu.memory_space<vmem>>
        %dma_wait3A_457 = tpu.memref_slice %arg5[%add3A_454] : memref<26214400xf32, #tpu.memory_space<hbm>> -> memref<16384xf32, #tpu.memory_space<hbm>>
        %dma_wait3A_458 = tpu.memref_slice %arg5[%add3A_454] : memref<26214400xf32, #tpu.memory_space<hbm>> -> memref<16384xf32, #tpu.memory_space<hbm>>
        %dma_wait3A_459 = arith.constant 16384 : i32
        %dma_wait3A_460 = tpu.memref_slice %arg8[%dma_wait3A_459] : memref<81920xf32, #tpu.memory_space<vmem>> -> memref<16384xf32, #tpu.memory_space<vmem>>
        tpu.wait_dma2 semaphore(%arg17 : memref<!tpu.dma_semaphore, #tpu.memory_space<semaphore_mem>>) src(%dma_wait3A_460 : memref<16384xf32, #tpu.memory_space<vmem>>) dst(%dma_wait3A_458 : memref<16384xf32, #tpu.memory_space<hbm>>)
      } else {
      }
      %parallel_loop3A_306 = arith.constant 0 : i32
      %parallel_loop3A_307 = arith.constant 128 : i32
      %parallel_loop3A_308 = arith.constant 1 : i32
      scf.for %parallel_loop3A_447 = %parallel_loop3A_306 to %parallel_loop3A_307 step %parallel_loop3A_308  : i32 {
        %parallel_loop3A_448 = arith.constant 128 : i32
        %parallel_loop3A_449 = arith.addi %parallel_loop3A_448, %parallel_loop3A_447 : i32
        %parallel_loop3A_450 = arith.constant 128 : i32
        %parallel_loop3A_451 = arith.muli %parallel_loop3A_449, %parallel_loop3A_450 : i32
        %parallel_loop3A_452 = arith.constant 1 : i32
        %parallel_loop3A_453 = arith.index_cast %parallel_loop3A_452 : i32 to index
        %parallel_loop3A_454 = arith.index_cast %parallel_loop3A_447 : i32 to index
        %parallel_loop3A_455 = arith.constant 0 : index
        %parallel_loop3A_456 = tpu.vector_load %arg7[%parallel_loop3A_453, %parallel_loop3A_454, %parallel_loop3A_455] {strides = array<i32>} : memref<5x128x32xi32, #tpu.memory_space<vmem>>, vector<16xi32>,
        %parallel_loop3A_457 = arith.constant 255 : i32
        %parallel_loop3A_458 = vector.broadcast %parallel_loop3A_457 : i32 to vector<16xi32>
        %parallel_loop3A_459 = arith.andi %parallel_loop3A_456, %parallel_loop3A_458 : vector<16xi32>
        %parallel_loop3A_460 = arith.sitofp %parallel_loop3A_459 : vector<16xi32> to vector<16xf32>
        %parallel_loop3A_461 = arith.subf %parallel_loop3A_460, %get3A_5 : vector<16xf32>
        %parallel_loop3A_462 = arith.mulf %parallel_loop3A_461, %get3A_3 : vector<16xf32>
        %parallel_loop3A_463 = arith.constant 0 : i32
        %parallel_loop3A_464 = arith.addi %parallel_loop3A_451, %parallel_loop3A_463 : i32
        %parallel_loop3A_465 = arith.constant 0 : i32
        %parallel_loop3A_466 = arith.addi %parallel_loop3A_464, %parallel_loop3A_465 : i32
        %parallel_loop3A_467 = arith.index_cast %parallel_loop3A_466 : i32 to index
        %parallel_loop3A_468 = tpu.vector_load %arg8[%parallel_loop3A_467] {strides = array<i32>} : memref<81920xf32, #tpu.memory_space<vmem>>, vector<16xf32>,
        tpu.vector_store %arg8[%parallel_loop3A_467], %parallel_loop3A_462 {strides = array<i32>} : memref<81920xf32, #tpu.memory_space<vmem>>, vector<16xf32>,
        %parallel_loop3A_469 = arith.constant 8 : i32
        %parallel_loop3A_470 = vector.broadcast %parallel_loop3A_469 : i32 to vector<16xi32>
        %parallel_loop3A_471 = arith.shrui %parallel_loop3A_456, %parallel_loop3A_470 : vector<16xi32>
        %parallel_loop3A_472 = arith.constant 255 : i32
        %parallel_loop3A_473 = vector.broadcast %parallel_loop3A_472 : i32 to vector<16xi32>
        %parallel_loop3A_474 = arith.andi %parallel_loop3A_471, %parallel_loop3A_473 : vector<16xi32>
        %parallel_loop3A_475 = tpu.vector_load_idx %arg9[%parallel_loop3A_474] : memref<256xf32, #tpu.memory_space<vmem>>[vector<16xi32>], vector<16xf32>,
        %parallel_loop3A_476 = arith.constant 32 : i32
        %parallel_loop3A_477 = arith.addi %parallel_loop3A_451, %parallel_loop3A_476 : i32
        %parallel_loop3A_478 = arith.constant 0 : i32
        %parallel_loop3A_479 = arith.addi %parallel_loop3A_477, %parallel_loop3A_478 : i32
        %parallel_loop3A_480 = arith.index_cast %parallel_loop3A_479 : i32 to index
        %parallel_loop3A_481 = tpu.vector_load %arg8[%parallel_loop3A_480] {strides = array<i32>} : memref<81920xf32, #tpu.memory_space<vmem>>, vector<16xf32>,
        tpu.vector_store %arg8[%parallel_loop3A_480], %parallel_loop3A_475 {strides = array<i32>} : memref<81920xf32, #tpu.memory_space<vmem>>, vector<16xf32>,
        %parallel_loop3A_482 = arith.constant 16 : i32
        %parallel_loop3A_483 = vector.broadcast %parallel_loop3A_482 : i32 to vector<16xi32>
        %parallel_loop3A_484 = arith.shrui %parallel_loop3A_456, %parallel_loop3A_483 : vector<16xi32>
        %parallel_loop3A_485 = arith.constant 255 : i32
        %parallel_loop3A_486 = vector.broadcast %parallel_loop3A_485 : i32 to vector<16xi32>
        %parallel_loop3A_487 = arith.andi %parallel_loop3A_484, %parallel_loop3A_486 : vector<16xi32>
        %parallel_loop3A_488 = tpu.vector_load_idx %arg9[%parallel_loop3A_487] : memref<256xf32, #tpu.memory_space<vmem>>[vector<16xi32>], vector<16xf32>,
        %parallel_loop3A_489 = arith.constant 64 : i32
        %parallel_loop3A_490 = arith.addi %parallel_loop3A_451, %parallel_loop3A_489 : i32
        %parallel_loop3A_491 = arith.constant 0 : i32
        %parallel_loop3A_492 = arith.addi %parallel_loop3A_490, %parallel_loop3A_491 : i32
        %parallel_loop3A_493 = arith.index_cast %parallel_loop3A_492 : i32 to index
        %parallel_loop3A_494 = tpu.vector_load %arg8[%parallel_loop3A_493] {strides = array<i32>} : memref<81920xf32, #tpu.memory_space<vmem>>, vector<16xf32>,
        tpu.vector_store %arg8[%parallel_loop3A_493], %parallel_loop3A_488 {strides = array<i32>} : memref<81920xf32, #tpu.memory_space<vmem>>, vector<16xf32>,
        %parallel_loop3A_495 = arith.constant 24 : i32
        %parallel_loop3A_496 = vector.broadcast %parallel_loop3A_495 : i32 to vector<16xi32>
        %parallel_loop3A_497 = arith.shrui %parallel_loop3A_456, %parallel_loop3A_496 : vector<16xi32>
        %parallel_loop3A_498 = arith.sitofp %parallel_loop3A_497 : vector<16xi32> to vector<16xf32>
        %parallel_loop3A_499 = arith.subf %parallel_loop3A_498, %get3A_5 : vector<16xf32>
        %parallel_loop3A_500 = arith.mulf %parallel_loop3A_499, %get3A_3 : vector<16xf32>
        %parallel_loop3A_501 = arith.constant 96 : i32
        %parallel_loop3A_502 = arith.addi %parallel_loop3A_451, %parallel_loop3A_501 : i32
        %parallel_loop3A_503 = arith.constant 0 : i32
        %parallel_loop3A_504 = arith.addi %parallel_loop3A_502, %parallel_loop3A_503 : i32
        %parallel_loop3A_505 = arith.index_cast %parallel_loop3A_504 : i32 to index
        %parallel_loop3A_506 = tpu.vector_load %arg8[%parallel_loop3A_505] {strides = array<i32>} : memref<81920xf32, #tpu.memory_space<vmem>>, vector<16xf32>,
        tpu.vector_store %arg8[%parallel_loop3A_505], %parallel_loop3A_500 {strides = array<i32>} : memref<81920xf32, #tpu.memory_space<vmem>>, vector<16xf32>,
        %parallel_loop3A_507 = arith.constant 1 : i32
        %parallel_loop3A_508 = arith.index_cast %parallel_loop3A_507 : i32 to index
        %parallel_loop3A_509 = arith.index_cast %parallel_loop3A_447 : i32 to index
        %parallel_loop3A_510 = arith.constant 16 : index
        %parallel_loop3A_511 = tpu.vector_load %arg7[%parallel_loop3A_508, %parallel_loop3A_509, %parallel_loop3A_510] {strides = array<i32>} : memref<5x128x32xi32, #tpu.memory_space<vmem>>, vector<16xi32>,
        %parallel_loop3A_512 = arith.constant 255 : i32
        %parallel_loop3A_513 = vector.broadcast %parallel_loop3A_512 : i32 to vector<16xi32>
        %parallel_loop3A_514 = arith.andi %parallel_loop3A_511, %parallel_loop3A_513 : vector<16xi32>
        %parallel_loop3A_515 = arith.sitofp %parallel_loop3A_514 : vector<16xi32> to vector<16xf32>
        %parallel_loop3A_516 = arith.subf %parallel_loop3A_515, %get3A_5 : vector<16xf32>
        %parallel_loop3A_517 = arith.mulf %parallel_loop3A_516, %get3A_3 : vector<16xf32>
        %parallel_loop3A_518 = arith.constant 0 : i32
        %parallel_loop3A_519 = arith.addi %parallel_loop3A_451, %parallel_loop3A_518 : i32
        %parallel_loop3A_520 = arith.constant 16 : i32
        %parallel_loop3A_521 = arith.addi %parallel_loop3A_519, %parallel_loop3A_520 : i32
        %parallel_loop3A_522 = arith.index_cast %parallel_loop3A_521 : i32 to index
        %parallel_loop3A_523 = tpu.vector_load %arg8[%parallel_loop3A_522] {strides = array<i32>} : memref<81920xf32, #tpu.memory_space<vmem>>, vector<16xf32>,
        tpu.vector_store %arg8[%parallel_loop3A_522], %parallel_loop3A_517 {strides = array<i32>} : memref<81920xf32, #tpu.memory_space<vmem>>, vector<16xf32>,
        %parallel_loop3A_524 = arith.constant 8 : i32
        %parallel_loop3A_525 = vector.broadcast %parallel_loop3A_524 : i32 to vector<16xi32>
        %parallel_loop3A_526 = arith.shrui %parallel_loop3A_511, %parallel_loop3A_525 : vector<16xi32>
        %parallel_loop3A_527 = arith.constant 255 : i32
        %parallel_loop3A_528 = vector.broadcast %parallel_loop3A_527 : i32 to vector<16xi32>
        %parallel_loop3A_529 = arith.andi %parallel_loop3A_526, %parallel_loop3A_528 : vector<16xi32>
        %parallel_loop3A_530 = tpu.vector_load_idx %arg9[%parallel_loop3A_529] : memref<256xf32, #tpu.memory_space<vmem>>[vector<16xi32>], vector<16xf32>,
        %parallel_loop3A_531 = arith.constant 32 : i32
        %parallel_loop3A_532 = arith.addi %parallel_loop3A_451, %parallel_loop3A_531 : i32
        %parallel_loop3A_533 = arith.constant 16 : i32
        %parallel_loop3A_534 = arith.addi %parallel_loop3A_532, %parallel_loop3A_533 : i32
        %parallel_loop3A_535 = arith.index_cast %parallel_loop3A_534 : i32 to index
        %parallel_loop3A_536 = tpu.vector_load %arg8[%parallel_loop3A_535] {strides = array<i32>} : memref<81920xf32, #tpu.memory_space<vmem>>, vector<16xf32>,
        tpu.vector_store %arg8[%parallel_loop3A_535], %parallel_loop3A_530 {strides = array<i32>} : memref<81920xf32, #tpu.memory_space<vmem>>, vector<16xf32>,
        %parallel_loop3A_537 = arith.constant 16 : i32
        %parallel_loop3A_538 = vector.broadcast %parallel_loop3A_537 : i32 to vector<16xi32>
        %parallel_loop3A_539 = arith.shrui %parallel_loop3A_511, %parallel_loop3A_538 : vector<16xi32>
        %parallel_loop3A_540 = arith.constant 255 : i32
        %parallel_loop3A_541 = vector.broadcast %parallel_loop3A_540 : i32 to vector<16xi32>
        %parallel_loop3A_542 = arith.andi %parallel_loop3A_539, %parallel_loop3A_541 : vector<16xi32>
        %parallel_loop3A_543 = tpu.vector_load_idx %arg9[%parallel_loop3A_542] : memref<256xf32, #tpu.memory_space<vmem>>[vector<16xi32>], vector<16xf32>,
        %parallel_loop3A_544 = arith.constant 64 : i32
        %parallel_loop3A_545 = arith.addi %parallel_loop3A_451, %parallel_loop3A_544 : i32
        %parallel_loop3A_546 = arith.constant 16 : i32
        %parallel_loop3A_547 = arith.addi %parallel_loop3A_545, %parallel_loop3A_546 : i32
        %parallel_loop3A_548 = arith.index_cast %parallel_loop3A_547 : i32 to index
        %parallel_loop3A_549 = tpu.vector_load %arg8[%parallel_loop3A_548] {strides = array<i32>} : memref<81920xf32, #tpu.memory_space<vmem>>, vector<16xf32>,
        tpu.vector_store %arg8[%parallel_loop3A_548], %parallel_loop3A_543 {strides = array<i32>} : memref<81920xf32, #tpu.memory_space<vmem>>, vector<16xf32>,
        %parallel_loop3A_550 = arith.constant 24 : i32
        %parallel_loop3A_551 = vector.broadcast %parallel_loop3A_550 : i32 to vector<16xi32>
        %parallel_loop3A_552 = arith.shrui %parallel_loop3A_511, %parallel_loop3A_551 : vector<16xi32>
        %parallel_loop3A_553 = arith.sitofp %parallel_loop3A_552 : vector<16xi32> to vector<16xf32>
        %parallel_loop3A_554 = arith.subf %parallel_loop3A_553, %get3A_5 : vector<16xf32>
        %parallel_loop3A_555 = arith.mulf %parallel_loop3A_554, %get3A_3 : vector<16xf32>
        %parallel_loop3A_556 = arith.constant 96 : i32
        %parallel_loop3A_557 = arith.addi %parallel_loop3A_451, %parallel_loop3A_556 : i32
        %parallel_loop3A_558 = arith.constant 16 : i32
        %parallel_loop3A_559 = arith.addi %parallel_loop3A_557, %parallel_loop3A_558 : i32
        %parallel_loop3A_560 = arith.index_cast %parallel_loop3A_559 : i32 to index
        %parallel_loop3A_561 = tpu.vector_load %arg8[%parallel_loop3A_560] {strides = array<i32>} : memref<81920xf32, #tpu.memory_space<vmem>>, vector<16xf32>,
        tpu.vector_store %arg8[%parallel_loop3A_560], %parallel_loop3A_555 {strides = array<i32>} : memref<81920xf32, #tpu.memory_space<vmem>>, vector<16xf32>,
      } {sc.loop_unroll_factor = 4 : i64, sc.parallel_access}
      %mul3A_309 = arith.constant 16384 : i32
      %mul3A_310 = arith.muli %add3A, %mul3A_309 : i32
      %multiple_of3A_311 = tpu.assume_multiple %mul3A_310, 8 : i32
      %mul3A_312 = arith.constant 524288 : i32
      %mul3A_313 = arith.muli %add3A_280, %mul3A_312 : i32
      %add3A_314 = arith.addi %multiple_of3A_311, %mul3A_313 : i32
      %dma_start3A_315 = arith.constant 16384 : i32
      %dma_start3A_316 = tpu.memref_slice %arg8[%dma_start3A_315] : memref<81920xf32, #tpu.memory_space<vmem>> -> memref<16384xf32, #tpu.memory_space<vmem>>
      %dma_start3A_317 = tpu.memref_slice %arg5[%add3A_314] : memref<26214400xf32, #tpu.memory_space<hbm>> -> memref<16384xf32, #tpu.memory_space<hbm>>
      %dma_start3A_318 = tpu.memref_slice %arg5[%add3A_314] : memref<26214400xf32, #tpu.memory_space<hbm>> -> memref<16384xf32, #tpu.memory_space<hbm>>
      %dma_start3A_319 = arith.constant 16384 : i32
      %dma_start3A_320 = tpu.memref_slice %arg8[%dma_start3A_319] : memref<81920xf32, #tpu.memory_space<vmem>> -> memref<16384xf32, #tpu.memory_space<vmem>>
      tpu.enqueue_dma source(%dma_start3A_320 : memref<16384xf32, #tpu.memory_space<vmem>>) target(%dma_start3A_318 : memref<16384xf32, #tpu.memory_space<hbm>>) target_semaphore(%arg17 : memref<!tpu.dma_semaphore, #tpu.memory_space<semaphore_mem>>)
      %add3A_321 = arith.constant 2 : i32
      %add3A_322 = arith.addi %add3A_240, %add3A_321 : i32
      %add3A_323 = arith.constant 5 : i32
      %add3A_324 = arith.addi %add3A_322, %add3A_323 : i32
      %sub3A_325 = arith.constant 1 : i32
      %sub3A_326 = arith.subi %add3A_324, %sub3A_325 : i32
      %lt3A_327 = arith.constant 50 : i32
      %lt3A_328 = arith.cmpi slt, %sub3A_326, %lt3A_327 : i32
      %convert_element_type3A_329 = arith.extui %lt3A_328 : i1 to i32
      %cond3A_330 = arith.constant 0 : i32
      %cond3A_331 = arith.cmpi ne, %convert_element_type3A_329, %cond3A_330 : i32
      scf.if %cond3A_331 {
        %add3A_447 = arith.constant 5 : i32
        %add3A_448 = arith.addi %add3A_322, %add3A_447 : i32
        %sub3A_449 = arith.constant 1 : i32
        %sub3A_450 = arith.subi %add3A_448, %sub3A_449 : i32
        %dma_start3A_451 = arith.constant 1 : i32
        %dma_start3A_452 = arith.constant 0 : i32
        %dma_start3A_453 = arith.constant 0 : i32
        %dma_start3A_454 = tpu.memref_slice %arg7[%dma_start3A_451, %dma_start3A_452, %dma_start3A_453] : memref<5x128x32xi32, #tpu.memory_space<vmem>> -> memref<1x128x32xi32, #tpu.memory_space<vmem>>
        %dma_start3A_455 = tpu.memref_squeeze %dma_start3A_454 : memref<1x128x32xi32, #tpu.memory_space<vmem>> -> memref<128x32xi32, #tpu.memory_space<vmem>>
        %dma_start3A_456 = arith.constant 0 : i32
        %dma_start3A_457 = tpu.memref_slice %arg6[%sub3A_450, %dma_start3A_456] : memref<50x128xi32, #tpu.memory_space<vmem>> -> memref<1x128xi32, #tpu.memory_space<vmem>>
        %dma_start3A_458 = tpu.memref_squeeze %dma_start3A_457 : memref<1x128xi32, #tpu.memory_space<vmem>> -> memref<128xi32, #tpu.memory_space<vmem>>
        %dma_start3A_459 = arith.constant 0 : i32
        %dma_start3A_460 = arith.constant 0 : i32
        %dma_start3A_461 = tpu.memref_slice %arg3[%dma_start3A_459, %dma_start3A_460] : memref<100000x32xi32, #tpu.memory_space<hbm>> -> memref<100000x32xi32, #tpu.memory_space<hbm>>
        tpu.enqueue_indirect_dma source(%dma_start3A_461 : memref<100000x32xi32, #tpu.memory_space<hbm>>) target(%dma_start3A_455 : memref<128x32xi32, #tpu.memory_space<vmem>>) offsets(%dma_start3A_458 : memref<128xi32, #tpu.memory_space<vmem>>) semaphore(%arg12 : memref<!tpu.dma_semaphore, #tpu.memory_space<semaphore_mem>>)
      } else {
      }
      %dma_wait3A_332 = arith.constant 2 : i32
      %dma_wait3A_333 = arith.constant 0 : i32
      %dma_wait3A_334 = arith.constant 0 : i32
      %dma_wait3A_335 = tpu.memref_slice %arg7[%dma_wait3A_332, %dma_wait3A_333, %dma_wait3A_334] : memref<5x128x32xi32, #tpu.memory_space<vmem>> -> memref<1x128x32xi32, #tpu.memory_space<vmem>>
      %dma_wait3A_336 = tpu.memref_squeeze %dma_wait3A_335 : memref<1x128x32xi32, #tpu.memory_space<vmem>> -> memref<128x32xi32, #tpu.memory_space<vmem>>
      %dma_wait3A_337 = arith.constant 0 : i32
      %dma_wait3A_338 = tpu.memref_slice %arg6[%add3A_322, %dma_wait3A_337] : memref<50x128xi32, #tpu.memory_space<vmem>> -> memref<1x128xi32, #tpu.memory_space<vmem>>
      %dma_wait3A_339 = tpu.memref_squeeze %dma_wait3A_338 : memref<1x128xi32, #tpu.memory_space<vmem>> -> memref<128xi32, #tpu.memory_space<vmem>>
      %dma_wait3A_340 = arith.constant 0 : i32
      %dma_wait3A_341 = arith.constant 0 : i32
      %dma_wait3A_342 = tpu.memref_slice %arg3[%dma_wait3A_340, %dma_wait3A_341] : memref<100000x32xi32, #tpu.memory_space<hbm>> -> memref<100000x32xi32, #tpu.memory_space<hbm>>
      tpu.wait_indirect_dma semaphore(%arg13 : memref<!tpu.dma_semaphore, #tpu.memory_space<semaphore_mem>>) src(%dma_wait3A_342 : memref<100000x32xi32, #tpu.memory_space<hbm>>) dst(%dma_wait3A_336 : memref<128x32xi32, #tpu.memory_space<vmem>>)
      %ge3A_343 = arith.constant 5 : i32
      %ge3A_344 = arith.cmpi sge, %add3A_322, %ge3A_343 : i32
      %convert_element_type3A_345 = arith.extui %ge3A_344 : i1 to i32
      %cond3A_346 = arith.constant 0 : i32
      %cond3A_347 = arith.cmpi ne, %convert_element_type3A_345, %cond3A_346 : i32
      scf.if %cond3A_347 {
        %sub3A_447 = arith.constant 5 : i32
        %sub3A_448 = arith.subi %add3A_322, %sub3A_447 : i32
        %mul3A_449 = arith.constant 16384 : i32
        %mul3A_450 = arith.muli %add3A, %mul3A_449 : i32
        %multiple_of3A_451 = tpu.assume_multiple %mul3A_450, 8 : i32
        %mul3A_452 = arith.constant 524288 : i32
        %mul3A_453 = arith.muli %sub3A_448, %mul3A_452 : i32
        %add3A_454 = arith.addi %multiple_of3A_451, %mul3A_453 : i32
        %dma_wait3A_455 = arith.constant 32768 : i32
        %dma_wait3A_456 = tpu.memref_slice %arg8[%dma_wait3A_455] : memref<81920xf32, #tpu.memory_space<vmem>> -> memref<16384xf32, #tpu.memory_space<vmem>>
        %dma_wait3A_457 = tpu.memref_slice %arg5[%add3A_454] : memref<26214400xf32, #tpu.memory_space<hbm>> -> memref<16384xf32, #tpu.memory_space<hbm>>
        %dma_wait3A_458 = tpu.memref_slice %arg5[%add3A_454] : memref<26214400xf32, #tpu.memory_space<hbm>> -> memref<16384xf32, #tpu.memory_space<hbm>>
        %dma_wait3A_459 = arith.constant 32768 : i32
        %dma_wait3A_460 = tpu.memref_slice %arg8[%dma_wait3A_459] : memref<81920xf32, #tpu.memory_space<vmem>> -> memref<16384xf32, #tpu.memory_space<vmem>>
        tpu.wait_dma2 semaphore(%arg18 : memref<!tpu.dma_semaphore, #tpu.memory_space<semaphore_mem>>) src(%dma_wait3A_460 : memref<16384xf32, #tpu.memory_space<vmem>>) dst(%dma_wait3A_458 : memref<16384xf32, #tpu.memory_space<hbm>>)
      } else {
      }
      %parallel_loop3A_348 = arith.constant 0 : i32
      %parallel_loop3A_349 = arith.constant 128 : i32
      %parallel_loop3A_350 = arith.constant 1 : i32
      scf.for %parallel_loop3A_447 = %parallel_loop3A_348 to %parallel_loop3A_349 step %parallel_loop3A_350  : i32 {
        %parallel_loop3A_448 = arith.constant 256 : i32
        %parallel_loop3A_449 = arith.addi %parallel_loop3A_448, %parallel_loop3A_447 : i32
        %parallel_loop3A_450 = arith.constant 128 : i32
        %parallel_loop3A_451 = arith.muli %parallel_loop3A_449, %parallel_loop3A_450 : i32
        %parallel_loop3A_452 = arith.constant 2 : i32
        %parallel_loop3A_453 = arith.index_cast %parallel_loop3A_452 : i32 to index
        %parallel_loop3A_454 = arith.index_cast %parallel_loop3A_447 : i32 to index
        %parallel_loop3A_455 = arith.constant 0 : index
        %parallel_loop3A_456 = tpu.vector_load %arg7[%parallel_loop3A_453, %parallel_loop3A_454, %parallel_loop3A_455] {strides = array<i32>} : memref<5x128x32xi32, #tpu.memory_space<vmem>>, vector<16xi32>,
        %parallel_loop3A_457 = arith.constant 255 : i32
        %parallel_loop3A_458 = vector.broadcast %parallel_loop3A_457 : i32 to vector<16xi32>
        %parallel_loop3A_459 = arith.andi %parallel_loop3A_456, %parallel_loop3A_458 : vector<16xi32>
        %parallel_loop3A_460 = arith.sitofp %parallel_loop3A_459 : vector<16xi32> to vector<16xf32>
        %parallel_loop3A_461 = arith.subf %parallel_loop3A_460, %get3A_5 : vector<16xf32>
        %parallel_loop3A_462 = arith.mulf %parallel_loop3A_461, %get3A_3 : vector<16xf32>
        %parallel_loop3A_463 = arith.constant 0 : i32
        %parallel_loop3A_464 = arith.addi %parallel_loop3A_451, %parallel_loop3A_463 : i32
        %parallel_loop3A_465 = arith.constant 0 : i32
        %parallel_loop3A_466 = arith.addi %parallel_loop3A_464, %parallel_loop3A_465 : i32
        %parallel_loop3A_467 = arith.index_cast %parallel_loop3A_466 : i32 to index
        %parallel_loop3A_468 = tpu.vector_load %arg8[%parallel_loop3A_467] {strides = array<i32>} : memref<81920xf32, #tpu.memory_space<vmem>>, vector<16xf32>,
        tpu.vector_store %arg8[%parallel_loop3A_467], %parallel_loop3A_462 {strides = array<i32>} : memref<81920xf32, #tpu.memory_space<vmem>>, vector<16xf32>,
        %parallel_loop3A_469 = arith.constant 8 : i32
        %parallel_loop3A_470 = vector.broadcast %parallel_loop3A_469 : i32 to vector<16xi32>
        %parallel_loop3A_471 = arith.shrui %parallel_loop3A_456, %parallel_loop3A_470 : vector<16xi32>
        %parallel_loop3A_472 = arith.constant 255 : i32
        %parallel_loop3A_473 = vector.broadcast %parallel_loop3A_472 : i32 to vector<16xi32>
        %parallel_loop3A_474 = arith.andi %parallel_loop3A_471, %parallel_loop3A_473 : vector<16xi32>
        %parallel_loop3A_475 = tpu.vector_load_idx %arg9[%parallel_loop3A_474] : memref<256xf32, #tpu.memory_space<vmem>>[vector<16xi32>], vector<16xf32>,
        %parallel_loop3A_476 = arith.constant 32 : i32
        %parallel_loop3A_477 = arith.addi %parallel_loop3A_451, %parallel_loop3A_476 : i32
        %parallel_loop3A_478 = arith.constant 0 : i32
        %parallel_loop3A_479 = arith.addi %parallel_loop3A_477, %parallel_loop3A_478 : i32
        %parallel_loop3A_480 = arith.index_cast %parallel_loop3A_479 : i32 to index
        %parallel_loop3A_481 = tpu.vector_load %arg8[%parallel_loop3A_480] {strides = array<i32>} : memref<81920xf32, #tpu.memory_space<vmem>>, vector<16xf32>,
        tpu.vector_store %arg8[%parallel_loop3A_480], %parallel_loop3A_475 {strides = array<i32>} : memref<81920xf32, #tpu.memory_space<vmem>>, vector<16xf32>,
        %parallel_loop3A_482 = arith.constant 16 : i32
        %parallel_loop3A_483 = vector.broadcast %parallel_loop3A_482 : i32 to vector<16xi32>
        %parallel_loop3A_484 = arith.shrui %parallel_loop3A_456, %parallel_loop3A_483 : vector<16xi32>
        %parallel_loop3A_485 = arith.constant 255 : i32
        %parallel_loop3A_486 = vector.broadcast %parallel_loop3A_485 : i32 to vector<16xi32>
        %parallel_loop3A_487 = arith.andi %parallel_loop3A_484, %parallel_loop3A_486 : vector<16xi32>
        %parallel_loop3A_488 = tpu.vector_load_idx %arg9[%parallel_loop3A_487] : memref<256xf32, #tpu.memory_space<vmem>>[vector<16xi32>], vector<16xf32>,
        %parallel_loop3A_489 = arith.constant 64 : i32
        %parallel_loop3A_490 = arith.addi %parallel_loop3A_451, %parallel_loop3A_489 : i32
        %parallel_loop3A_491 = arith.constant 0 : i32
        %parallel_loop3A_492 = arith.addi %parallel_loop3A_490, %parallel_loop3A_491 : i32
        %parallel_loop3A_493 = arith.index_cast %parallel_loop3A_492 : i32 to index
        %parallel_loop3A_494 = tpu.vector_load %arg8[%parallel_loop3A_493] {strides = array<i32>} : memref<81920xf32, #tpu.memory_space<vmem>>, vector<16xf32>,
        tpu.vector_store %arg8[%parallel_loop3A_493], %parallel_loop3A_488 {strides = array<i32>} : memref<81920xf32, #tpu.memory_space<vmem>>, vector<16xf32>,
        %parallel_loop3A_495 = arith.constant 24 : i32
        %parallel_loop3A_496 = vector.broadcast %parallel_loop3A_495 : i32 to vector<16xi32>
        %parallel_loop3A_497 = arith.shrui %parallel_loop3A_456, %parallel_loop3A_496 : vector<16xi32>
        %parallel_loop3A_498 = arith.sitofp %parallel_loop3A_497 : vector<16xi32> to vector<16xf32>
        %parallel_loop3A_499 = arith.subf %parallel_loop3A_498, %get3A_5 : vector<16xf32>
        %parallel_loop3A_500 = arith.mulf %parallel_loop3A_499, %get3A_3 : vector<16xf32>
        %parallel_loop3A_501 = arith.constant 96 : i32
        %parallel_loop3A_502 = arith.addi %parallel_loop3A_451, %parallel_loop3A_501 : i32
        %parallel_loop3A_503 = arith.constant 0 : i32
        %parallel_loop3A_504 = arith.addi %parallel_loop3A_502, %parallel_loop3A_503 : i32
        %parallel_loop3A_505 = arith.index_cast %parallel_loop3A_504 : i32 to index
        %parallel_loop3A_506 = tpu.vector_load %arg8[%parallel_loop3A_505] {strides = array<i32>} : memref<81920xf32, #tpu.memory_space<vmem>>, vector<16xf32>,
        tpu.vector_store %arg8[%parallel_loop3A_505], %parallel_loop3A_500 {strides = array<i32>} : memref<81920xf32, #tpu.memory_space<vmem>>, vector<16xf32>,
        %parallel_loop3A_507 = arith.constant 2 : i32
        %parallel_loop3A_508 = arith.index_cast %parallel_loop3A_507 : i32 to index
        %parallel_loop3A_509 = arith.index_cast %parallel_loop3A_447 : i32 to index
        %parallel_loop3A_510 = arith.constant 16 : index
        %parallel_loop3A_511 = tpu.vector_load %arg7[%parallel_loop3A_508, %parallel_loop3A_509, %parallel_loop3A_510] {strides = array<i32>} : memref<5x128x32xi32, #tpu.memory_space<vmem>>, vector<16xi32>,
        %parallel_loop3A_512 = arith.constant 255 : i32
        %parallel_loop3A_513 = vector.broadcast %parallel_loop3A_512 : i32 to vector<16xi32>
        %parallel_loop3A_514 = arith.andi %parallel_loop3A_511, %parallel_loop3A_513 : vector<16xi32>
        %parallel_loop3A_515 = arith.sitofp %parallel_loop3A_514 : vector<16xi32> to vector<16xf32>
        %parallel_loop3A_516 = arith.subf %parallel_loop3A_515, %get3A_5 : vector<16xf32>
        %parallel_loop3A_517 = arith.mulf %parallel_loop3A_516, %get3A_3 : vector<16xf32>
        %parallel_loop3A_518 = arith.constant 0 : i32
        %parallel_loop3A_519 = arith.addi %parallel_loop3A_451, %parallel_loop3A_518 : i32
        %parallel_loop3A_520 = arith.constant 16 : i32
        %parallel_loop3A_521 = arith.addi %parallel_loop3A_519, %parallel_loop3A_520 : i32
        %parallel_loop3A_522 = arith.index_cast %parallel_loop3A_521 : i32 to index
        %parallel_loop3A_523 = tpu.vector_load %arg8[%parallel_loop3A_522] {strides = array<i32>} : memref<81920xf32, #tpu.memory_space<vmem>>, vector<16xf32>,
        tpu.vector_store %arg8[%parallel_loop3A_522], %parallel_loop3A_517 {strides = array<i32>} : memref<81920xf32, #tpu.memory_space<vmem>>, vector<16xf32>,
        %parallel_loop3A_524 = arith.constant 8 : i32
        %parallel_loop3A_525 = vector.broadcast %parallel_loop3A_524 : i32 to vector<16xi32>
        %parallel_loop3A_526 = arith.shrui %parallel_loop3A_511, %parallel_loop3A_525 : vector<16xi32>
        %parallel_loop3A_527 = arith.constant 255 : i32
        %parallel_loop3A_528 = vector.broadcast %parallel_loop3A_527 : i32 to vector<16xi32>
        %parallel_loop3A_529 = arith.andi %parallel_loop3A_526, %parallel_loop3A_528 : vector<16xi32>
        %parallel_loop3A_530 = tpu.vector_load_idx %arg9[%parallel_loop3A_529] : memref<256xf32, #tpu.memory_space<vmem>>[vector<16xi32>], vector<16xf32>,
        %parallel_loop3A_531 = arith.constant 32 : i32
        %parallel_loop3A_532 = arith.addi %parallel_loop3A_451, %parallel_loop3A_531 : i32
        %parallel_loop3A_533 = arith.constant 16 : i32
        %parallel_loop3A_534 = arith.addi %parallel_loop3A_532, %parallel_loop3A_533 : i32
        %parallel_loop3A_535 = arith.index_cast %parallel_loop3A_534 : i32 to index
        %parallel_loop3A_536 = tpu.vector_load %arg8[%parallel_loop3A_535] {strides = array<i32>} : memref<81920xf32, #tpu.memory_space<vmem>>, vector<16xf32>,
        tpu.vector_store %arg8[%parallel_loop3A_535], %parallel_loop3A_530 {strides = array<i32>} : memref<81920xf32, #tpu.memory_space<vmem>>, vector<16xf32>,
        %parallel_loop3A_537 = arith.constant 16 : i32
        %parallel_loop3A_538 = vector.broadcast %parallel_loop3A_537 : i32 to vector<16xi32>
        %parallel_loop3A_539 = arith.shrui %parallel_loop3A_511, %parallel_loop3A_538 : vector<16xi32>
        %parallel_loop3A_540 = arith.constant 255 : i32
        %parallel_loop3A_541 = vector.broadcast %parallel_loop3A_540 : i32 to vector<16xi32>
        %parallel_loop3A_542 = arith.andi %parallel_loop3A_539, %parallel_loop3A_541 : vector<16xi32>
        %parallel_loop3A_543 = tpu.vector_load_idx %arg9[%parallel_loop3A_542] : memref<256xf32, #tpu.memory_space<vmem>>[vector<16xi32>], vector<16xf32>,
        %parallel_loop3A_544 = arith.constant 64 : i32
        %parallel_loop3A_545 = arith.addi %parallel_loop3A_451, %parallel_loop3A_544 : i32
        %parallel_loop3A_546 = arith.constant 16 : i32
        %parallel_loop3A_547 = arith.addi %parallel_loop3A_545, %parallel_loop3A_546 : i32
        %parallel_loop3A_548 = arith.index_cast %parallel_loop3A_547 : i32 to index
        %parallel_loop3A_549 = tpu.vector_load %arg8[%parallel_loop3A_548] {strides = array<i32>} : memref<81920xf32, #tpu.memory_space<vmem>>, vector<16xf32>,
        tpu.vector_store %arg8[%parallel_loop3A_548], %parallel_loop3A_543 {strides = array<i32>} : memref<81920xf32, #tpu.memory_space<vmem>>, vector<16xf32>,
        %parallel_loop3A_550 = arith.constant 24 : i32
        %parallel_loop3A_551 = vector.broadcast %parallel_loop3A_550 : i32 to vector<16xi32>
        %parallel_loop3A_552 = arith.shrui %parallel_loop3A_511, %parallel_loop3A_551 : vector<16xi32>
        %parallel_loop3A_553 = arith.sitofp %parallel_loop3A_552 : vector<16xi32> to vector<16xf32>
        %parallel_loop3A_554 = arith.subf %parallel_loop3A_553, %get3A_5 : vector<16xf32>
        %parallel_loop3A_555 = arith.mulf %parallel_loop3A_554, %get3A_3 : vector<16xf32>
        %parallel_loop3A_556 = arith.constant 96 : i32
        %parallel_loop3A_557 = arith.addi %parallel_loop3A_451, %parallel_loop3A_556 : i32
        %parallel_loop3A_558 = arith.constant 16 : i32
        %parallel_loop3A_559 = arith.addi %parallel_loop3A_557, %parallel_loop3A_558 : i32
        %parallel_loop3A_560 = arith.index_cast %parallel_loop3A_559 : i32 to index
        %parallel_loop3A_561 = tpu.vector_load %arg8[%parallel_loop3A_560] {strides = array<i32>} : memref<81920xf32, #tpu.memory_space<vmem>>, vector<16xf32>,
        tpu.vector_store %arg8[%parallel_loop3A_560], %parallel_loop3A_555 {strides = array<i32>} : memref<81920xf32, #tpu.memory_space<vmem>>, vector<16xf32>,
      } {sc.loop_unroll_factor = 4 : i64, sc.parallel_access}
      %mul3A_351 = arith.constant 16384 : i32
      %mul3A_352 = arith.muli %add3A, %mul3A_351 : i32
      %multiple_of3A_353 = tpu.assume_multiple %mul3A_352, 8 : i32
      %mul3A_354 = arith.constant 524288 : i32
      %mul3A_355 = arith.muli %add3A_322, %mul3A_354 : i32
      %add3A_356 = arith.addi %multiple_of3A_353, %mul3A_355 : i32
      %dma_start3A_357 = arith.constant 32768 : i32
      %dma_start3A_358 = tpu.memref_slice %arg8[%dma_start3A_357] : memref<81920xf32, #tpu.memory_space<vmem>> -> memref<16384xf32, #tpu.memory_space<vmem>>
      %dma_start3A_359 = tpu.memref_slice %arg5[%add3A_356] : memref<26214400xf32, #tpu.memory_space<hbm>> -> memref<16384xf32, #tpu.memory_space<hbm>>
      %dma_start3A_360 = tpu.memref_slice %arg5[%add3A_356] : memref<26214400xf32, #tpu.memory_space<hbm>> -> memref<16384xf32, #tpu.memory_space<hbm>>
      %dma_start3A_361 = arith.constant 32768 : i32
      %dma_start3A_362 = tpu.memref_slice %arg8[%dma_start3A_361] : memref<81920xf32, #tpu.memory_space<vmem>> -> memref<16384xf32, #tpu.memory_space<vmem>>
      tpu.enqueue_dma source(%dma_start3A_362 : memref<16384xf32, #tpu.memory_space<vmem>>) target(%dma_start3A_360 : memref<16384xf32, #tpu.memory_space<hbm>>) target_semaphore(%arg18 : memref<!tpu.dma_semaphore, #tpu.memory_space<semaphore_mem>>)
      %add3A_363 = arith.constant 3 : i32
      %add3A_364 = arith.addi %add3A_240, %add3A_363 : i32
      %add3A_365 = arith.constant 5 : i32
      %add3A_366 = arith.addi %add3A_364, %add3A_365 : i32
      %sub3A_367 = arith.constant 1 : i32
      %sub3A_368 = arith.subi %add3A_366, %sub3A_367 : i32
      %lt3A_369 = arith.constant 50 : i32
      %lt3A_370 = arith.cmpi slt, %sub3A_368, %lt3A_369 : i32
      %convert_element_type3A_371 = arith.extui %lt3A_370 : i1 to i32
      %cond3A_372 = arith.constant 0 : i32
      %cond3A_373 = arith.cmpi ne, %convert_element_type3A_371, %cond3A_372 : i32
      scf.if %cond3A_373 {
        %add3A_447 = arith.constant 5 : i32
        %add3A_448 = arith.addi %add3A_364, %add3A_447 : i32
        %sub3A_449 = arith.constant 1 : i32
        %sub3A_450 = arith.subi %add3A_448, %sub3A_449 : i32
        %dma_start3A_451 = arith.constant 2 : i32
        %dma_start3A_452 = arith.constant 0 : i32
        %dma_start3A_453 = arith.constant 0 : i32
        %dma_start3A_454 = tpu.memref_slice %arg7[%dma_start3A_451, %dma_start3A_452, %dma_start3A_453] : memref<5x128x32xi32, #tpu.memory_space<vmem>> -> memref<1x128x32xi32, #tpu.memory_space<vmem>>
        %dma_start3A_455 = tpu.memref_squeeze %dma_start3A_454 : memref<1x128x32xi32, #tpu.memory_space<vmem>> -> memref<128x32xi32, #tpu.memory_space<vmem>>
        %dma_start3A_456 = arith.constant 0 : i32
        %dma_start3A_457 = tpu.memref_slice %arg6[%sub3A_450, %dma_start3A_456] : memref<50x128xi32, #tpu.memory_space<vmem>> -> memref<1x128xi32, #tpu.memory_space<vmem>>
        %dma_start3A_458 = tpu.memref_squeeze %dma_start3A_457 : memref<1x128xi32, #tpu.memory_space<vmem>> -> memref<128xi32, #tpu.memory_space<vmem>>
        %dma_start3A_459 = arith.constant 0 : i32
        %dma_start3A_460 = arith.constant 0 : i32
        %dma_start3A_461 = tpu.memref_slice %arg3[%dma_start3A_459, %dma_start3A_460] : memref<100000x32xi32, #tpu.memory_space<hbm>> -> memref<100000x32xi32, #tpu.memory_space<hbm>>
        tpu.enqueue_indirect_dma source(%dma_start3A_461 : memref<100000x32xi32, #tpu.memory_space<hbm>>) target(%dma_start3A_455 : memref<128x32xi32, #tpu.memory_space<vmem>>) offsets(%dma_start3A_458 : memref<128xi32, #tpu.memory_space<vmem>>) semaphore(%arg13 : memref<!tpu.dma_semaphore, #tpu.memory_space<semaphore_mem>>)
      } else {
      }
      %dma_wait3A_374 = arith.constant 3 : i32
      %dma_wait3A_375 = arith.constant 0 : i32
      %dma_wait3A_376 = arith.constant 0 : i32
      %dma_wait3A_377 = tpu.memref_slice %arg7[%dma_wait3A_374, %dma_wait3A_375, %dma_wait3A_376] : memref<5x128x32xi32, #tpu.memory_space<vmem>> -> memref<1x128x32xi32, #tpu.memory_space<vmem>>
      %dma_wait3A_378 = tpu.memref_squeeze %dma_wait3A_377 : memref<1x128x32xi32, #tpu.memory_space<vmem>> -> memref<128x32xi32, #tpu.memory_space<vmem>>
      %dma_wait3A_379 = arith.constant 0 : i32
      %dma_wait3A_380 = tpu.memref_slice %arg6[%add3A_364, %dma_wait3A_379] : memref<50x128xi32, #tpu.memory_space<vmem>> -> memref<1x128xi32, #tpu.memory_space<vmem>>
      %dma_wait3A_381 = tpu.memref_squeeze %dma_wait3A_380 : memref<1x128xi32, #tpu.memory_space<vmem>> -> memref<128xi32, #tpu.memory_space<vmem>>
      %dma_wait3A_382 = arith.constant 0 : i32
      %dma_wait3A_383 = arith.constant 0 : i32
      %dma_wait3A_384 = tpu.memref_slice %arg3[%dma_wait3A_382, %dma_wait3A_383] : memref<100000x32xi32, #tpu.memory_space<hbm>> -> memref<100000x32xi32, #tpu.memory_space<hbm>>
      tpu.wait_indirect_dma semaphore(%arg14 : memref<!tpu.dma_semaphore, #tpu.memory_space<semaphore_mem>>) src(%dma_wait3A_384 : memref<100000x32xi32, #tpu.memory_space<hbm>>) dst(%dma_wait3A_378 : memref<128x32xi32, #tpu.memory_space<vmem>>)
      %ge3A_385 = arith.constant 5 : i32
      %ge3A_386 = arith.cmpi sge, %add3A_364, %ge3A_385 : i32
      %convert_element_type3A_387 = arith.extui %ge3A_386 : i1 to i32
      %cond3A_388 = arith.constant 0 : i32
      %cond3A_389 = arith.cmpi ne, %convert_element_type3A_387, %cond3A_388 : i32
      scf.if %cond3A_389 {
        %sub3A_447 = arith.constant 5 : i32
        %sub3A_448 = arith.subi %add3A_364, %sub3A_447 : i32
        %mul3A_449 = arith.constant 16384 : i32
        %mul3A_450 = arith.muli %add3A, %mul3A_449 : i32
        %multiple_of3A_451 = tpu.assume_multiple %mul3A_450, 8 : i32
        %mul3A_452 = arith.constant 524288 : i32
        %mul3A_453 = arith.muli %sub3A_448, %mul3A_452 : i32
        %add3A_454 = arith.addi %multiple_of3A_451, %mul3A_453 : i32
        %dma_wait3A_455 = arith.constant 49152 : i32
        %dma_wait3A_456 = tpu.memref_slice %arg8[%dma_wait3A_455] : memref<81920xf32, #tpu.memory_space<vmem>> -> memref<16384xf32, #tpu.memory_space<vmem>>
        %dma_wait3A_457 = tpu.memref_slice %arg5[%add3A_454] : memref<26214400xf32, #tpu.memory_space<hbm>> -> memref<16384xf32, #tpu.memory_space<hbm>>
        %dma_wait3A_458 = tpu.memref_slice %arg5[%add3A_454] : memref<26214400xf32, #tpu.memory_space<hbm>> -> memref<16384xf32, #tpu.memory_space<hbm>>
        %dma_wait3A_459 = arith.constant 49152 : i32
        %dma_wait3A_460 = tpu.memref_slice %arg8[%dma_wait3A_459] : memref<81920xf32, #tpu.memory_space<vmem>> -> memref<16384xf32, #tpu.memory_space<vmem>>
        tpu.wait_dma2 semaphore(%arg19 : memref<!tpu.dma_semaphore, #tpu.memory_space<semaphore_mem>>) src(%dma_wait3A_460 : memref<16384xf32, #tpu.memory_space<vmem>>) dst(%dma_wait3A_458 : memref<16384xf32, #tpu.memory_space<hbm>>)
      } else {
      }
      %parallel_loop3A_390 = arith.constant 0 : i32
      %parallel_loop3A_391 = arith.constant 128 : i32
      %parallel_loop3A_392 = arith.constant 1 : i32
      scf.for %parallel_loop3A_447 = %parallel_loop3A_390 to %parallel_loop3A_391 step %parallel_loop3A_392  : i32 {
        %parallel_loop3A_448 = arith.constant 384 : i32
        %parallel_loop3A_449 = arith.addi %parallel_loop3A_448, %parallel_loop3A_447 : i32
        %parallel_loop3A_450 = arith.constant 128 : i32
        %parallel_loop3A_451 = arith.muli %parallel_loop3A_449, %parallel_loop3A_450 : i32
        %parallel_loop3A_452 = arith.constant 3 : i32
        %parallel_loop3A_453 = arith.index_cast %parallel_loop3A_452 : i32 to index
        %parallel_loop3A_454 = arith.index_cast %parallel_loop3A_447 : i32 to index
        %parallel_loop3A_455 = arith.constant 0 : index
        %parallel_loop3A_456 = tpu.vector_load %arg7[%parallel_loop3A_453, %parallel_loop3A_454, %parallel_loop3A_455] {strides = array<i32>} : memref<5x128x32xi32, #tpu.memory_space<vmem>>, vector<16xi32>,
        %parallel_loop3A_457 = arith.constant 255 : i32
        %parallel_loop3A_458 = vector.broadcast %parallel_loop3A_457 : i32 to vector<16xi32>
        %parallel_loop3A_459 = arith.andi %parallel_loop3A_456, %parallel_loop3A_458 : vector<16xi32>
        %parallel_loop3A_460 = arith.sitofp %parallel_loop3A_459 : vector<16xi32> to vector<16xf32>
        %parallel_loop3A_461 = arith.subf %parallel_loop3A_460, %get3A_5 : vector<16xf32>
        %parallel_loop3A_462 = arith.mulf %parallel_loop3A_461, %get3A_3 : vector<16xf32>
        %parallel_loop3A_463 = arith.constant 0 : i32
        %parallel_loop3A_464 = arith.addi %parallel_loop3A_451, %parallel_loop3A_463 : i32
        %parallel_loop3A_465 = arith.constant 0 : i32
        %parallel_loop3A_466 = arith.addi %parallel_loop3A_464, %parallel_loop3A_465 : i32
        %parallel_loop3A_467 = arith.index_cast %parallel_loop3A_466 : i32 to index
        %parallel_loop3A_468 = tpu.vector_load %arg8[%parallel_loop3A_467] {strides = array<i32>} : memref<81920xf32, #tpu.memory_space<vmem>>, vector<16xf32>,
        tpu.vector_store %arg8[%parallel_loop3A_467], %parallel_loop3A_462 {strides = array<i32>} : memref<81920xf32, #tpu.memory_space<vmem>>, vector<16xf32>,
        %parallel_loop3A_469 = arith.constant 8 : i32
        %parallel_loop3A_470 = vector.broadcast %parallel_loop3A_469 : i32 to vector<16xi32>
        %parallel_loop3A_471 = arith.shrui %parallel_loop3A_456, %parallel_loop3A_470 : vector<16xi32>
        %parallel_loop3A_472 = arith.constant 255 : i32
        %parallel_loop3A_473 = vector.broadcast %parallel_loop3A_472 : i32 to vector<16xi32>
        %parallel_loop3A_474 = arith.andi %parallel_loop3A_471, %parallel_loop3A_473 : vector<16xi32>
        %parallel_loop3A_475 = tpu.vector_load_idx %arg9[%parallel_loop3A_474] : memref<256xf32, #tpu.memory_space<vmem>>[vector<16xi32>], vector<16xf32>,
        %parallel_loop3A_476 = arith.constant 32 : i32
        %parallel_loop3A_477 = arith.addi %parallel_loop3A_451, %parallel_loop3A_476 : i32
        %parallel_loop3A_478 = arith.constant 0 : i32
        %parallel_loop3A_479 = arith.addi %parallel_loop3A_477, %parallel_loop3A_478 : i32
        %parallel_loop3A_480 = arith.index_cast %parallel_loop3A_479 : i32 to index
        %parallel_loop3A_481 = tpu.vector_load %arg8[%parallel_loop3A_480] {strides = array<i32>} : memref<81920xf32, #tpu.memory_space<vmem>>, vector<16xf32>,
        tpu.vector_store %arg8[%parallel_loop3A_480], %parallel_loop3A_475 {strides = array<i32>} : memref<81920xf32, #tpu.memory_space<vmem>>, vector<16xf32>,
        %parallel_loop3A_482 = arith.constant 16 : i32
        %parallel_loop3A_483 = vector.broadcast %parallel_loop3A_482 : i32 to vector<16xi32>
        %parallel_loop3A_484 = arith.shrui %parallel_loop3A_456, %parallel_loop3A_483 : vector<16xi32>
        %parallel_loop3A_485 = arith.constant 255 : i32
        %parallel_loop3A_486 = vector.broadcast %parallel_loop3A_485 : i32 to vector<16xi32>
        %parallel_loop3A_487 = arith.andi %parallel_loop3A_484, %parallel_loop3A_486 : vector<16xi32>
        %parallel_loop3A_488 = tpu.vector_load_idx %arg9[%parallel_loop3A_487] : memref<256xf32, #tpu.memory_space<vmem>>[vector<16xi32>], vector<16xf32>,
        %parallel_loop3A_489 = arith.constant 64 : i32
        %parallel_loop3A_490 = arith.addi %parallel_loop3A_451, %parallel_loop3A_489 : i32
        %parallel_loop3A_491 = arith.constant 0 : i32
        %parallel_loop3A_492 = arith.addi %parallel_loop3A_490, %parallel_loop3A_491 : i32
        %parallel_loop3A_493 = arith.index_cast %parallel_loop3A_492 : i32 to index
        %parallel_loop3A_494 = tpu.vector_load %arg8[%parallel_loop3A_493] {strides = array<i32>} : memref<81920xf32, #tpu.memory_space<vmem>>, vector<16xf32>,
        tpu.vector_store %arg8[%parallel_loop3A_493], %parallel_loop3A_488 {strides = array<i32>} : memref<81920xf32, #tpu.memory_space<vmem>>, vector<16xf32>,
        %parallel_loop3A_495 = arith.constant 24 : i32
        %parallel_loop3A_496 = vector.broadcast %parallel_loop3A_495 : i32 to vector<16xi32>
        %parallel_loop3A_497 = arith.shrui %parallel_loop3A_456, %parallel_loop3A_496 : vector<16xi32>
        %parallel_loop3A_498 = arith.sitofp %parallel_loop3A_497 : vector<16xi32> to vector<16xf32>
        %parallel_loop3A_499 = arith.subf %parallel_loop3A_498, %get3A_5 : vector<16xf32>
        %parallel_loop3A_500 = arith.mulf %parallel_loop3A_499, %get3A_3 : vector<16xf32>
        %parallel_loop3A_501 = arith.constant 96 : i32
        %parallel_loop3A_502 = arith.addi %parallel_loop3A_451, %parallel_loop3A_501 : i32
        %parallel_loop3A_503 = arith.constant 0 : i32
        %parallel_loop3A_504 = arith.addi %parallel_loop3A_502, %parallel_loop3A_503 : i32
        %parallel_loop3A_505 = arith.index_cast %parallel_loop3A_504 : i32 to index
        %parallel_loop3A_506 = tpu.vector_load %arg8[%parallel_loop3A_505] {strides = array<i32>} : memref<81920xf32, #tpu.memory_space<vmem>>, vector<16xf32>,
        tpu.vector_store %arg8[%parallel_loop3A_505], %parallel_loop3A_500 {strides = array<i32>} : memref<81920xf32, #tpu.memory_space<vmem>>, vector<16xf32>,
        %parallel_loop3A_507 = arith.constant 3 : i32
        %parallel_loop3A_508 = arith.index_cast %parallel_loop3A_507 : i32 to index
        %parallel_loop3A_509 = arith.index_cast %parallel_loop3A_447 : i32 to index
        %parallel_loop3A_510 = arith.constant 16 : index
        %parallel_loop3A_511 = tpu.vector_load %arg7[%parallel_loop3A_508, %parallel_loop3A_509, %parallel_loop3A_510] {strides = array<i32>} : memref<5x128x32xi32, #tpu.memory_space<vmem>>, vector<16xi32>,
        %parallel_loop3A_512 = arith.constant 255 : i32
        %parallel_loop3A_513 = vector.broadcast %parallel_loop3A_512 : i32 to vector<16xi32>
        %parallel_loop3A_514 = arith.andi %parallel_loop3A_511, %parallel_loop3A_513 : vector<16xi32>
        %parallel_loop3A_515 = arith.sitofp %parallel_loop3A_514 : vector<16xi32> to vector<16xf32>
        %parallel_loop3A_516 = arith.subf %parallel_loop3A_515, %get3A_5 : vector<16xf32>
        %parallel_loop3A_517 = arith.mulf %parallel_loop3A_516, %get3A_3 : vector<16xf32>
        %parallel_loop3A_518 = arith.constant 0 : i32
        %parallel_loop3A_519 = arith.addi %parallel_loop3A_451, %parallel_loop3A_518 : i32
        %parallel_loop3A_520 = arith.constant 16 : i32
        %parallel_loop3A_521 = arith.addi %parallel_loop3A_519, %parallel_loop3A_520 : i32
        %parallel_loop3A_522 = arith.index_cast %parallel_loop3A_521 : i32 to index
        %parallel_loop3A_523 = tpu.vector_load %arg8[%parallel_loop3A_522] {strides = array<i32>} : memref<81920xf32, #tpu.memory_space<vmem>>, vector<16xf32>,
        tpu.vector_store %arg8[%parallel_loop3A_522], %parallel_loop3A_517 {strides = array<i32>} : memref<81920xf32, #tpu.memory_space<vmem>>, vector<16xf32>,
        %parallel_loop3A_524 = arith.constant 8 : i32
        %parallel_loop3A_525 = vector.broadcast %parallel_loop3A_524 : i32 to vector<16xi32>
        %parallel_loop3A_526 = arith.shrui %parallel_loop3A_511, %parallel_loop3A_525 : vector<16xi32>
        %parallel_loop3A_527 = arith.constant 255 : i32
        %parallel_loop3A_528 = vector.broadcast %parallel_loop3A_527 : i32 to vector<16xi32>
        %parallel_loop3A_529 = arith.andi %parallel_loop3A_526, %parallel_loop3A_528 : vector<16xi32>
        %parallel_loop3A_530 = tpu.vector_load_idx %arg9[%parallel_loop3A_529] : memref<256xf32, #tpu.memory_space<vmem>>[vector<16xi32>], vector<16xf32>,
        %parallel_loop3A_531 = arith.constant 32 : i32
        %parallel_loop3A_532 = arith.addi %parallel_loop3A_451, %parallel_loop3A_531 : i32
        %parallel_loop3A_533 = arith.constant 16 : i32
        %parallel_loop3A_534 = arith.addi %parallel_loop3A_532, %parallel_loop3A_533 : i32
        %parallel_loop3A_535 = arith.index_cast %parallel_loop3A_534 : i32 to index
        %parallel_loop3A_536 = tpu.vector_load %arg8[%parallel_loop3A_535] {strides = array<i32>} : memref<81920xf32, #tpu.memory_space<vmem>>, vector<16xf32>,
        tpu.vector_store %arg8[%parallel_loop3A_535], %parallel_loop3A_530 {strides = array<i32>} : memref<81920xf32, #tpu.memory_space<vmem>>, vector<16xf32>,
        %parallel_loop3A_537 = arith.constant 16 : i32
        %parallel_loop3A_538 = vector.broadcast %parallel_loop3A_537 : i32 to vector<16xi32>
        %parallel_loop3A_539 = arith.shrui %parallel_loop3A_511, %parallel_loop3A_538 : vector<16xi32>
        %parallel_loop3A_540 = arith.constant 255 : i32
        %parallel_loop3A_541 = vector.broadcast %parallel_loop3A_540 : i32 to vector<16xi32>
        %parallel_loop3A_542 = arith.andi %parallel_loop3A_539, %parallel_loop3A_541 : vector<16xi32>
        %parallel_loop3A_543 = tpu.vector_load_idx %arg9[%parallel_loop3A_542] : memref<256xf32, #tpu.memory_space<vmem>>[vector<16xi32>], vector<16xf32>,
        %parallel_loop3A_544 = arith.constant 64 : i32
        %parallel_loop3A_545 = arith.addi %parallel_loop3A_451, %parallel_loop3A_544 : i32
        %parallel_loop3A_546 = arith.constant 16 : i32
        %parallel_loop3A_547 = arith.addi %parallel_loop3A_545, %parallel_loop3A_546 : i32
        %parallel_loop3A_548 = arith.index_cast %parallel_loop3A_547 : i32 to index
        %parallel_loop3A_549 = tpu.vector_load %arg8[%parallel_loop3A_548] {strides = array<i32>} : memref<81920xf32, #tpu.memory_space<vmem>>, vector<16xf32>,
        tpu.vector_store %arg8[%parallel_loop3A_548], %parallel_loop3A_543 {strides = array<i32>} : memref<81920xf32, #tpu.memory_space<vmem>>, vector<16xf32>,
        %parallel_loop3A_550 = arith.constant 24 : i32
        %parallel_loop3A_551 = vector.broadcast %parallel_loop3A_550 : i32 to vector<16xi32>
        %parallel_loop3A_552 = arith.shrui %parallel_loop3A_511, %parallel_loop3A_551 : vector<16xi32>
        %parallel_loop3A_553 = arith.sitofp %parallel_loop3A_552 : vector<16xi32> to vector<16xf32>
        %parallel_loop3A_554 = arith.subf %parallel_loop3A_553, %get3A_5 : vector<16xf32>
        %parallel_loop3A_555 = arith.mulf %parallel_loop3A_554, %get3A_3 : vector<16xf32>
        %parallel_loop3A_556 = arith.constant 96 : i32
        %parallel_loop3A_557 = arith.addi %parallel_loop3A_451, %parallel_loop3A_556 : i32
        %parallel_loop3A_558 = arith.constant 16 : i32
        %parallel_loop3A_559 = arith.addi %parallel_loop3A_557, %parallel_loop3A_558 : i32
        %parallel_loop3A_560 = arith.index_cast %parallel_loop3A_559 : i32 to index
        %parallel_loop3A_561 = tpu.vector_load %arg8[%parallel_loop3A_560] {strides = array<i32>} : memref<81920xf32, #tpu.memory_space<vmem>>, vector<16xf32>,
        tpu.vector_store %arg8[%parallel_loop3A_560], %parallel_loop3A_555 {strides = array<i32>} : memref<81920xf32, #tpu.memory_space<vmem>>, vector<16xf32>,
      } {sc.loop_unroll_factor = 4 : i64, sc.parallel_access}
      %mul3A_393 = arith.constant 16384 : i32
      %mul3A_394 = arith.muli %add3A, %mul3A_393 : i32
      %multiple_of3A_395 = tpu.assume_multiple %mul3A_394, 8 : i32
      %mul3A_396 = arith.constant 524288 : i32
      %mul3A_397 = arith.muli %add3A_364, %mul3A_396 : i32
      %add3A_398 = arith.addi %multiple_of3A_395, %mul3A_397 : i32
      %dma_start3A_399 = arith.constant 49152 : i32
      %dma_start3A_400 = tpu.memref_slice %arg8[%dma_start3A_399] : memref<81920xf32, #tpu.memory_space<vmem>> -> memref<16384xf32, #tpu.memory_space<vmem>>
      %dma_start3A_401 = tpu.memref_slice %arg5[%add3A_398] : memref<26214400xf32, #tpu.memory_space<hbm>> -> memref<16384xf32, #tpu.memory_space<hbm>>
      %dma_start3A_402 = tpu.memref_slice %arg5[%add3A_398] : memref<26214400xf32, #tpu.memory_space<hbm>> -> memref<16384xf32, #tpu.memory_space<hbm>>
      %dma_start3A_403 = arith.constant 49152 : i32
      %dma_start3A_404 = tpu.memref_slice %arg8[%dma_start3A_403] : memref<81920xf32, #tpu.memory_space<vmem>> -> memref<16384xf32, #tpu.memory_space<vmem>>
      tpu.enqueue_dma source(%dma_start3A_404 : memref<16384xf32, #tpu.memory_space<vmem>>) target(%dma_start3A_402 : memref<16384xf32, #tpu.memory_space<hbm>>) target_semaphore(%arg19 : memref<!tpu.dma_semaphore, #tpu.memory_space<semaphore_mem>>)
      %add3A_405 = arith.constant 4 : i32
      %add3A_406 = arith.addi %add3A_240, %add3A_405 : i32
      %add3A_407 = arith.constant 5 : i32
      %add3A_408 = arith.addi %add3A_406, %add3A_407 : i32
      %sub3A_409 = arith.constant 1 : i32
      %sub3A_410 = arith.subi %add3A_408, %sub3A_409 : i32
      %lt3A_411 = arith.constant 50 : i32
      %lt3A_412 = arith.cmpi slt, %sub3A_410, %lt3A_411 : i32
      %convert_element_type3A_413 = arith.extui %lt3A_412 : i1 to i32
      %cond3A_414 = arith.constant 0 : i32
      %cond3A_415 = arith.cmpi ne, %convert_element_type3A_413, %cond3A_414 : i32
      scf.if %cond3A_415 {
        %add3A_447 = arith.constant 5 : i32
        %add3A_448 = arith.addi %add3A_406, %add3A_447 : i32
        %sub3A_449 = arith.constant 1 : i32
        %sub3A_450 = arith.subi %add3A_448, %sub3A_449 : i32
        %dma_start3A_451 = arith.constant 3 : i32
        %dma_start3A_452 = arith.constant 0 : i32
        %dma_start3A_453 = arith.constant 0 : i32
        %dma_start3A_454 = tpu.memref_slice %arg7[%dma_start3A_451, %dma_start3A_452, %dma_start3A_453] : memref<5x128x32xi32, #tpu.memory_space<vmem>> -> memref<1x128x32xi32, #tpu.memory_space<vmem>>
        %dma_start3A_455 = tpu.memref_squeeze %dma_start3A_454 : memref<1x128x32xi32, #tpu.memory_space<vmem>> -> memref<128x32xi32, #tpu.memory_space<vmem>>
        %dma_start3A_456 = arith.constant 0 : i32
        %dma_start3A_457 = tpu.memref_slice %arg6[%sub3A_450, %dma_start3A_456] : memref<50x128xi32, #tpu.memory_space<vmem>> -> memref<1x128xi32, #tpu.memory_space<vmem>>
        %dma_start3A_458 = tpu.memref_squeeze %dma_start3A_457 : memref<1x128xi32, #tpu.memory_space<vmem>> -> memref<128xi32, #tpu.memory_space<vmem>>
        %dma_start3A_459 = arith.constant 0 : i32
        %dma_start3A_460 = arith.constant 0 : i32
        %dma_start3A_461 = tpu.memref_slice %arg3[%dma_start3A_459, %dma_start3A_460] : memref<100000x32xi32, #tpu.memory_space<hbm>> -> memref<100000x32xi32, #tpu.memory_space<hbm>>
        tpu.enqueue_indirect_dma source(%dma_start3A_461 : memref<100000x32xi32, #tpu.memory_space<hbm>>) target(%dma_start3A_455 : memref<128x32xi32, #tpu.memory_space<vmem>>) offsets(%dma_start3A_458 : memref<128xi32, #tpu.memory_space<vmem>>) semaphore(%arg14 : memref<!tpu.dma_semaphore, #tpu.memory_space<semaphore_mem>>)
      } else {
      }
      %dma_wait3A_416 = arith.constant 4 : i32
      %dma_wait3A_417 = arith.constant 0 : i32
      %dma_wait3A_418 = arith.constant 0 : i32
      %dma_wait3A_419 = tpu.memref_slice %arg7[%dma_wait3A_416, %dma_wait3A_417, %dma_wait3A_418] : memref<5x128x32xi32, #tpu.memory_space<vmem>> -> memref<1x128x32xi32, #tpu.memory_space<vmem>>
      %dma_wait3A_420 = tpu.memref_squeeze %dma_wait3A_419 : memref<1x128x32xi32, #tpu.memory_space<vmem>> -> memref<128x32xi32, #tpu.memory_space<vmem>>
      %dma_wait3A_421 = arith.constant 0 : i32
      %dma_wait3A_422 = tpu.memref_slice %arg6[%add3A_406, %dma_wait3A_421] : memref<50x128xi32, #tpu.memory_space<vmem>> -> memref<1x128xi32, #tpu.memory_space<vmem>>
      %dma_wait3A_423 = tpu.memref_squeeze %dma_wait3A_422 : memref<1x128xi32, #tpu.memory_space<vmem>> -> memref<128xi32, #tpu.memory_space<vmem>>
      %dma_wait3A_424 = arith.constant 0 : i32
      %dma_wait3A_425 = arith.constant 0 : i32
      %dma_wait3A_426 = tpu.memref_slice %arg3[%dma_wait3A_424, %dma_wait3A_425] : memref<100000x32xi32, #tpu.memory_space<hbm>> -> memref<100000x32xi32, #tpu.memory_space<hbm>>
      tpu.wait_indirect_dma semaphore(%arg15 : memref<!tpu.dma_semaphore, #tpu.memory_space<semaphore_mem>>) src(%dma_wait3A_426 : memref<100000x32xi32, #tpu.memory_space<hbm>>) dst(%dma_wait3A_420 : memref<128x32xi32, #tpu.memory_space<vmem>>)
      %ge3A_427 = arith.constant 5 : i32
      %ge3A_428 = arith.cmpi sge, %add3A_406, %ge3A_427 : i32
      %convert_element_type3A_429 = arith.extui %ge3A_428 : i1 to i32
      %cond3A_430 = arith.constant 0 : i32
      %cond3A_431 = arith.cmpi ne, %convert_element_type3A_429, %cond3A_430 : i32
      scf.if %cond3A_431 {
        %sub3A_447 = arith.constant 5 : i32
        %sub3A_448 = arith.subi %add3A_406, %sub3A_447 : i32
        %mul3A_449 = arith.constant 16384 : i32
        %mul3A_450 = arith.muli %add3A, %mul3A_449 : i32
        %multiple_of3A_451 = tpu.assume_multiple %mul3A_450, 8 : i32
        %mul3A_452 = arith.constant 524288 : i32
        %mul3A_453 = arith.muli %sub3A_448, %mul3A_452 : i32
        %add3A_454 = arith.addi %multiple_of3A_451, %mul3A_453 : i32
        %dma_wait3A_455 = arith.constant 65536 : i32
        %dma_wait3A_456 = tpu.memref_slice %arg8[%dma_wait3A_455] : memref<81920xf32, #tpu.memory_space<vmem>> -> memref<16384xf32, #tpu.memory_space<vmem>>
        %dma_wait3A_457 = tpu.memref_slice %arg5[%add3A_454] : memref<26214400xf32, #tpu.memory_space<hbm>> -> memref<16384xf32, #tpu.memory_space<hbm>>
        %dma_wait3A_458 = tpu.memref_slice %arg5[%add3A_454] : memref<26214400xf32, #tpu.memory_space<hbm>> -> memref<16384xf32, #tpu.memory_space<hbm>>
        %dma_wait3A_459 = arith.constant 65536 : i32
        %dma_wait3A_460 = tpu.memref_slice %arg8[%dma_wait3A_459] : memref<81920xf32, #tpu.memory_space<vmem>> -> memref<16384xf32, #tpu.memory_space<vmem>>
        tpu.wait_dma2 semaphore(%arg20 : memref<!tpu.dma_semaphore, #tpu.memory_space<semaphore_mem>>) src(%dma_wait3A_460 : memref<16384xf32, #tpu.memory_space<vmem>>) dst(%dma_wait3A_458 : memref<16384xf32, #tpu.memory_space<hbm>>)
      } else {
      }
      %parallel_loop3A_432 = arith.constant 0 : i32
      %parallel_loop3A_433 = arith.constant 128 : i32
      %parallel_loop3A_434 = arith.constant 1 : i32
      scf.for %parallel_loop3A_447 = %parallel_loop3A_432 to %parallel_loop3A_433 step %parallel_loop3A_434  : i32 {
        %parallel_loop3A_448 = arith.constant 512 : i32
        %parallel_loop3A_449 = arith.addi %parallel_loop3A_448, %parallel_loop3A_447 : i32
        %parallel_loop3A_450 = arith.constant 128 : i32
        %parallel_loop3A_451 = arith.muli %parallel_loop3A_449, %parallel_loop3A_450 : i32
        %parallel_loop3A_452 = arith.constant 4 : i32
        %parallel_loop3A_453 = arith.index_cast %parallel_loop3A_452 : i32 to index
        %parallel_loop3A_454 = arith.index_cast %parallel_loop3A_447 : i32 to index
        %parallel_loop3A_455 = arith.constant 0 : index
        %parallel_loop3A_456 = tpu.vector_load %arg7[%parallel_loop3A_453, %parallel_loop3A_454, %parallel_loop3A_455] {strides = array<i32>} : memref<5x128x32xi32, #tpu.memory_space<vmem>>, vector<16xi32>,
        %parallel_loop3A_457 = arith.constant 255 : i32
        %parallel_loop3A_458 = vector.broadcast %parallel_loop3A_457 : i32 to vector<16xi32>
        %parallel_loop3A_459 = arith.andi %parallel_loop3A_456, %parallel_loop3A_458 : vector<16xi32>
        %parallel_loop3A_460 = arith.sitofp %parallel_loop3A_459 : vector<16xi32> to vector<16xf32>
        %parallel_loop3A_461 = arith.subf %parallel_loop3A_460, %get3A_5 : vector<16xf32>
        %parallel_loop3A_462 = arith.mulf %parallel_loop3A_461, %get3A_3 : vector<16xf32>
        %parallel_loop3A_463 = arith.constant 0 : i32
        %parallel_loop3A_464 = arith.addi %parallel_loop3A_451, %parallel_loop3A_463 : i32
        %parallel_loop3A_465 = arith.constant 0 : i32
        %parallel_loop3A_466 = arith.addi %parallel_loop3A_464, %parallel_loop3A_465 : i32
        %parallel_loop3A_467 = arith.index_cast %parallel_loop3A_466 : i32 to index
        %parallel_loop3A_468 = tpu.vector_load %arg8[%parallel_loop3A_467] {strides = array<i32>} : memref<81920xf32, #tpu.memory_space<vmem>>, vector<16xf32>,
        tpu.vector_store %arg8[%parallel_loop3A_467], %parallel_loop3A_462 {strides = array<i32>} : memref<81920xf32, #tpu.memory_space<vmem>>, vector<16xf32>,
        %parallel_loop3A_469 = arith.constant 8 : i32
        %parallel_loop3A_470 = vector.broadcast %parallel_loop3A_469 : i32 to vector<16xi32>
        %parallel_loop3A_471 = arith.shrui %parallel_loop3A_456, %parallel_loop3A_470 : vector<16xi32>
        %parallel_loop3A_472 = arith.constant 255 : i32
        %parallel_loop3A_473 = vector.broadcast %parallel_loop3A_472 : i32 to vector<16xi32>
        %parallel_loop3A_474 = arith.andi %parallel_loop3A_471, %parallel_loop3A_473 : vector<16xi32>
        %parallel_loop3A_475 = tpu.vector_load_idx %arg9[%parallel_loop3A_474] : memref<256xf32, #tpu.memory_space<vmem>>[vector<16xi32>], vector<16xf32>,
        %parallel_loop3A_476 = arith.constant 32 : i32
        %parallel_loop3A_477 = arith.addi %parallel_loop3A_451, %parallel_loop3A_476 : i32
        %parallel_loop3A_478 = arith.constant 0 : i32
        %parallel_loop3A_479 = arith.addi %parallel_loop3A_477, %parallel_loop3A_478 : i32
        %parallel_loop3A_480 = arith.index_cast %parallel_loop3A_479 : i32 to index
        %parallel_loop3A_481 = tpu.vector_load %arg8[%parallel_loop3A_480] {strides = array<i32>} : memref<81920xf32, #tpu.memory_space<vmem>>, vector<16xf32>,
        tpu.vector_store %arg8[%parallel_loop3A_480], %parallel_loop3A_475 {strides = array<i32>} : memref<81920xf32, #tpu.memory_space<vmem>>, vector<16xf32>,
        %parallel_loop3A_482 = arith.constant 16 : i32
        %parallel_loop3A_483 = vector.broadcast %parallel_loop3A_482 : i32 to vector<16xi32>
        %parallel_loop3A_484 = arith.shrui %parallel_loop3A_456, %parallel_loop3A_483 : vector<16xi32>
        %parallel_loop3A_485 = arith.constant 255 : i32
        %parallel_loop3A_486 = vector.broadcast %parallel_loop3A_485 : i32 to vector<16xi32>
        %parallel_loop3A_487 = arith.andi %parallel_loop3A_484, %parallel_loop3A_486 : vector<16xi32>
        %parallel_loop3A_488 = tpu.vector_load_idx %arg9[%parallel_loop3A_487] : memref<256xf32, #tpu.memory_space<vmem>>[vector<16xi32>], vector<16xf32>,
        %parallel_loop3A_489 = arith.constant 64 : i32
        %parallel_loop3A_490 = arith.addi %parallel_loop3A_451, %parallel_loop3A_489 : i32
        %parallel_loop3A_491 = arith.constant 0 : i32
        %parallel_loop3A_492 = arith.addi %parallel_loop3A_490, %parallel_loop3A_491 : i32
        %parallel_loop3A_493 = arith.index_cast %parallel_loop3A_492 : i32 to index
        %parallel_loop3A_494 = tpu.vector_load %arg8[%parallel_loop3A_493] {strides = array<i32>} : memref<81920xf32, #tpu.memory_space<vmem>>, vector<16xf32>,
        tpu.vector_store %arg8[%parallel_loop3A_493], %parallel_loop3A_488 {strides = array<i32>} : memref<81920xf32, #tpu.memory_space<vmem>>, vector<16xf32>,
        %parallel_loop3A_495 = arith.constant 24 : i32
        %parallel_loop3A_496 = vector.broadcast %parallel_loop3A_495 : i32 to vector<16xi32>
        %parallel_loop3A_497 = arith.shrui %parallel_loop3A_456, %parallel_loop3A_496 : vector<16xi32>
        %parallel_loop3A_498 = arith.sitofp %parallel_loop3A_497 : vector<16xi32> to vector<16xf32>
        %parallel_loop3A_499 = arith.subf %parallel_loop3A_498, %get3A_5 : vector<16xf32>
        %parallel_loop3A_500 = arith.mulf %parallel_loop3A_499, %get3A_3 : vector<16xf32>
        %parallel_loop3A_501 = arith.constant 96 : i32
        %parallel_loop3A_502 = arith.addi %parallel_loop3A_451, %parallel_loop3A_501 : i32
        %parallel_loop3A_503 = arith.constant 0 : i32
        %parallel_loop3A_504 = arith.addi %parallel_loop3A_502, %parallel_loop3A_503 : i32
        %parallel_loop3A_505 = arith.index_cast %parallel_loop3A_504 : i32 to index
        %parallel_loop3A_506 = tpu.vector_load %arg8[%parallel_loop3A_505] {strides = array<i32>} : memref<81920xf32, #tpu.memory_space<vmem>>, vector<16xf32>,
        tpu.vector_store %arg8[%parallel_loop3A_505], %parallel_loop3A_500 {strides = array<i32>} : memref<81920xf32, #tpu.memory_space<vmem>>, vector<16xf32>,
        %parallel_loop3A_507 = arith.constant 4 : i32
        %parallel_loop3A_508 = arith.index_cast %parallel_loop3A_507 : i32 to index
        %parallel_loop3A_509 = arith.index_cast %parallel_loop3A_447 : i32 to index
        %parallel_loop3A_510 = arith.constant 16 : index
        %parallel_loop3A_511 = tpu.vector_load %arg7[%parallel_loop3A_508, %parallel_loop3A_509, %parallel_loop3A_510] {strides = array<i32>} : memref<5x128x32xi32, #tpu.memory_space<vmem>>, vector<16xi32>,
        %parallel_loop3A_512 = arith.constant 255 : i32
        %parallel_loop3A_513 = vector.broadcast %parallel_loop3A_512 : i32 to vector<16xi32>
        %parallel_loop3A_514 = arith.andi %parallel_loop3A_511, %parallel_loop3A_513 : vector<16xi32>
        %parallel_loop3A_515 = arith.sitofp %parallel_loop3A_514 : vector<16xi32> to vector<16xf32>
        %parallel_loop3A_516 = arith.subf %parallel_loop3A_515, %get3A_5 : vector<16xf32>
        %parallel_loop3A_517 = arith.mulf %parallel_loop3A_516, %get3A_3 : vector<16xf32>
        %parallel_loop3A_518 = arith.constant 0 : i32
        %parallel_loop3A_519 = arith.addi %parallel_loop3A_451, %parallel_loop3A_518 : i32
        %parallel_loop3A_520 = arith.constant 16 : i32
        %parallel_loop3A_521 = arith.addi %parallel_loop3A_519, %parallel_loop3A_520 : i32
        %parallel_loop3A_522 = arith.index_cast %parallel_loop3A_521 : i32 to index
        %parallel_loop3A_523 = tpu.vector_load %arg8[%parallel_loop3A_522] {strides = array<i32>} : memref<81920xf32, #tpu.memory_space<vmem>>, vector<16xf32>,
        tpu.vector_store %arg8[%parallel_loop3A_522], %parallel_loop3A_517 {strides = array<i32>} : memref<81920xf32, #tpu.memory_space<vmem>>, vector<16xf32>,
        %parallel_loop3A_524 = arith.constant 8 : i32
        %parallel_loop3A_525 = vector.broadcast %parallel_loop3A_524 : i32 to vector<16xi32>
        %parallel_loop3A_526 = arith.shrui %parallel_loop3A_511, %parallel_loop3A_525 : vector<16xi32>
        %parallel_loop3A_527 = arith.constant 255 : i32
        %parallel_loop3A_528 = vector.broadcast %parallel_loop3A_527 : i32 to vector<16xi32>
        %parallel_loop3A_529 = arith.andi %parallel_loop3A_526, %parallel_loop3A_528 : vector<16xi32>
        %parallel_loop3A_530 = tpu.vector_load_idx %arg9[%parallel_loop3A_529] : memref<256xf32, #tpu.memory_space<vmem>>[vector<16xi32>], vector<16xf32>,
        %parallel_loop3A_531 = arith.constant 32 : i32
        %parallel_loop3A_532 = arith.addi %parallel_loop3A_451, %parallel_loop3A_531 : i32
        %parallel_loop3A_533 = arith.constant 16 : i32
        %parallel_loop3A_534 = arith.addi %parallel_loop3A_532, %parallel_loop3A_533 : i32
        %parallel_loop3A_535 = arith.index_cast %parallel_loop3A_534 : i32 to index
        %parallel_loop3A_536 = tpu.vector_load %arg8[%parallel_loop3A_535] {strides = array<i32>} : memref<81920xf32, #tpu.memory_space<vmem>>, vector<16xf32>,
        tpu.vector_store %arg8[%parallel_loop3A_535], %parallel_loop3A_530 {strides = array<i32>} : memref<81920xf32, #tpu.memory_space<vmem>>, vector<16xf32>,
        %parallel_loop3A_537 = arith.constant 16 : i32
        %parallel_loop3A_538 = vector.broadcast %parallel_loop3A_537 : i32 to vector<16xi32>
        %parallel_loop3A_539 = arith.shrui %parallel_loop3A_511, %parallel_loop3A_538 : vector<16xi32>
        %parallel_loop3A_540 = arith.constant 255 : i32
        %parallel_loop3A_541 = vector.broadcast %parallel_loop3A_540 : i32 to vector<16xi32>
        %parallel_loop3A_542 = arith.andi %parallel_loop3A_539, %parallel_loop3A_541 : vector<16xi32>
        %parallel_loop3A_543 = tpu.vector_load_idx %arg9[%parallel_loop3A_542] : memref<256xf32, #tpu.memory_space<vmem>>[vector<16xi32>], vector<16xf32>,
        %parallel_loop3A_544 = arith.constant 64 : i32
        %parallel_loop3A_545 = arith.addi %parallel_loop3A_451, %parallel_loop3A_544 : i32
        %parallel_loop3A_546 = arith.constant 16 : i32
        %parallel_loop3A_547 = arith.addi %parallel_loop3A_545, %parallel_loop3A_546 : i32
        %parallel_loop3A_548 = arith.index_cast %parallel_loop3A_547 : i32 to index
        %parallel_loop3A_549 = tpu.vector_load %arg8[%parallel_loop3A_548] {strides = array<i32>} : memref<81920xf32, #tpu.memory_space<vmem>>, vector<16xf32>,
        tpu.vector_store %arg8[%parallel_loop3A_548], %parallel_loop3A_543 {strides = array<i32>} : memref<81920xf32, #tpu.memory_space<vmem>>, vector<16xf32>,
        %parallel_loop3A_550 = arith.constant 24 : i32
        %parallel_loop3A_551 = vector.broadcast %parallel_loop3A_550 : i32 to vector<16xi32>
        %parallel_loop3A_552 = arith.shrui %parallel_loop3A_511, %parallel_loop3A_551 : vector<16xi32>
        %parallel_loop3A_553 = arith.sitofp %parallel_loop3A_552 : vector<16xi32> to vector<16xf32>
        %parallel_loop3A_554 = arith.subf %parallel_loop3A_553, %get3A_5 : vector<16xf32>
        %parallel_loop3A_555 = arith.mulf %parallel_loop3A_554, %get3A_3 : vector<16xf32>
        %parallel_loop3A_556 = arith.constant 96 : i32
        %parallel_loop3A_557 = arith.addi %parallel_loop3A_451, %parallel_loop3A_556 : i32
        %parallel_loop3A_558 = arith.constant 16 : i32
        %parallel_loop3A_559 = arith.addi %parallel_loop3A_557, %parallel_loop3A_558 : i32
        %parallel_loop3A_560 = arith.index_cast %parallel_loop3A_559 : i32 to index
        %parallel_loop3A_561 = tpu.vector_load %arg8[%parallel_loop3A_560] {strides = array<i32>} : memref<81920xf32, #tpu.memory_space<vmem>>, vector<16xf32>,
        tpu.vector_store %arg8[%parallel_loop3A_560], %parallel_loop3A_555 {strides = array<i32>} : memref<81920xf32, #tpu.memory_space<vmem>>, vector<16xf32>,
      } {sc.loop_unroll_factor = 4 : i64, sc.parallel_access}
      %mul3A_435 = arith.constant 16384 : i32
      %mul3A_436 = arith.muli %add3A, %mul3A_435 : i32
      %multiple_of3A_437 = tpu.assume_multiple %mul3A_436, 8 : i32
      %mul3A_438 = arith.constant 524288 : i32
      %mul3A_439 = arith.muli %add3A_406, %mul3A_438 : i32
      %add3A_440 = arith.addi %multiple_of3A_437, %mul3A_439 : i32
      %dma_start3A_441 = arith.constant 65536 : i32
      %dma_start3A_442 = tpu.memref_slice %arg8[%dma_start3A_441] : memref<81920xf32, #tpu.memory_space<vmem>> -> memref<16384xf32, #tpu.memory_space<vmem>>
      %dma_start3A_443 = tpu.memref_slice %arg5[%add3A_440] : memref<26214400xf32, #tpu.memory_space<hbm>> -> memref<16384xf32, #tpu.memory_space<hbm>>
      %dma_start3A_444 = tpu.memref_slice %arg5[%add3A_440] : memref<26214400xf32, #tpu.memory_space<hbm>> -> memref<16384xf32, #tpu.memory_space<hbm>>
      %dma_start3A_445 = arith.constant 65536 : i32
      %dma_start3A_446 = tpu.memref_slice %arg8[%dma_start3A_445] : memref<81920xf32, #tpu.memory_space<vmem>> -> memref<16384xf32, #tpu.memory_space<vmem>>
      tpu.enqueue_dma source(%dma_start3A_446 : memref<16384xf32, #tpu.memory_space<vmem>>) target(%dma_start3A_444 : memref<16384xf32, #tpu.memory_space<hbm>>) target_semaphore(%arg20 : memref<!tpu.dma_semaphore, #tpu.memory_space<semaphore_mem>>)
    }
    %scan3A_181 = arith.constant 10 : i32
    %mul3A_182 = arith.constant 16384 : i32
    %mul3A_183 = arith.muli %add3A, %mul3A_182 : i32
    %multiple_of3A_184 = tpu.assume_multiple %mul3A_183, 8 : i32
    %add3A_185 = arith.constant 23592960 : i32
    %add3A_186 = arith.addi %multiple_of3A_184, %add3A_185 : i32
    %dma_wait3A = arith.constant 0 : i32
    %dma_wait3A_187 = tpu.memref_slice %arg8[%dma_wait3A] : memref<81920xf32, #tpu.memory_space<vmem>> -> memref<16384xf32, #tpu.memory_space<vmem>>
    %dma_wait3A_188 = tpu.memref_slice %arg5[%add3A_186] : memref<26214400xf32, #tpu.memory_space<hbm>> -> memref<16384xf32, #tpu.memory_space<hbm>>
    %dma_wait3A_189 = tpu.memref_slice %arg5[%add3A_186] : memref<26214400xf32, #tpu.memory_space<hbm>> -> memref<16384xf32, #tpu.memory_space<hbm>>
    %dma_wait3A_190 = arith.constant 0 : i32
    %dma_wait3A_191 = tpu.memref_slice %arg8[%dma_wait3A_190] : memref<81920xf32, #tpu.memory_space<vmem>> -> memref<16384xf32, #tpu.memory_space<vmem>>
    tpu.wait_dma2 semaphore(%arg16 : memref<!tpu.dma_semaphore, #tpu.memory_space<semaphore_mem>>) src(%dma_wait3A_191 : memref<16384xf32, #tpu.memory_space<vmem>>) dst(%dma_wait3A_189 : memref<16384xf32, #tpu.memory_space<hbm>>)
    %mul3A_192 = arith.constant 16384 : i32
    %mul3A_193 = arith.muli %add3A, %mul3A_192 : i32
    %multiple_of3A_194 = tpu.assume_multiple %mul3A_193, 8 : i32
    %add3A_195 = arith.constant 24117248 : i32
    %add3A_196 = arith.addi %multiple_of3A_194, %add3A_195 : i32
    %dma_wait3A_197 = arith.constant 16384 : i32
    %dma_wait3A_198 = tpu.memref_slice %arg8[%dma_wait3A_197] : memref<81920xf32, #tpu.memory_space<vmem>> -> memref<16384xf32, #tpu.memory_space<vmem>>
    %dma_wait3A_199 = tpu.memref_slice %arg5[%add3A_196] : memref<26214400xf32, #tpu.memory_space<hbm>> -> memref<16384xf32, #tpu.memory_space<hbm>>
    %dma_wait3A_200 = tpu.memref_slice %arg5[%add3A_196] : memref<26214400xf32, #tpu.memory_space<hbm>> -> memref<16384xf32, #tpu.memory_space<hbm>>
    %dma_wait3A_201 = arith.constant 16384 : i32
    %dma_wait3A_202 = tpu.memref_slice %arg8[%dma_wait3A_201] : memref<81920xf32, #tpu.memory_space<vmem>> -> memref<16384xf32, #tpu.memory_space<vmem>>
    tpu.wait_dma2 semaphore(%arg17 : memref<!tpu.dma_semaphore, #tpu.memory_space<semaphore_mem>>) src(%dma_wait3A_202 : memref<16384xf32, #tpu.memory_space<vmem>>) dst(%dma_wait3A_200 : memref<16384xf32, #tpu.memory_space<hbm>>)
    %mul3A_203 = arith.constant 16384 : i32
    %mul3A_204 = arith.muli %add3A, %mul3A_203 : i32
    %multiple_of3A_205 = tpu.assume_multiple %mul3A_204, 8 : i32
    %add3A_206 = arith.constant 24641536 : i32
    %add3A_207 = arith.addi %multiple_of3A_205, %add3A_206 : i32
    %dma_wait3A_208 = arith.constant 32768 : i32
    %dma_wait3A_209 = tpu.memref_slice %arg8[%dma_wait3A_208] : memref<81920xf32, #tpu.memory_space<vmem>> -> memref<16384xf32, #tpu.memory_space<vmem>>
    %dma_wait3A_210 = tpu.memref_slice %arg5[%add3A_207] : memref<26214400xf32, #tpu.memory_space<hbm>> -> memref<16384xf32, #tpu.memory_space<hbm>>
    %dma_wait3A_211 = tpu.memref_slice %arg5[%add3A_207] : memref<26214400xf32, #tpu.memory_space<hbm>> -> memref<16384xf32, #tpu.memory_space<hbm>>
    %dma_wait3A_212 = arith.constant 32768 : i32
    %dma_wait3A_213 = tpu.memref_slice %arg8[%dma_wait3A_212] : memref<81920xf32, #tpu.memory_space<vmem>> -> memref<16384xf32, #tpu.memory_space<vmem>>
    tpu.wait_dma2 semaphore(%arg18 : memref<!tpu.dma_semaphore, #tpu.memory_space<semaphore_mem>>) src(%dma_wait3A_213 : memref<16384xf32, #tpu.memory_space<vmem>>) dst(%dma_wait3A_211 : memref<16384xf32, #tpu.memory_space<hbm>>)
    %mul3A_214 = arith.constant 16384 : i32
    %mul3A_215 = arith.muli %add3A, %mul3A_214 : i32
    %multiple_of3A_216 = tpu.assume_multiple %mul3A_215, 8 : i32
    %add3A_217 = arith.constant 25165824 : i32
    %add3A_218 = arith.addi %multiple_of3A_216, %add3A_217 : i32
    %dma_wait3A_219 = arith.constant 49152 : i32
    %dma_wait3A_220 = tpu.memref_slice %arg8[%dma_wait3A_219] : memref<81920xf32, #tpu.memory_space<vmem>> -> memref<16384xf32, #tpu.memory_space<vmem>>
    %dma_wait3A_221 = tpu.memref_slice %arg5[%add3A_218] : memref<26214400xf32, #tpu.memory_space<hbm>> -> memref<16384xf32, #tpu.memory_space<hbm>>
    %dma_wait3A_222 = tpu.memref_slice %arg5[%add3A_218] : memref<26214400xf32, #tpu.memory_space<hbm>> -> memref<16384xf32, #tpu.memory_space<hbm>>
    %dma_wait3A_223 = arith.constant 49152 : i32
    %dma_wait3A_224 = tpu.memref_slice %arg8[%dma_wait3A_223] : memref<81920xf32, #tpu.memory_space<vmem>> -> memref<16384xf32, #tpu.memory_space<vmem>>
    tpu.wait_dma2 semaphore(%arg19 : memref<!tpu.dma_semaphore, #tpu.memory_space<semaphore_mem>>) src(%dma_wait3A_224 : memref<16384xf32, #tpu.memory_space<vmem>>) dst(%dma_wait3A_222 : memref<16384xf32, #tpu.memory_space<hbm>>)
    %mul3A_225 = arith.constant 16384 : i32
    %mul3A_226 = arith.muli %add3A, %mul3A_225 : i32
    %multiple_of3A_227 = tpu.assume_multiple %mul3A_226, 8 : i32
    %add3A_228 = arith.constant 25690112 : i32
    %add3A_229 = arith.addi %multiple_of3A_227, %add3A_228 : i32
    %dma_wait3A_230 = arith.constant 65536 : i32
    %dma_wait3A_231 = tpu.memref_slice %arg8[%dma_wait3A_230] : memref<81920xf32, #tpu.memory_space<vmem>> -> memref<16384xf32, #tpu.memory_space<vmem>>
    %dma_wait3A_232 = tpu.memref_slice %arg5[%add3A_229] : memref<26214400xf32, #tpu.memory_space<hbm>> -> memref<16384xf32, #tpu.memory_space<hbm>>
    %dma_wait3A_233 = tpu.memref_slice %arg5[%add3A_229] : memref<26214400xf32, #tpu.memory_space<hbm>> -> memref<16384xf32, #tpu.memory_space<hbm>>
    %dma_wait3A_234 = arith.constant 65536 : i32
    %dma_wait3A_235 = tpu.memref_slice %arg8[%dma_wait3A_234] : memref<81920xf32, #tpu.memory_space<vmem>> -> memref<16384xf32, #tpu.memory_space<vmem>>
    tpu.wait_dma2 semaphore(%arg20 : memref<!tpu.dma_semaphore, #tpu.memory_space<semaphore_mem>>) src(%dma_wait3A_235 : memref<16384xf32, #tpu.memory_space<vmem>>) dst(%dma_wait3A_233 : memref<16384xf32, #tpu.memory_space<hbm>>)
    return
  }
}

module attributes {stable_mosaic.version = 14 : i64} {
  func.func @_repack_body(%arg0: i32, %arg1: memref<800x128xi8, #tpu.memory_space<vmem>>, %arg2: memref<200x128xi32, #tpu.memory_space<vmem>>) attributes {dimension_semantics = [#tpu.dimension_semantics<arbitrary>], iteration_bounds = array<i64: 125>, scalar_prefetch = 0 : i64, scratch_operands = 0 : i64, tpu.core_type = #tpu.core_type<tc>, window_params = [{transform_indices = @transform_0, window_bounds = array<i64: 800, 128>}, {transform_indices = @transform_1, window_bounds = array<i64: 200, 128>}]} {
    %get3A = arith.constant 0 : index
    %get3A_0 = arith.constant 0 : index
    %get3A_1 = vector.load %arg1[%get3A, %get3A_0] : memref<800x128xi8, #tpu.memory_space<vmem>>, vector<800x128xi8>
    %bitcast3A = tpu.bitcast %get3A_1 : vector<800x128xi8> -> vector<200x128xi32>
    %iota3A = tpu.iota {dimensions = array<i32: 1>} : vector<200x128xi32>
    %jit3A = arith.constant 32 : i32
    %div3A = vector.broadcast %jit3A : i32 to vector<200x128xi32>
    %div3A_2 = arith.divsi %iota3A, %div3A : vector<200x128xi32>
    %sign3A = arith.constant 0 : i32
    %sign3A_3 = vector.broadcast %sign3A : i32 to vector<200x128xi32>
    %sign3A_4 = arith.cmpi sgt, %iota3A, %sign3A_3 : vector<200x128xi32>
    %sign3A_5 = arith.extui %sign3A_4 : vector<200x128xi1> to vector<200x128xi32>
    %sign3A_6 = arith.constant 0 : i32
    %sign3A_7 = vector.broadcast %sign3A_6 : i32 to vector<200x128xi32>
    %sign3A_8 = arith.cmpi slt, %iota3A, %sign3A_7 : vector<200x128xi32>
    %sign3A_9 = arith.extui %sign3A_8 : vector<200x128xi1> to vector<200x128xi32>
    %sign3A_10 = arith.subi %sign3A_5, %sign3A_9 : vector<200x128xi32>
    %sign3A_11 = arith.constant 0 : i32
    %sign3A_12 = arith.cmpi sgt, %jit3A, %sign3A_11 : i32
    %sign3A_13 = arith.extui %sign3A_12 : i1 to i32
    %sign3A_14 = arith.constant 0 : i32
    %sign3A_15 = arith.cmpi slt, %jit3A, %sign3A_14 : i32
    %sign3A_16 = arith.extui %sign3A_15 : i1 to i32
    %sign3A_17 = arith.subi %sign3A_13, %sign3A_16 : i32
    %ne3A = vector.broadcast %sign3A_17 : i32 to vector<200x128xi32>
    %ne3A_18 = arith.cmpi ne, %sign3A_10, %ne3A : vector<200x128xi32>
    %rem3A = vector.broadcast %jit3A : i32 to vector<200x128xi32>
    %rem3A_19 = arith.remsi %iota3A, %rem3A : vector<200x128xi32>
    %ne3A_20 = arith.constant 0 : i32
    %ne3A_21 = vector.broadcast %ne3A_20 : i32 to vector<200x128xi32>
    %ne3A_22 = arith.cmpi ne, %rem3A_19, %ne3A_21 : vector<200x128xi32>
    %and3A = arith.andi %ne3A_18, %ne3A_22 : vector<200x128xi1>
    %sub3A = arith.constant 1 : i32
    %sub3A_23 = vector.broadcast %sub3A : i32 to vector<200x128xi32>
    %sub3A_24 = arith.subi %div3A_2, %sub3A_23 : vector<200x128xi32>
    %select_n3A = arith.select %and3A, %sub3A_24, %div3A_2 : vector<200x128xi1>, vector<200x128xi32>
    %mul3A = arith.constant 8 : i32
    %mul3A_25 = vector.broadcast %mul3A : i32 to vector<200x128xi32>
    %mul3A_26 = arith.muli %select_n3A, %mul3A_25 : vector<200x128xi32>
    %slice3A = vector.extract_strided_slice %bitcast3A {offsets = [0, 0], sizes = [200, 32], strides = [1, 1]} : vector<200x128xi32> to vector<200x32xi32>
    %concatenate3A = tpu.concatenate %slice3A, %slice3A, %slice3A, %slice3A in 1 : vector<200x32xi32>, vector<200x32xi32>, vector<200x32xi32>, vector<200x32xi32> -> vector<200x128xi32>
    %shift_right_logical3A = arith.shrui %concatenate3A, %mul3A_26 : vector<200x128xi32>
    %and3A_27 = arith.constant 255 : i32
    %and3A_28 = vector.broadcast %and3A_27 : i32 to vector<200x128xi32>
    %and3A_29 = arith.andi %shift_right_logical3A, %and3A_28 : vector<200x128xi32>
    %slice3A_30 = vector.extract_strided_slice %bitcast3A {offsets = [0, 32], sizes = [200, 32], strides = [1, 1]} : vector<200x128xi32> to vector<200x32xi32>
    %concatenate3A_31 = tpu.concatenate %slice3A_30, %slice3A_30, %slice3A_30, %slice3A_30 in 1 : vector<200x32xi32>, vector<200x32xi32>, vector<200x32xi32>, vector<200x32xi32> -> vector<200x128xi32>
    %shift_right_logical3A_32 = arith.shrui %concatenate3A_31, %mul3A_26 : vector<200x128xi32>
    %and3A_33 = arith.constant 255 : i32
    %and3A_34 = vector.broadcast %and3A_33 : i32 to vector<200x128xi32>
    %and3A_35 = arith.andi %shift_right_logical3A_32, %and3A_34 : vector<200x128xi32>
    %shift_left3A = arith.constant 8 : i32
    %shift_left3A_36 = vector.broadcast %shift_left3A : i32 to vector<200x128xi32>
    %shift_left3A_37 = arith.shli %and3A_35, %shift_left3A_36 : vector<200x128xi32>
    %or3A = arith.ori %and3A_29, %shift_left3A_37 : vector<200x128xi32>
    %slice3A_38 = vector.extract_strided_slice %bitcast3A {offsets = [0, 64], sizes = [200, 32], strides = [1, 1]} : vector<200x128xi32> to vector<200x32xi32>
    %concatenate3A_39 = tpu.concatenate %slice3A_38, %slice3A_38, %slice3A_38, %slice3A_38 in 1 : vector<200x32xi32>, vector<200x32xi32>, vector<200x32xi32>, vector<200x32xi32> -> vector<200x128xi32>
    %shift_right_logical3A_40 = arith.shrui %concatenate3A_39, %mul3A_26 : vector<200x128xi32>
    %and3A_41 = arith.constant 255 : i32
    %and3A_42 = vector.broadcast %and3A_41 : i32 to vector<200x128xi32>
    %and3A_43 = arith.andi %shift_right_logical3A_40, %and3A_42 : vector<200x128xi32>
    %shift_left3A_44 = arith.constant 16 : i32
    %shift_left3A_45 = vector.broadcast %shift_left3A_44 : i32 to vector<200x128xi32>
    %shift_left3A_46 = arith.shli %and3A_43, %shift_left3A_45 : vector<200x128xi32>
    %or3A_47 = arith.ori %or3A, %shift_left3A_46 : vector<200x128xi32>
    %slice3A_48 = vector.extract_strided_slice %bitcast3A {offsets = [0, 96], sizes = [200, 32], strides = [1, 1]} : vector<200x128xi32> to vector<200x32xi32>
    %concatenate3A_49 = tpu.concatenate %slice3A_48, %slice3A_48, %slice3A_48, %slice3A_48 in 1 : vector<200x32xi32>, vector<200x32xi32>, vector<200x32xi32>, vector<200x32xi32> -> vector<200x128xi32>
    %shift_right_logical3A_50 = arith.shrui %concatenate3A_49, %mul3A_26 : vector<200x128xi32>
    %and3A_51 = arith.constant 255 : i32
    %and3A_52 = vector.broadcast %and3A_51 : i32 to vector<200x128xi32>
    %and3A_53 = arith.andi %shift_right_logical3A_50, %and3A_52 : vector<200x128xi32>
    %shift_left3A_54 = arith.constant 24 : i32
    %shift_left3A_55 = vector.broadcast %shift_left3A_54 : i32 to vector<200x128xi32>
    %shift_left3A_56 = arith.shli %and3A_53, %shift_left3A_55 : vector<200x128xi32>
    %or3A_57 = arith.ori %or3A_47, %shift_left3A_56 : vector<200x128xi32>
    %swap3A = arith.constant 0 : index
    %swap3A_58 = arith.constant 0 : index
    %swap3A_59 = vector.load %arg2[%swap3A, %swap3A_58] : memref<200x128xi32, #tpu.memory_space<vmem>>, vector<200x128xi32>
    tpu.vector_store %arg2[%swap3A, %swap3A_58], %or3A_57 {strides = array<i32>} : memref<200x128xi32, #tpu.memory_space<vmem>>, vector<200x128xi32>,
    return
  }
  func.func @transform_0(%arg0: i32) -> (i32, i32) {
    %c0_i32 = arith.constant 0 : i32
    %c0_i32_0 = arith.constant 0 : i32
    return %arg0, %c0_i32 : i32, i32
  }
  func.func @transform_1(%arg0: i32) -> (i32, i32) {
    %c0_i32 = arith.constant 0 : i32
    %c0_i32_0 = arith.constant 0 : i32
    return %arg0, %c0_i32 : i32, i32
  }
}

</mosaic_0001>

<sc_bundles>
// kernel: kernel.4.cloned.1.call-start
scs
__scs_entry_jumppad:
0x0: {  	(pc) =	sbr.rel $0x88, $3  }
0x1: {  	(tag) =	ssettag $0x0;
	lr =	simm.s32 $0x1  }
0x2: {  	[smem:$0x3F9D] =	sst lr;
	_ =	strace $0xD0000000  }
0x3: {  	_ = 	snop  }
0x4: {  	_ = 	snop  }
0x5: {  	_ = 	snop  }
0x6: {  	_ = 	snop  }
0x7: {  	_ = 	snop  }
__scs_overlays_trampoline_lowered:
0x8: {  	[smem:$0x3FAC] =	sst s0  }
0x9: {  	[smem:$0x3FAD] =	sst s1  }
0xa: {  	[smem:$0x3FAE] =	sst s2  }
0xb: {  	[smem:$0x3FAF] =	sst s3  }
0xc: {  	[smem:$0x3FB0] =	sst s4  }
0xd: {  	[smem:$0x3FB1] =	sst s5  }
0xe: {  	[smem:$0x3FB2] =	sst s6  }
0xf: {  	[smem:$0x3FB3] =	sst s7  }
0x10: {  	[smem:$0x3FB4] =	sst s8  }
0x11: {  	[smem:$0x3FB5] =	sst s9;
	s0 =	simm.s32 @!p0 $0x0  }
0x12: {  	s1 =	sld [smem:$0x3F9B];
	s0 =	simm.s32 @p0 $0x1  }
0x13: {  	[smem:$0x3FB6] =	sst s0;
	s0 =	simm.s32 @!p1 $0x0  }
0x14: {  	s2 =	sld [smem:$0x3F9A];
	s0 =	simm.s32 @p1 $0x1  }
0x15: {  	[smem:$0x3FB7] =	sst s0;
	s0 =	simm.s32 @!p2 $0x0  }
0x16: {  	s3 =	sld [smem:$0x3FDB];
	s0 =	simm.s32 @p2 $0x1  }
0x17: {  	s4 =	simm.s32 $0x1BF5;
	[smem:$0x3FB9] =	sst s0  }
0x18: {  	s0 =	sld [smem:$0x3F9C];
	_ =	swait.ge [sflag:s4], $0x0  }
0x19: {  	s7 =	sld [smem:$0x3F9D]  }
0x1a: {  	s8 =	sadd.s32 $0xFFFFE003, lr  }
0x1b: {  	s9 =	sadd.s32 $0xFFFFFEF7, lr;
	s5 =	simm.s32 $0xFFFFFFFF;
	p2 =	slt.u32 s8, $0xFFFFF086  }
0x1c: {  	p1 =	slt.u32 s9, $0xF7A;
	s5 =	simm.s32 @!p2 $0x0  }
0x1d: {  	s5 =	simm.s32 @p1 $0x1;
	p0 =	seq.s32 s7, s2  }
0x1e: {  	s7 =	smul.u32 @!p0 $0xF7A, s2;
	p2 =	seq.s32 @!p0 s5, $0x0  }
0x1f: {  	s9 =	smul.u32 $0xF7A, s1;
	s8 =	simm.s32 @!p0 $0x1BF5;
	p2 =	por !p2, p0  }
0x20: {  	[sflag:s8] =	ssyncset.s32 @!p0 $0xFFFFF086;
	s6 =	sadd.s32 @!p0 s3, s7;
	s7 =	simm.s32 @!p0 $0x108  }
0x21: {  	s3 =	sadd.s32 s3, s9;
	s6 =	sadd.s32 @!p0 $0x88, s6;
	s7 =	simm.s32 @p2 $0x1082  }
0x22: {  	[simem:s7], [sflag:s8] =	dma.local @!p0 [hbm:s6], $0xF7A  }
0x23: {  	s9 =	sor.u32 $0xD0000000, s2;
	s6 =	simm.s32 $0x108;
	_ =	swait.ge @!p0 [sflag:s8], $0x0  }
0x24: {  	s3 =	sadd.s32 $0x88, s3;
	s6 =	simm.s32 @!p1 $0x1082;
	[sflag:s4] =	ssyncset.s32 $0xFFFFF086  }
0x25: {  	[simem:s6], [sflag:s4] =	dma.local [hbm:s3], $0xF7A  }
0x26: {  	[smem:$0x3F9D] =	sst s1;
	(tag) =	ssettag s2;
	_ =	strace s9  }
0x27: {  	s1 =	sld [smem:$0x3FAD]  }
0x28: {  	s2 =	sld [smem:$0x3FAE]  }
0x29: {  	s4 =	sld [smem:$0x3FB0]  }
0x2a: {  	p0 =	seq.s32 s5, $0x0;
	s5 =	sld [smem:$0x3FB1]  }
0x2b: {  	s6 =	sld [smem:$0x3FB2]  }
0x2c: {  	s7 =	sld [smem:$0x3FB3]  }
0x2d: {  	s3 =	simm.s32 $0x108;
	s8 =	sld [smem:$0x3FB4]  }
0x2e: {  	s3 =	simm.s32 @!p0 $0x1082;
	s9 =	sld [smem:$0x3FB5]  }
0x2f: {  	lr =	sadd.s32 s0, s3;
	s0 =	sld [smem:$0x3FAC]  }
0x30: {  	s3 =	sld [smem:$0x3FAF]  }
0x31: {  	[smem:$0x3FB8] =	sst s10  }
0x32: {  	s10 =	sld [smem:$0x3FB6];
	_ =	sdelay $0x3  }
0x33: {  	p0 =	seq.s32 s10, $0x1;
	s10 =	sld [smem:$0x3FB8];
	_ =	sdelay $0x3  }
0x34: {  	[smem:$0x3FB8] =	sst s10  }
0x35: {  	s10 =	sld [smem:$0x3FB7];
	_ =	sdelay $0x3  }
0x36: {  	p1 =	seq.s32 s10, $0x1;
	s10 =	sld [smem:$0x3FB8];
	_ =	sdelay $0x3  }
0x37: {  	[smem:$0x3FB8] =	sst s10  }
0x38: {  	s10 =	sld [smem:$0x3FB9]  }
0x39: {  	_ = 	snop;
	(pc) =	sbr.ind lr, $3  }
0x3a: {  	_ = 	snop  }
0x3b: {  	_ = 	snop  }
0x3c: {  	p2 =	seq.s32 s10, $0x1;
	s10 =	sld [smem:$0x3FB8]  }
0x3d: {  	_ =	shalt  }
0x3e: {  	_ =	shalt  }
0x3f: {  	_ =	shalt  }
0x40: {  	_ =	shalt  }
0x41: {  	_ =	shalt  }
0x42: {  	_ =	shalt  }
0x43: {  	_ =	shalt  }
0x44: {  	_ =	shalt  }
0x45: {  	_ =	shalt  }
0x46: {  	_ =	shalt  }
0x47: {  	_ =	shalt  }
0x48: {  	_ =	shalt  }
0x49: {  	_ =	shalt  }
0x4a: {  	_ =	shalt  }
0x4b: {  	_ =	shalt  }
0x4c: {  	_ =	shalt  }
0x4d: {  	_ =	shalt  }
0x4e: {  	_ =	shalt  }
0x4f: {  	_ =	shalt  }
0x50: {  	_ =	shalt  }
0x51: {  	_ =	shalt  }
0x52: {  	_ =	shalt  }
0x53: {  	_ =	shalt  }
0x54: {  	_ =	shalt  }
0x55: {  	_ =	shalt  }
0x56: {  	_ =	shalt  }
0x57: {  	_ =	shalt  }
0x58: {  	_ =	shalt  }
0x59: {  	_ =	shalt  }
0x5a: {  	_ =	shalt  }
0x5b: {  	_ =	shalt  }
0x5c: {  	_ =	shalt  }
0x5d: {  	_ =	shalt  }
0x5e: {  	_ =	shalt  }
0x5f: {  	_ =	shalt  }
0x60: {  	_ =	shalt  }
0x61: {  	_ =	shalt  }
0x62: {  	_ =	shalt  }
0x63: {  	_ =	shalt  }
0x64: {  	_ =	shalt  }
0x65: {  	_ =	shalt  }
0x66: {  	_ =	shalt  }
0x67: {  	_ =	shalt  }
0x68: {  	_ =	shalt  }
0x69: {  	_ =	shalt  }
0x6a: {  	_ =	shalt  }
0x6b: {  	_ =	shalt  }
0x6c: {  	_ =	shalt  }
0x6d: {  	_ =	shalt  }
0x6e: {  	_ =	shalt  }
0x6f: {  	_ =	shalt  }
0x70: {  	_ =	shalt  }
0x71: {  	_ =	shalt  }
0x72: {  	_ =	shalt  }
0x73: {  	_ =	shalt  }
0x74: {  	_ =	shalt  }
0x75: {  	_ =	shalt  }
0x76: {  	_ =	shalt  }
0x77: {  	_ =	shalt  }
0x78: {  	_ =	shalt  }
0x79: {  	_ =	shalt  }
0x7a: {  	_ =	shalt  }
0x7b: {  	_ =	shalt  }
0x7c: {  	_ =	shalt  }
0x7d: {  	_ =	shalt  }
0x7e: {  	_ =	shalt  }
0x7f: {  	_ =	shalt  }
0x80: {  	_ =	shalt  }
0x81: {  	_ =	shalt  }
0x82: {  	_ =	shalt  }
0x83: {  	_ =	shalt  }
0x84: {  	_ =	shalt  }
0x85: {  	_ =	shalt  }
0x86: {  	_ =	shalt  }
0x87: {  	_ =	shalt  }
.Lfunc_end0:
.L_simem_size_0:
called_computation_lowered:
.L_overlay_start_0:
0x88: {  	s2 =	sld [smem:$0x3FD9]  }
0x89: {  	s3 =	sld [smem:$0x3FFE];
	_ =	sdelay $0x1  }
0x8a: {  	s1 =	srdreg.scid  }
0x8b: {  	s0 =	sand.u32 $0x1, s1  }
0x8c: {  	s17 =	sshll.u32 s0, $0xA;
	s2 =	sadd.s32 s3, s2  }
0x8d: {  	s2 =	sadd.s32 s2, s17  }
0x8e: {  	[smem:$0x3FC4] =	sst s2  }
0x8f: {  	_ = 	snop  }
0x90: {  	s2 =	sld [smem:$0x3FD0];
	(tm) =	ssettm $0x1  }
0x91: {  	s18 =	sld [smem:$0x3FFB];
	_ =	sdelay $0x3  }
0x92: {  	_ =	strace s18  }
0x93: {  	s3 =	sld [smem:$0x3FFC];
	_ =	sdelay $0x3  }
0x94: {  	_ =	strace s3  }
0x95: {  	s3 =	sld [smem:$0x3FFD];
	_ =	sdelay $0x3  }
0x96: {  	_ =	strace s3  }
0x97: {  	_ =	strace $0x8FFFFFFF  }
0x98: {  	s19 =	sld [smem:$0x3FDB];
	_ =	sdelay $0x1  }
0x99: {  	s4 =	simm.s32 $_scs_section_size  }
0x9a: {  	s5 =	simm.s32 $_size__tile_overlayer_lowered;
	s6 =	simm.s32 $_tile_overlayer_lowered  }
0x9b: {  	s22 =	simm.s32 $0x1BFF;
	s21 =	sshll.u32 s6, $0x1;
	s3 =	sadd.s32 s4, s19  }
0x9c: {  	s7 =	simm.s32 $0x0;
	s20 =	sshll.u32 s5, $0x1;
	s5 =	sadd.s32 s21, s3  }
0x9d: {  	[timem:s7], [sflag:s22] =	dma.local [hbm:s5], s20  }
0x9e: {  	_ =	swait.ge [sflag:s22], s20  }
0x9f: {  	s4 =	ssub.s32 $0x0, s20;
	[sflag:s22] =	ssyncset.done $0x0  }
0xa0: {  	[sflag:s22] =	ssyncadd.s32 s4;
	_ =	sdelay $0x1  }
0xa1: {  	s23 =	simm.s32 $0x1B8B  }
0xa2: {  	_ =	swait.ge [sflag:s23], $0x1  }
0xa3: {  	[sflag:s23] =	ssyncset.done $0x0  }
0xa4: {  	s25 =	simm.s32 $0x1B8E;
	s24 =	sld [smem:$0x3FFE];
	[sflag:s23] =	ssyncadd.s32 $0xFFFFFFFF  }
0xa5: {  	s26 =	simm.s32 $execute0_lowered;
	[smem:$0x3FD2] =	sst s25  }
0xa6: {  	s5 =	sshll.u32 s26, $0x1;
	_ =	strace $0x80000046;
	[dreg:$0x1] =	wrdreg $0xFFFFFFFF  }
0xa7: {  	s28 =	simm.s32 $_size_execute0_lowered;
	s3 =	sadd.s32 s3, s5;
	[dreg:$0x0] =	wrdreg $0x0  }
0xa8: {  	s5 =	sshll.u32 s28, $0x1;
	[dreg:$0x2] =	wrdreg s3  }
0xa9: {  	[dreg:$0x3] =	wrdreg s5  }
0xaa: {  	[dreg:$0x4] =	wrdreg $0xC0  }
0xab: {  	_ =	task [dreg:s7], $0x5FFFF  }
0xac: {  	[dreg:$0x1] =	wrdreg $0xFFFFFFFF  }
0xad: {  	[dreg:$0x0] =	wrdreg $0x60  }
0xae: {  	[dreg:$0x2] =	wrdreg s24  }
0xaf: {  	[dreg:$0x3] =	wrdreg s2  }
0xb0: {  	[dreg:$0x4] =	wrdreg $0x9  }
0xb1: {  	_ =	task.clear_ibuf [dreg:s7], $0x5FFFF;
	_ =	strace $0x90000046  }
0xb2: {  	s29 =	simm.s32 $0x9;
	_ =	strace $0x80000048  }
0xb3: {  	_ =	swait.ge [sflag:s29], $0x1  }
0xb4: {  	[sflag:s29] =	ssyncadd.s32 $0xFFFFFFFF  }
0xb5: {  	_ =	strace $0x90000048  }
0xb6: {  	_ =	sfence  }
0xb7: {  	s30 =	sld [smem:$0x0];
	_ =	sdelay $0x2  }
0xb8: {  	s31 =	sshll.u32 s1, $0xD;
	s1 =	sshrl.u32 s1, $0x2  }
0xb9: {  	s3 =	sand.u32 $0x4000, s31;
	s1 =	sadd.s32 s1, s30  }
0xba: {  	s0 =	sor.u32 s3, s0;
	s1 =	sshll.u32 s1, $0x11  }
0xbb: {  	s0 =	sor.u32 s1, s0  }
0xbc: {  	s0 =	sadd.s32 $0x8F2B, s0  }
0xbd: {  	[sflag:s0] =	ssyncadd.remote.s32 $0x1  }
0xbe: {  	_ =	sfence.sel $0xFFFF  }
0xbf: {  	[dreg:$0x0] =	wrdreg $0xFFFFFFFF;
	(pc) =	sbr.abs _section_cstart, $3  }
0xc0: {  	[dreg:$0x1] =	wrdreg $0xFFFFFFFF  }
0xc1: {  	_ =	task.clear_ibuf [dreg:s7], $0x2FFFF;
	_ =	strace $0x9FFFFFFF  }
0xc2: {  	(tm) =	ssettm $0x7FFFFFFF  }
0xc3: {  	_ =	shalt  }
tec
execute0_lowered:
.L_overlay_start_1:
0x0: {  	(tag) =	ssettag $0x1  }
0x1: {  	v0 =	vimm.f32 $1.500000000e+01  }
0x2: {  	vm14 =	vcmask $0x300;
	vm13 =	vcmask $0x704;
	vm12 =	vcmask $0xB08  }
0x3: {  	vm11 =	vcmask $0xF0C;
	vm10 =	vcmask $0x1310;
	vm9 =	vcmask $0x1714  }
0x4: {  	vm8 =	vcmask $0x1B18;
	vm7 =	vcmask $0x1F1C;
	vm6 =	vcmask $0x2320  }
0x5: {  	vm5 =	vcmask $0x2724;
	vm4 =	vcmask $0x2B28;
	vm3 =	vcmask $0x2F2C  }
0x6: {  	vm2 =	vcmask $0x3330;
	vm1 =	vcmask $0x3734;
	vm0 =	vcmask $0x3B38  }
0x7: {  	v1 =	vimm.f32 $3.100000000e+01;
	v2 =	vimm.f32 $4.700000000e+01;
	v3 =	vimm.f32 $6.300000000e+01  }
0x8: {  	v4 =	vimm.f32 $7.900000000e+01;
	v5 =	vimm.f32 $9.500000000e+01;
	v6 =	vimm.f32 $1.110000000e+02  }
0x9: {  	v7 =	vimm.f32 $1.270000000e+02;
	v8 =	vimm.f32 $1.430000000e+02;
	v9 =	vimm.f32 $1.590000000e+02  }
0xa: {  	v10 =	vimm.f32 $1.750000000e+02;
	v11 =	vimm.f32 $1.910000000e+02;
	v12 =	vimm.f32 $2.070000000e+02  }
0xb: {  	v13 =	vimm.f32 $2.230000000e+02;
	v14 =	vimm.f32 $2.390000000e+02;
	v15 =	vimm.f32 $2.550000000e+02  }
0xc: {  	v0 =	vsel vm14, $0x0, v0;
	v1 =	vsel vm14, $0x41800000, v1;
	v2 =	vsel vm14, $0x42000000, v2  }
0xd: {  	v3 =	vsel vm14, $0x42400000, v3;
	v4 =	vsel vm14, $0x42800000, v4;
	v5 =	vsel vm14, $0x42A00000, v5  }
0xe: {  	v6 =	vsel vm14, $0x42C00000, v6;
	v7 =	vsel vm14, $0x42E00000, v7;
	v8 =	vsel vm14, $0x43000000, v8  }
0xf: {  	v9 =	vsel vm14, $0x43100000, v9;
	v10 =	vsel vm14, $0x43200000, v10;
	v11 =	vsel vm14, $0x43300000, v11  }
0x10: {  	v12 =	vsel vm14, $0x43400000, v12;
	v13 =	vsel vm14, $0x43500000, v13;
	v14 =	vsel vm14, $0x43600000, v14  }
0x11: {  	v15 =	vsel vm14, $0x43700000, v15;
	v0 =	vsel vm13, $0x3F800000, v0;
	v1 =	vsel vm13, $0x41880000, v1  }
0x12: {  	v2 =	vsel vm13, $0x42040000, v2;
	v3 =	vsel vm13, $0x42440000, v3;
	v4 =	vsel vm13, $0x42820000, v4  }
0x13: {  	v5 =	vsel vm13, $0x42A20000, v5;
	v6 =	vsel vm13, $0x42C20000, v6;
	v7 =	vsel vm13, $0x42E20000, v7  }
0x14: {  	v8 =	vsel vm13, $0x43010000, v8;
	v9 =	vsel vm13, $0x43110000, v9;
	v10 =	vsel vm13, $0x43210000, v10  }
0x15: {  	v11 =	vsel vm13, $0x43310000, v11;
	v12 =	vsel vm13, $0x43410000, v12;
	v13 =	vsel vm13, $0x43510000, v13  }
0x16: {  	v14 =	vsel vm13, $0x43610000, v14;
	v15 =	vsel vm13, $0x43710000, v15;
	v0 =	vsel vm12, $0x40000000, v0  }
0x17: {  	v1 =	vsel vm12, $0x41900000, v1;
	v2 =	vsel vm12, $0x42080000, v2;
	v3 =	vsel vm12, $0x42480000, v3  }
0x18: {  	v4 =	vsel vm12, $0x42840000, v4;
	v5 =	vsel vm12, $0x42A40000, v5;
	v6 =	vsel vm12, $0x42C40000, v6  }
0x19: {  	v7 =	vsel vm12, $0x42E40000, v7;
	v8 =	vsel vm12, $0x43020000, v8;
	v9 =	vsel vm12, $0x43120000, v9  }
0x1a: {  	v10 =	vsel vm12, $0x43220000, v10;
	v11 =	vsel vm12, $0x43320000, v11;
	v12 =	vsel vm12, $0x43420000, v12  }
0x1b: {  	v13 =	vsel vm12, $0x43520000, v13;
	v14 =	vsel vm12, $0x43620000, v14;
	v15 =	vsel vm12, $0x43720000, v15  }
0x1c: {  	v0 =	vsel vm11, $0x40400000, v0;
	v1 =	vsel vm11, $0x41980000, v1;
	v2 =	vsel vm11, $0x420C0000, v2  }
0x1d: {  	v3 =	vsel vm11, $0x424C0000, v3;
	v4 =	vsel vm11, $0x42860000, v4;
	v5 =	vsel vm11, $0x42A60000, v5  }
0x1e: {  	v6 =	vsel vm11, $0x42C60000, v6;
	v7 =	vsel vm11, $0x42E60000, v7;
	v8 =	vsel vm11, $0x43030000, v8  }
0x1f: {  	v9 =	vsel vm11, $0x43130000, v9;
	v10 =	vsel vm11, $0x43230000, v10;
	v11 =	vsel vm11, $0x43330000, v11  }
0x20: {  	v12 =	vsel vm11, $0x43430000, v12;
	v13 =	vsel vm11, $0x43530000, v13;
	v14 =	vsel vm11, $0x43630000, v14  }
0x21: {  	v15 =	vsel vm11, $0x43730000, v15;
	v0 =	vsel vm10, $0x40800000, v0;
	v1 =	vsel vm10, $0x41A00000, v1  }
0x22: {  	v2 =	vsel vm10, $0x42100000, v2;
	v3 =	vsel vm10, $0x42500000, v3;
	v4 =	vsel vm10, $0x42880000, v4  }
0x23: {  	v5 =	vsel vm10, $0x42A80000, v5;
	v6 =	vsel vm10, $0x42C80000, v6;
	v7 =	vsel vm10, $0x42E80000, v7  }
0x24: {  	v8 =	vsel vm10, $0x43040000, v8;
	v9 =	vsel vm10, $0x43140000, v9;
	v10 =	vsel vm10, $0x43240000, v10  }
0x25: {  	v11 =	vsel vm10, $0x43340000, v11;
	v12 =	vsel vm10, $0x43440000, v12;
	v13 =	vsel vm10, $0x43540000, v13  }
0x26: {  	v14 =	vsel vm10, $0x43640000, v14;
	v15 =	vsel vm10, $0x43740000, v15;
	v0 =	vsel vm9, $0x40A00000, v0  }
0x27: {  	v1 =	vsel vm9, $0x41A80000, v1;
	v2 =	vsel vm9, $0x42140000, v2;
	v3 =	vsel vm9, $0x42540000, v3  }
0x28: {  	v4 =	vsel vm9, $0x428A0000, v4;
	v5 =	vsel vm9, $0x42AA0000, v5;
	v6 =	vsel vm9, $0x42CA0000, v6  }
0x29: {  	v7 =	vsel vm9, $0x42EA0000, v7;
	v8 =	vsel vm9, $0x43050000, v8;
	v9 =	vsel vm9, $0x43150000, v9  }
0x2a: {  	v10 =	vsel vm9, $0x43250000, v10;
	v11 =	vsel vm9, $0x43350000, v11;
	v12 =	vsel vm9, $0x43450000, v12  }
0x2b: {  	v13 =	vsel vm9, $0x43550000, v13;
	v14 =	vsel vm9, $0x43650000, v14;
	v15 =	vsel vm9, $0x43750000, v15  }
0x2c: {  	v0 =	vsel vm8, $0x40C00000, v0;
	v1 =	vsel vm8, $0x41B00000, v1;
	v2 =	vsel vm8, $0x42180000, v2  }
0x2d: {  	v3 =	vsel vm8, $0x42580000, v3;
	v4 =	vsel vm8, $0x428C0000, v4;
	v5 =	vsel vm8, $0x42AC0000, v5  }
0x2e: {  	v6 =	vsel vm8, $0x42CC0000, v6;
	v7 =	vsel vm8, $0x42EC0000, v7;
	v8 =	vsel vm8, $0x43060000, v8  }
0x2f: {  	v9 =	vsel vm8, $0x43160000, v9;
	v10 =	vsel vm8, $0x43260000, v10;
	v11 =	vsel vm8, $0x43360000, v11  }
0x30: {  	v12 =	vsel vm8, $0x43460000, v12;
	v13 =	vsel vm8, $0x43560000, v13;
	v14 =	vsel vm8, $0x43660000, v14  }
0x31: {  	v15 =	vsel vm8, $0x43760000, v15;
	v0 =	vsel vm7, $0x40E00000, v0;
	v1 =	vsel vm7, $0x41B80000, v1  }
0x32: {  	v2 =	vsel vm7, $0x421C0000, v2;
	v3 =	vsel vm7, $0x425C0000, v3;
	v4 =	vsel vm7, $0x428E0000, v4  }
0x33: {  	v5 =	vsel vm7, $0x42AE0000, v5;
	v6 =	vsel vm7, $0x42CE0000, v6;
	v7 =	vsel vm7, $0x42EE0000, v7  }
0x34: {  	v8 =	vsel vm7, $0x43070000, v8;
	v9 =	vsel vm7, $0x43170000, v9;
	v10 =	vsel vm7, $0x43270000, v10  }
0x35: {  	v11 =	vsel vm7, $0x43370000, v11;
	v12 =	vsel vm7, $0x43470000, v12;
	v13 =	vsel vm7, $0x43570000, v13  }
0x36: {  	v14 =	vsel vm7, $0x43670000, v14;
	v15 =	vsel vm7, $0x43770000, v15;
	v0 =	vsel vm6, $0x41000000, v0  }
0x37: {  	v1 =	vsel vm6, $0x41C00000, v1;
	v2 =	vsel vm6, $0x42200000, v2;
	v3 =	vsel vm6, $0x42600000, v3  }
0x38: {  	v4 =	vsel vm6, $0x42900000, v4;
	v5 =	vsel vm6, $0x42B00000, v5;
	v6 =	vsel vm6, $0x42D00000, v6  }
0x39: {  	v7 =	vsel vm6, $0x42F00000, v7;
	v8 =	vsel vm6, $0x43080000, v8;
	v9 =	vsel vm6, $0x43180000, v9  }
0x3a: {  	v10 =	vsel vm6, $0x43280000, v10;
	v11 =	vsel vm6, $0x43380000, v11;
	v12 =	vsel vm6, $0x43480000, v12  }
0x3b: {  	v13 =	vsel vm6, $0x43580000, v13;
	v14 =	vsel vm6, $0x43680000, v14;
	v15 =	vsel vm6, $0x43780000, v15  }
0x3c: {  	v0 =	vsel vm5, $0x41100000, v0;
	v1 =	vsel vm5, $0x41C80000, v1;
	v2 =	vsel vm5, $0x42240000, v2  }
0x3d: {  	v3 =	vsel vm5, $0x42640000, v3;
	v4 =	vsel vm5, $0x42920000, v4;
	v5 =	vsel vm5, $0x42B20000, v5  }
0x3e: {  	v6 =	vsel vm5, $0x42D20000, v6;
	v7 =	vsel vm5, $0x42F20000, v7;
	v8 =	vsel vm5, $0x43090000, v8  }
0x3f: {  	v9 =	vsel vm5, $0x43190000, v9;
	v10 =	vsel vm5, $0x43290000, v10;
	v11 =	vsel vm5, $0x43390000, v11  }
0x40: {  	v12 =	vsel vm5, $0x43490000, v12;
	v13 =	vsel vm5, $0x43590000, v13;
	v14 =	vsel vm5, $0x43690000, v14  }
0x41: {  	v15 =	vsel vm5, $0x43790000, v15;
	v0 =	vsel vm4, $0x41200000, v0;
	v1 =	vsel vm4, $0x41D00000, v1  }
0x42: {  	v2 =	vsel vm4, $0x42280000, v2;
	v3 =	vsel vm4, $0x42680000, v3;
	v4 =	vsel vm4, $0x42940000, v4  }
0x43: {  	v5 =	vsel vm4, $0x42B40000, v5;
	v6 =	vsel vm4, $0x42D40000, v6;
	v7 =	vsel vm4, $0x42F40000, v7  }
0x44: {  	v8 =	vsel vm4, $0x430A0000, v8;
	v9 =	vsel vm4, $0x431A0000, v9;
	v10 =	vsel vm4, $0x432A0000, v10  }
0x45: {  	v11 =	vsel vm4, $0x433A0000, v11;
	v12 =	vsel vm4, $0x434A0000, v12;
	v13 =	vsel vm4, $0x435A0000, v13  }
0x46: {  	v14 =	vsel vm4, $0x436A0000, v14;
	v15 =	vsel vm4, $0x437A0000, v15;
	v0 =	vsel vm3, $0x41300000, v0  }
0x47: {  	v1 =	vsel vm3, $0x41D80000, v1;
	v2 =	vsel vm3, $0x422C0000, v2;
	v3 =	vsel vm3, $0x426C0000, v3  }
0x48: {  	v4 =	vsel vm3, $0x42960000, v4;
	v5 =	vsel vm3, $0x42B60000, v5;
	v6 =	vsel vm3, $0x42D60000, v6  }
0x49: {  	v7 =	vsel vm3, $0x42F60000, v7;
	v8 =	vsel vm3, $0x430B0000, v8;
	v9 =	vsel vm3, $0x431B0000, v9  }
0x4a: {  	v10 =	vsel vm3, $0x432B0000, v10;
	v11 =	vsel vm3, $0x433B0000, v11;
	v12 =	vsel vm3, $0x434B0000, v12  }
0x4b: {  	v13 =	vsel vm3, $0x435B0000, v13;
	v14 =	vsel vm3, $0x436B0000, v14;
	v15 =	vsel vm3, $0x437B0000, v15  }
0x4c: {  	v0 =	vsel vm2, $0x41400000, v0;
	v1 =	vsel vm2, $0x41E00000, v1;
	v2 =	vsel vm2, $0x42300000, v2  }
0x4d: {  	s0 =	rddreg [dreg:$0x0];
	v3 =	vsel vm2, $0x42700000, v3;
	v4 =	vsel vm2, $0x42980000, v4;
	v5 =	vsel vm2, $0x42B80000, v5  }
0x4e: {  	s1 =	rddreg [dreg:$0x1];
	s2 =	srdreg.scid;
	v6 =	vsel vm2, $0x42D80000, v6;
	v7 =	vsel vm2, $0x42F80000, v7;
	v8 =	vsel vm2, $0x430C0000, v8  }
0x4f: {  	s4 =	stileid.u32;
	s3 =	simm.s32 $0x0;
	s14 =	simm.s32 $0x80;
	v9 =	vsel vm2, $0x431C0000, v9;
	v10 =	vsel vm2, $0x432C0000, v10;
	v11 =	vsel vm2, $0x433C0000, v11  }
0x50: {  	s23 =	simm.s32 $0x1;
	s24 =	simm.s32 $0x1A900;
	s28 =	simm.s32 $0x7;
	v12 =	vsel vm2, $0x434C0000, v12;
	v13 =	vsel vm2, $0x435C0000, v13;
	v14 =	vsel vm2, $0x436C0000, v14  }
0x51: {  	s29 =	simm.s32 $0xA900;
	s30 =	simm.s32 $0x3;
	s31 =	simm.s32 $0x8;
	v15 =	vsel vm2, $0x437C0000, v15;
	v0 =	vsel vm1, $0x41500000, v0;
	v1 =	vsel vm1, $0x41E80000, v1  }
0x52: {  	s12 =	simm.s32 $0x9;
	s15 =	simm.s32 $0x12900;
	s18 =	simm.s32 $0x5;
	v2 =	vsel vm1, $0x42340000, v2;
	v3 =	vsel vm1, $0x42740000, v3;
	v4 =	vsel vm1, $0x429A0000, v4  }
0x53: {  	s20 =	simm.s32 $0xA;
	s2 =	sand.u32 $0x1, s2;
	s4 =	sshll.u32 s4, $0x1;
	v5 =	vsel vm1, $0x42BA0000, v5;
	v6 =	vsel vm1, $0x42DA0000, v6;
	v7 =	vsel vm1, $0x42FA0000, v7  }
0x54: {  	s11 =	simm.s32 $0x0;
	[smem:$0x7FF] =	sst s3;
	s5 =	sor.u32 s2, s4;
	v8 =	vsel vm1, $0x430D0000, v8;
	v9 =	vsel vm1, $0x431D0000, v9;
	v10 =	vsel vm1, $0x432D0000, v10  }
0x55: {  	_ =	strace $0x80000047;
	s2 =	ssub.s32 $0x2, s2;
	s4 =	sshll.u32 s5, $0x4;
	v11 =	vsel vm1, $0x433D0000, v11;
	v12 =	vsel vm1, $0x434D0000, v12;
	v13 =	vsel vm1, $0x435D0000, v13  }
0x56: {  	s6 =	sshrl.u32 s2, $0x1;
	s7 =	sadd.s32 s4, s0;
	s4 =	sadd.s32 $0x6C00, s0;
	v14 =	vsel vm1, $0x436D0000, v14;
	v15 =	vsel vm1, $0x437D0000, v15;
	v0 =	vsel vm0, $0x41600000, v0  }
0x57: {  	s0 =	sadd.s32 $0x68800, s0;
	s25 =	ssub.s32 s2, s6;
	s6 =	sshll.u32 s5, $0xE;
	v1 =	vsel vm0, $0x41F00000, v1;
	v2 =	vsel vm0, $0x42380000, v2;
	v3 =	vsel vm0, $0x42780000, v3  }
0x58: {  	s2 =	simm.s32 $0x4;
	s5 =	simm.s32 $0x16900;
	[dreg:$0x3] =	wrdreg s0;
	v4 =	vsel vm0, $0x429C0000, v4;
	v5 =	vsel vm0, $0x42BC0000, v5;
	v6 =	vsel vm0, $0x42DC0000, v6  }
0x59: {  	s26 =	sadd.s32 $0x800, s7;
	s8 =	sor.u32 $0x80000, s6;
	s9 =	sor.u32 $0x100000, s6;
	v7 =	vsel vm0, $0x42FC0000, v7;
	v8 =	vsel vm0, $0x430E0000, v8;
	v9 =	vsel vm0, $0x431E0000, v9  }
0x5a: {  	s10 =	sor.u32 $0x180000, s6;
	s0 =	smax.u32 s25, $0x1;
	[dreg:$0x4] =	wrdreg s26;
	v10 =	vsel vm0, $0x432E0000, v10;
	v11 =	vsel vm0, $0x433E0000, v11;
	v12 =	vsel vm0, $0x434E0000, v12  }
0x5b: {  	[dreg:$0x5] =	wrdreg s0;
	s26 =	simm.s32 $0x2;
	s0 =	simm.s32 $0xE900;
	v13 =	vsel vm0, $0x435E0000, v13;
	v14 =	vsel vm0, $0x436E0000, v14;
	v15 =	vsel vm0, $0x437E0000, v15  }
.LBB2_1:
0x5c: {  	[dreg:$0x6] =	wrdreg s11  }
0x5d: {  	s7 =	rddreg [dreg:$0x3];
	s21 =	simm.s32 $0x1AA00;
	s22 =	simm.s32 $0xB  }
0x5e: {  	[tilespmem:s21], [sflag:$0xB] =	stream.linear.gather [hbm4b:s7+s3], $0x20, $0x38;
	[tilespmem:$0x1AA20] =	vst v63  }
0x5f: {  	_ =	swait.ge [sflag:s22], $0x20  }
0x60: {  	[sflag:s22] =	ssyncset.done $0x0  }
0x61: {  	s13 =	simm.s32 $0x1000;
	s25 =	rddreg [dreg:$0x4];
	[sflag:s22] =	ssyncadd.s32 $0xFFFFFFE0  }
0x62: {  	[tilespmem:s3], [sflag:$0xB] =	stream.strided.gather [hbm4b:s25+s14], $0x1900, s13, s14, $0x38;
	[tilespmem:$0x1AA20] =	vst v63  }
0x63: {  	_ =	swait.ge [sflag:s22], $0x1900  }
0x64: {  	[sflag:s22] =	ssyncset.done $0x0  }
0x65: {  	[sflag:s22] =	ssyncadd.s32 $0xFFFFE700  }
0x66: {  	v16 =	vld [tilespmem:$0x1AA10];
	_ =	sdelay $0x1  }
0x67: {  	v17 =	vld [tilespmem:$0x1AA00];
	_ =	sdelay $0x2  }
0x68: {  	v18 =	vsub.f32 v0, v16  }
0x69: {  	v19 =	vsub.f32 v1, v16  }
0x6a: {  	v20 =	vsub.f32 v2, v16;
	v18 =	vmul.f32 v18, v17  }
0x6b: {  	v21 =	vsub.f32 v3, v16;
	v19 =	vmul.f32 v19, v17  }
0x6c: {  	v52 =	vsub.f32 v4, v16;
	[tilespmem:$0x1A900] =	vst v18;
	v18 =	vmul.f32 v20, v17  }
0x6d: {  	v53 =	vsub.f32 v5, v16;
	[tilespmem:$0x1A910] =	vst v19;
	v19 =	vmul.f32 v21, v17  }
0x6e: {  	v54 =	vsub.f32 v6, v16;
	[tilespmem:$0x1A920] =	vst v18;
	v18 =	vmul.f32 v52, v17  }
0x6f: {  	v55 =	vsub.f32 v7, v16;
	[tilespmem:$0x1A930] =	vst v19;
	v19 =	vmul.f32 v53, v17  }
0x70: {  	v56 =	vsub.f32 v8, v16;
	[tilespmem:$0x1A940] =	vst v18;
	v18 =	vmul.f32 v54, v17  }
0x71: {  	v57 =	vsub.f32 v9, v16;
	[tilespmem:$0x1A950] =	vst v19;
	v19 =	vmul.f32 v55, v17  }
0x72: {  	v58 =	vsub.f32 v10, v16;
	[tilespmem:$0x1A960] =	vst v18;
	v18 =	vmul.f32 v56, v17  }
0x73: {  	v59 =	vsub.f32 v11, v16;
	[tilespmem:$0x1A970] =	vst v19;
	v19 =	vmul.f32 v57, v17  }
0x74: {  	v60 =	vsub.f32 v12, v16;
	[tilespmem:$0x1A980] =	vst v18;
	v18 =	vmul.f32 v58, v17  }
0x75: {  	v61 =	vsub.f32 v13, v16;
	[tilespmem:$0x1A990] =	vst v19;
	v19 =	vmul.f32 v59, v17  }
0x76: {  	v62 =	vsub.f32 v14, v16;
	[tilespmem:$0x1A9A0] =	vst v18;
	v18 =	vmul.f32 v60, v17  }
0x77: {  	v63 =	vsub.f32 v15, v16;
	[tilespmem:$0x1A9B0] =	vst v19;
	v19 =	vmul.f32 v61, v17  }
0x78: {  	[tilespmem:$0x1A9C0] =	vst v18;
	v18 =	vmul.f32 v62, v17  }
0x79: {  	[tilespmem:$0x1A9D0] =	vst v19;
	v19 =	vmul.f32 v63, v17  }
0x7a: {  	[tilespmem:$0x1A9E0] =	vst v18  }
0x7b: {  	s16 =	simm.s32 $0x1900;
	[tilespmem:$0x1A9F0] =	vst v19  }
0x7c: {  	[tilespmem:s16], [sflag:$0x1] =	stream.indirect.gather [hbm4b:s4+s14], $0x20, s3, s14, $0xb8;
	[tilespmem:$0x1AA20] =	vst v63  }
0x7d: {  	s17 =	simm.s32 $0x2900  }
0x7e: {  	[tilespmem:s17], [sflag:$0x2] =	stream.indirect.gather [hbm4b:s4+s14], $0x20, s14, s14, $0xb8;
	[tilespmem:$0x1AA20] =	vst v63  }
0x7f: {  	s19 =	simm.s32 $0x100;
	s21 =	simm.s32 $0x3900  }
0x80: {  	[tilespmem:s21], [sflag:$0x3] =	stream.indirect.gather [hbm4b:s4+s14], $0x20, s19, s14, $0xb8;
	[tilespmem:$0x1AA20] =	vst v63  }
0x81: {  	s7 =	simm.s32 $0x0;
	s25 =	simm.s32 $0x4900;
	s22 =	simm.s32 $0x180  }
0x82: {  	[tilespmem:s25], [sflag:$0x4] =	stream.indirect.gather [hbm4b:s4+s14], $0x20, s22, s14, $0xb8;
	[tilespmem:$0x1AA20] =	vst v63  }
.LBB2_2:
0x83: {  	s11 =	smul.u32 $0x5, s7;
	_ =	sdelay $0x1  }
0x84: {  	s13 =	sadd.s32 $0x4, s11  }
0x85: {  	s11 =	sshll.u32 s13, $0x7  }
0x86: {  	s16 =	simm.s32 $0x5900;
	s11 =	sand.u32 $0x3FFFFF80, s11  }
0x87: {  	[tilespmem:s16], [sflag:$0x5] =	stream.indirect.gather [hbm4b:s4+s14], $0x20, s11, s14, $0xb8;
	[tilespmem:$0x1AA20] =	vst v63  }
0x88: {  	_ =	swait.ge [sflag:s23], $0x1000  }
0x89: {  	p0 =	seq.s32 s7, $0x0;
	[sflag:s23] =	ssyncset.done $0x0  }
0x8a: {  	s11 =	simm.s32 @!p0 $0x6;
	[sflag:s23] =	ssyncadd.s32 $0xFFFFF000  }
0x8b: {  	_ =	swait.ge @!p0 [sflag:s11], $0x4000  }
0x8c: {  	[sflag:s11] =	ssyncset.done @!p0 $0x0  }
0x8d: {  	s25 =	simm.s32 $0x1940;
	[sflag:s11] =	ssyncadd.s32 @!p0 $0xFFFFC000  }
0x8e: {  	v18 =	vld [tilespmem:s25+$0x20]  }
0x8f: {  	v19 =	vld [tilespmem:s25+$0x0]  }
0x90: {  	v20 =	vld [tilespmem:s25+$0xFFFFFFC0];
	_ =	sdelay $0x1  }
0x91: {  	s21 =	simm.s32 $0x19C0;
	v21 =	vld [tilespmem:s25+$0xFFFFFFE0]  }
0x92: {  	v57 =	vld [tilespmem:s21+$0x20]  }
0x93: {  	s19 =	simm.s32 $0x1A40;
	v33 =	vld [tilespmem:s21+$0xFFFFFFC0];
	v22 =	vshrl.u32 v18, $0x18;
	v23 =	vshrl.u32 v18, $0x10;
	v24 =	vand.u32 $0xFF, v19  }
0x94: {  	v63 =	vld [tilespmem:s19+$0x20];
	v25 =	vand.u32 $0xFF, v18;
	v18 =	vshrl.u32 v18, $0x8;
	v26 =	vshrl.u32 v20, $0x10  }
0x95: {  	v27 =	vand.u32 $0xFF, v20;
	v28 =	vshrl.u32 v19, $0x8;
	v29 =	vshrl.u32 v20, $0x18  }
0x96: {  	v30 =	vshrl.u32 v19, $0x10;
	v31 =	vand.u32 $0xFF, v21;
	v20 =	vshrl.u32 v20, $0x8  }
0x97: {  	v32 =	vshrl.u32 v21, $0x8;
	v19 =	vshrl.u32 v19, $0x18;
	v34 =	vshrl.u32 v21, $0x10  }
0x98: {  	v21 =	vshrl.u32 v21, $0x18;
	v58 =	vshrl.u32 v57, $0x10;
	v35 =	vand.u32 $0xFF, v57  }
0x99: {  	v37 =	vand.u32 $0xFF, v33;
	v51 =	vshrl.u32 v63, $0x18;
	v24 =	vcvt.s32.f32 v24  }
0x9a: {  	v52 =	vand.u32 $0xFF, v63;
	v27 =	vcvt.s32.f32 v27;
	v31 =	vcvt.s32.f32 v31  }
0x9b: {  	v28 =	vand.u32 $0xFF, v28;
	v25 =	vcvt.s32.f32 v25;
	v22 =	vcvt.s32.f32 v22  }
0x9c: {  	v18 =	vand.u32 $0xFF, v18;
	v29 =	vcvt.s32.f32 v29;
	v24 =	vsub.f32 v24, v16  }
0x9d: {  	v30 =	vand.u32 $0xFF, v30;
	v19 =	vcvt.s32.f32 v19;
	v25 =	vsub.f32 v25, v16  }
0x9e: {  	v21 =	vcvt.s32.f32 v21;
	v27 =	vsub.f32 v27, v16;
	v24 =	vmul.f32 v24, v17  }
0x9f: {  	s16 =	simm.s32 $0x6A00;
	v20 =	vand.u32 $0xFF, v20;
	v37 =	vcvt.s32.f32 v37;
	v25 =	vmul.f32 v25, v17  }
0xa0: {  	v27 =	vmul.f32 v27, v17;
	[tilespmem:s16+$0x0] =	vst v24;
	v24 =	vsub.f32 v31, v16;
	v31 =	vand.u32 $0xFF, v32  }
0xa1: {  	v26 =	vand.u32 $0xFF, v26;
	v35 =	vcvt.s32.f32 v35;
	v51 =	vcvt.s32.f32 v51;
	[tilespmem:s16+$0x80] =	vst v25;
	v28 =	vld.idx.msk [tilespmem:v28+s24+$0x0], $0xffff  }
0xa2: {  	v49 =	vld [tilespmem:s19+$0x0];
	v29 =	vsub.f32 v29, v16;
	[tilespmem:s16+$0xFFFFFF00] =	vst v27;
	v27 =	vshrl.u32 v57, $0x18;
	v24 =	vmul.f32 v24, v17  }
0xa3: {  	v22 =	vsub.f32 v22, v16;
	v19 =	vsub.f32 v19, v16;
	v18 =	vld.idx.msk [tilespmem:v18+s24+$0x0], $0xffff;
	v27 =	vcvt.s32.f32 v27  }
0xa4: {  	v21 =	vsub.f32 v21, v16;
	v35 =	vsub.f32 v35, v16;
	v29 =	vmul.f32 v29, v17;
	[tilespmem:s16+$0xFFFFFF80] =	vst v24;
	v24 =	vld [tilespmem:s21+$0x0]  }
0xa5: {  	v19 =	vmul.f32 v19, v17;
	v22 =	vmul.f32 v22, v17;
	v27 =	vsub.f32 v27, v16;
	v25 =	vld.idx.msk [tilespmem:v31+s24+$0x0], $0xffff  }
0xa6: {  	v23 =	vand.u32 $0xFF, v23;
	v21 =	vmul.f32 v21, v17;
	v35 =	vmul.f32 v35, v17;
	v31 =	vld [tilespmem:s21+$0xFFFFFFE0];
	[tilespmem:s16+$0x20] =	vst v28  }
0xa7: {  	v32 =	vshrl.u32 v57, $0x8;
	v27 =	vmul.f32 v27, v17;
	v28 =	vand.u32 $0xFF, v34;
	v30 =	vld.idx.msk [tilespmem:v30+s24+$0x0], $0xffff  }
0xa8: {  	v34 =	vand.u32 $0xFF, v58;
	v58 =	vand.u32 $0xFF, v49;
	[tilespmem:s16+$0x60] =	vst v19;
	v19 =	vld.idx.msk [tilespmem:v20+s24+$0x0], $0xffff;
	v20 =	vshrl.u32 v33, $0x10  }
0xa9: {  	v48 =	vld [tilespmem:s19+$0xFFFFFFC0];
	[tilespmem:s16+$0xA0] =	vst v18;
	v60 =	vand.u32 $0xFF, v20;
	v36 =	vand.u32 $0xFF, v24;
	v18 =	vshrl.u32 v24, $0x10  }
0xaa: {  	[tilespmem:s16+$0xFFFFFFA0] =	vst v25;
	v25 =	vshrl.u32 v33, $0x18;
	v33 =	vshrl.u32 v33, $0x8;
	v36 =	vcvt.s32.f32 v36  }
0xab: {  	v23 =	vld.idx.msk [tilespmem:v23+s24+$0x0], $0xffff;
	v59 =	vshrl.u32 v31, $0x8;
	v39 =	vshrl.u32 v31, $0x10;
	v40 =	vand.u32 $0xFF, v31  }
0xac: {  	[tilespmem:s16+$0xE0] =	vst v22;
	v18 =	vand.u32 $0xFF, v18;
	v31 =	vshrl.u32 v31, $0x18;
	v28 =	vld.idx.msk [tilespmem:v28+s24+$0x0], $0xffff;
	v33 =	vand.u32 $0xFF, v33  }
0xad: {  	v25 =	vcvt.s32.f32 v25;
	v31 =	vcvt.s32.f32 v31;
	[tilespmem:s16+$0x40] =	vst v30;
	v30 =	vsub.f32 v37, v16  }
0xae: {  	[tilespmem:s16+$0xFFFFFFE0] =	vst v21;
	v36 =	vsub.f32 v36, v16;
	v37 =	vand.u32 $0xFF, v59;
	v59 =	vshrl.u32 v48, $0x18;
	v38 =	vld [tilespmem:s25+$0x10]  }
0xaf: {  	[tilespmem:s16+$0xFFFFFF20] =	vst v19;
	v25 =	vsub.f32 v25, v16;
	v19 =	vmul.f32 v30, v17;
	v30 =	vshrl.u32 v24, $0x18  }
0xb0: {  	[tilespmem:s16+$0xC0] =	vst v23;
	v26 =	vld.idx.msk [tilespmem:v26+s24+$0x0], $0xffff;
	v31 =	vsub.f32 v31, v16;
	v24 =	vshrl.u32 v24, $0x8;
	v30 =	vcvt.s32.f32 v30  }
0xb1: {  	v22 =	vmul.f32 v36, v17;
	v20 =	vand.u32 $0xFF, v24;
	v24 =	vld [tilespmem:s25+$0x30];
	[tilespmem:s16+$0xFFFFFFC0] =	vst v28;
	v28 =	vcvt.s32.f32 v40  }
0xb2: {  	[tilespmem:s16+$0xFFFFFF60] =	vst v29;
	v25 =	vmul.f32 v25, v17;
	v53 =	vmul.f32 v31, v17;
	v29 =	vsub.f32 v30, v16  }
0xb3: {  	s11 =	simm.s32 $0x6C00;
	v61 =	vld [tilespmem:s25+$0xFFFFFFF0];
	v23 =	vand.u32 $0xFF, v38;
	v41 =	vshrl.u32 v38, $0x10;
	v28 =	vsub.f32 v28, v16  }
0xb4: {  	[tilespmem:s11+$0xFFFFFF00] =	vst v19;
	v21 =	vcvt.s32.f32 v23;
	v23 =	vshrl.u32 v38, $0x8;
	v38 =	vshrl.u32 v38, $0x18  }
0xb5: {  	v33 =	vld.idx.msk [tilespmem:v33+s24+$0x0], $0xffff;
	v29 =	vmul.f32 v29, v17;
	v41 =	vand.u32 $0xFF, v41;
	v30 =	vcvt.s32.f32 v38  }
0xb6: {  	[tilespmem:s16+$0xFFFFFF40] =	vst v26;
	v26 =	vand.u32 $0xFF, v24;
	v28 =	vmul.f32 v28, v17;
	v23 =	vand.u32 $0xFF, v23  }
0xb7: {  	v62 =	vld [tilespmem:s25+$0xFFFFFFD0];
	v43 =	vshrl.u32 v24, $0x8;
	v45 =	vshrl.u32 v24, $0x10;
	v21 =	vsub.f32 v21, v16  }
0xb8: {  	v26 =	vcvt.s32.f32 v26;
	v30 =	vsub.f32 v30, v16;
	v42 =	vand.u32 $0xFF, v61  }
0xb9: {  	[tilespmem:s11+$0x0] =	vst v22;
	v44 =	vshrl.u32 v61, $0x8;
	v22 =	vshrl.u32 v61, $0x10;
	v40 =	vshrl.u32 v61, $0x18  }
0xba: {  	v20 =	vld.idx.msk [tilespmem:v20+s24+$0x0], $0xffff;
	[tilespmem:s11+$0xFFFFFF20] =	vst v33;
	v33 =	vshrl.u32 v48, $0x10;
	v21 =	vmul.f32 v21, v17;
	v42 =	vcvt.s32.f32 v42  }
0xbb: {  	v19 =	vcvt.s32.f32 v40;
	v36 =	vld.idx.msk [tilespmem:v60+s24+$0x0], $0xffff;
	[tilespmem:s11+$0xFFFFFF60] =	vst v25;
	v25 =	vshrl.u32 v48, $0x8;
	v26 =	vsub.f32 v26, v16  }
0xbc: {  	[tilespmem:s11+$0xFFFFFF80] =	vst v28;
	v54 =	vand.u32 $0xFF, v62;
	v55 =	vshrl.u32 v62, $0x18;
	v50 =	vmul.f32 v30, v17  }
0xbd: {  	v31 =	vand.u32 $0xFF, v25;
	v46 =	vsub.f32 v42, v16;
	[tilespmem:s16+$0x10] =	vst v21;
	v21 =	vand.u32 $0xFF, v32  }
0xbe: {  	v56 =	vld.idx.msk [tilespmem:v37+s24+$0x0], $0xffff;
	v32 =	vcvt.s32.f32 v54;
	v19 =	vsub.f32 v19, v16;
	v40 =	vcvt.s32.f32 v55  }
0xbf: {  	[tilespmem:s11+$0x20] =	vst v20;
	v20 =	vshrl.u32 v24, $0x18;
	v42 =	vcvt.s32.f32 v59;
	v26 =	vmul.f32 v26, v17;
	v47 =	vld.idx.msk [tilespmem:v23+s24+$0x0], $0xffff  }
0xc0: {  	[tilespmem:s11+$0x80] =	vst v35;
	v23 =	vshrl.u32 v62, $0x8;
	v28 =	vld.idx.msk [tilespmem:v18+s24+$0x0], $0xffff;
	v24 =	vcvt.s32.f32 v20;
	v20 =	vshrl.u32 v62, $0x10  }
0xc1: {  	v18 =	vshrl.u32 v63, $0x10;
	[tilespmem:s11+$0x60] =	vst v29;
	v29 =	vand.u32 $0xFF, v48;
	v62 =	vcvt.s32.f32 v52  }
0xc2: {  	v30 =	vsub.f32 v32, v16;
	[tilespmem:s16+$0x90] =	vst v26;
	v57 =	vld.idx.msk [tilespmem:v21+s24+$0x0], $0xffff;
	v21 =	vand.u32 $0xFF, v22;
	v22 =	vand.u32 $0xFF, v39  }
0xc3: {  	v32 =	vand.u32 $0xFF, v23;
	v38 =	vand.u32 $0xFF, v20;
	v29 =	vcvt.s32.f32 v29;
	[tilespmem:s11+$0xFFFFFFA0] =	vst v56  }
0xc4: {  	v20 =	vld [tilespmem:s19+$0xFFFFFFE0];
	v23 =	vshrl.u32 v63, $0x8;
	v40 =	vsub.f32 v40, v16;
	v24 =	vsub.f32 v24, v16;
	[tilespmem:s11+$0xFFFFFF40] =	vst v36  }
0xc5: {  	v59 =	vsub.f32 v62, v16;
	v60 =	vmul.f32 v30, v17;
	v29 =	vsub.f32 v29, v16;
	[tilespmem:s11+$0x40] =	vst v28  }
0xc6: {  	v55 =	vsub.f32 v42, v16;
	v24 =	vmul.f32 v24, v17;
	v39 =	vcvt.s32.f32 v58;
	[tilespmem:s16+$0x30] =	vst v47;
	v54 =	vld [tilespmem:s21+$0x10]  }
0xc7: {  	v37 =	vmul.f32 v59, v17;
	v47 =	vshrl.u32 v49, $0x10;
	v35 =	vmul.f32 v29, v17;
	[tilespmem:s11+$0xA0] =	vst v57;
	v25 =	vld.idx.msk [tilespmem:v22+s24+$0x0], $0xffff  }
0xc8: {  	[tilespmem:s16+$0xFFFFFF10] =	vst v60;
	v29 =	vshrl.u32 v49, $0x18;
	v28 =	vsub.f32 v51, v16;
	v61 =	vsub.f32 v39, v16;
	v63 =	vld.idx.msk [tilespmem:v34+s24+$0x0], $0xffff  }
0xc9: {  	v41 =	vld.idx.msk [tilespmem:v41+s24+$0x0], $0xffff;
	v30 =	vshrl.u32 v20, $0x8;
	v39 =	vand.u32 $0xFF, v44;
	v29 =	vcvt.s32.f32 v29;
	[tilespmem:s16+$0x70] =	vst v50  }
0xca: {  	v36 =	vand.u32 $0xFF, v47;
	v58 =	vmul.f32 v61, v17;
	v61 =	vand.u32 $0xFF, v43;
	[tilespmem:s11+$0xFFFFFFE0] =	vst v53  }
0xcb: {  	v44 =	vsub.f32 v29, v16;
	v22 =	vshrl.u32 v20, $0x10;
	v57 =	vand.u32 $0xFF, v20;
	[tilespmem:s11+$0xE0] =	vst v27  }
0xcc: {  	v32 =	vld.idx.msk [tilespmem:v32+s24+$0x0], $0xffff;
	v34 =	vand.u32 $0xFF, v45;
	v27 =	vshrl.u32 v49, $0x8;
	v60 =	vcvt.s32.f32 v57;
	[tilespmem:s11+$0xFFFFFFC0] =	vst v25  }
0xcd: {  	v57 =	vmul.f32 v46, v17;
	v51 =	vand.u32 $0xFF, v27;
	v62 =	vand.u32 $0xFF, v54;
	[tilespmem:s11+$0xC0] =	vst v63;
	v42 =	vld [tilespmem:s21+$0xFFFFFFF0]  }
0xce: {  	s17 =	simm.s32 $0x6E00;
	[tilespmem:s16+$0x50] =	vst v41;
	v41 =	vshrl.u32 v54, $0x10;
	v59 =	vshrl.u32 v54, $0x18;
	v56 =	vcvt.s32.f32 v62;
	v27 =	vld [tilespmem:s21+$0x30]  }
0xcf: {  	[tilespmem:s17+$0x0] =	vst v58;
	v26 =	vsub.f32 v60, v16;
	v29 =	vcvt.s32.f32 v59;
	v62 =	vmul.f32 v40, v17  }
0xd0: {  	[tilespmem:s16+$0xFFFFFF90] =	vst v57;
	v48 =	vld.idx.msk [tilespmem:v61+s24+$0x0], $0xffff;
	v25 =	vand.u32 $0xFF, v33;
	v33 =	vmul.f32 v55, v17;
	v58 =	vsub.f32 v56, v16  }
0xd1: {  	[tilespmem:s16+$0xFFFFFF30] =	vst v32;
	v49 =	vld.idx.msk [tilespmem:v39+s24+$0x0], $0xffff;
	v47 =	vmul.f32 v26, v17;
	v39 =	vsub.f32 v29, v16;
	v63 =	vshrl.u32 v54, $0x8  }
0xd2: {  	[tilespmem:s17+$0x80] =	vst v37;
	v43 =	vld.idx.msk [tilespmem:v38+s24+$0x0], $0xffff;
	v60 =	vmul.f32 v58, v17;
	v46 =	vand.u32 $0xFF, v63;
	v63 =	vand.u32 $0xFF, v42  }
0xd3: {  	v40 =	vld [tilespmem:s21+$0xFFFFFFD0];
	[tilespmem:s16+$0xFFFFFF70] =	vst v62;
	v32 =	vshrl.u32 v42, $0x8;
	v37 =	vshrl.u32 v42, $0x10;
	v61 =	vand.u32 $0xFF, v27  }
0xd4: {  	s22 =	simm.s32 $0x8;
	v45 =	vld.idx.msk [tilespmem:v51+s24+$0x0], $0xffff;
	s21 =	simm.s32 $0x1AC0;
	[tilespmem:s11+$0x10] =	vst v60;
	v29 =	vshrl.u32 v27, $0x8;
	v38 =	vcvt.s32.f32 v63;
	v26 =	vcvt.s32.f32 v61  }
.LBB2_3:
0xd5: {  	v50 =	vld [tilespmem:s21+$0x20];
	s22 =	sadd.s32 $0x4, s22;
	[tilespmem:s17+$0xFFFFFF00] =	vst v35;
	v20 =	vshrl.u32 v20, $0x18;
	v35 =	vshrl.u32 v42, $0x18;
	v42 =	vshrl.u32 v27, $0x10  }
0xd6: {  	p1 =	slt.u32 s22, $0x7C;
	v31 =	vld.idx.msk [tilespmem:v31+s24+$0x0], $0xffff;
	v20 =	vcvt.s32.f32 v20;
	v38 =	vsub.f32 v38, v16;
	v35 =	vcvt.s32.f32 v35;
	[tilespmem:s16+$0xB0] =	vst v48  }
0xd7: {  	v30 =	vand.u32 $0xFF, v30;
	v44 =	vmul.f32 v44, v17;
	v48 =	vmul.f32 v19, v17;
	[tilespmem:s16+$0xFFFFFFB0] =	vst v49;
	v34 =	vld.idx.msk [tilespmem:v34+s24+$0x0], $0xffff  }
0xd8: {  	v23 =	vand.u32 $0xFF, v23;
	v19 =	vand.u32 $0xFF, v40;
	v49 =	vshrl.u32 v40, $0x18;
	[tilespmem:s16+$0xFFFFFF50] =	vst v43;
	v43 =	vld.idx.msk [tilespmem:v21+s24+$0x0], $0xffff  }
0xd9: {  	v41 =	vand.u32 $0xFF, v41;
	[tilespmem:s17+$0xFFFFFF80] =	vst v47;
	v21 =	vcvt.s32.f32 v19;
	v19 =	vsub.f32 v35, v16;
	v35 =	vld.idx.msk [tilespmem:v46+s24+$0x0], $0xffff  }
0xda: {  	v28 =	vmul.f32 v28, v17;
	v47 =	vsub.f32 v20, v16;
	v20 =	vshrl.u32 v40, $0x8;
	v46 =	vld [tilespmem:s21+$0xFFFFFFC0];
	[tilespmem:s16+$0xFFFFFFF0] =	vst v48  }
0xdb: {  	v39 =	vmul.f32 v39, v17;
	v27 =	vshrl.u32 v27, $0x18;
	v48 =	vld [tilespmem:s21+$0x0];
	[tilespmem:s17+$0x20] =	vst v45;
	v45 =	vcvt.s32.f32 v49  }
0xdc: {  	v27 =	vcvt.s32.f32 v27;
	v51 =	vand.u32 $0xFF, v20;
	v49 =	vsub.f32 v21, v16;
	v36 =	vld.idx.msk [tilespmem:v36+s24+$0x0], $0xffff;
	[tilespmem:s16+$0xF0] =	vst v24  }
0xdd: {  	v53 =	vand.u32 $0xFF, v18;
	v52 =	vshrl.u32 v50, $0x18;
	v20 =	vshrl.u32 v40, $0x10;
	v30 =	vld.idx.msk [tilespmem:v30+s24+$0x0], $0xffff;
	[tilespmem:s16+$0xD0] =	vst v34  }
0xde: {  	v18 =	vshrl.u32 v50, $0x10;
	v40 =	vand.u32 $0xFF, v20;
	v21 =	vand.u32 $0xFF, v37;
	v34 =	vld.idx.msk [tilespmem:v23+s24+$0x0], $0xffff;
	[tilespmem:s16+$0xFFFFFFD0] =	vst v43;
	s16 =	smov.u32 s11;
	s11 =	smov.u32 s17  }
0xdf: {  	v22 =	vand.u32 $0xFF, v22;
	v37 =	vand.u32 $0xFF, v50;
	v23 =	vshrl.u32 v50, $0x8;
	v20 =	vld [tilespmem:s21+$0xFFFFFFE0];
	[tilespmem:s17+$0xFFFFFF20] =	vst v31  }
0xe0: {  	v24 =	vsub.f32 v27, v16;
	v43 =	vshrl.u32 v46, $0x10;
	s17 =	sadd.s32 $0x200, s17;
	v31 =	vand.u32 $0xFF, v48;
	[tilespmem:s11+$0x60] =	vst v44  }
0xe1: {  	v47 =	vmul.f32 v47, v17;
	v27 =	vand.u32 $0xFF, v46;
	v44 =	vshrl.u32 v46, $0x18;
	v25 =	vld.idx.msk [tilespmem:v25+s24+$0x0], $0xffff;
	[tilespmem:s16+$0x30] =	vst v35  }
0xe2: {  	v24 =	vmul.f32 v24, v17;
	v27 =	vcvt.s32.f32 v27;
	v50 =	vshrl.u32 v48, $0x10;
	[tilespmem:s11+$0xFFFFFF60] =	vst v33;
	v33 =	vld.idx.msk [tilespmem:v41+s24+$0x0], $0xffff  }
0xe3: {  	v35 =	vshrl.u32 v46, $0x8;
	v46 =	vmul.f32 v49, v17;
	v41 =	vcvt.s32.f32 v31;
	[tilespmem:s11+$0xFFFFFFA0] =	vst v30  }
0xe4: {  	v27 =	vsub.f32 v27, v16;
	v31 =	vand.u32 $0xFF, v35;
	v30 =	vshrl.u32 v20, $0x8;
	v49 =	vld.idx.msk [tilespmem:v22+s24+$0x0], $0xffff;
	[tilespmem:s11+$0xA0] =	vst v34  }
0xe5: {  	v37 =	vcvt.s32.f32 v37;
	v22 =	vshrl.u32 v20, $0x10;
	v41 =	vsub.f32 v41, v16;
	v53 =	vld.idx.msk [tilespmem:v53+s24+$0x0], $0xffff;
	[tilespmem:s16+$0xFFFFFF10] =	vst v46  }
0xe6: {  	v35 =	vmul.f32 v27, v17;
	v27 =	vcvt.s32.f32 v52;
	v46 =	vshrl.u32 v48, $0x18;
	[tilespmem:s11+$0x40] =	vst v36;
	v51 =	vld.idx.msk [tilespmem:v51+s24+$0x0], $0xffff  }
0xe7: {  	v44 =	vcvt.s32.f32 v44;
	v34 =	vand.u32 $0xFF, v42;
	v36 =	vand.u32 $0xFF, v20;
	[tilespmem:s11+$0xFFFFFF40] =	vst v25;
	v52 =	vld [tilespmem:s19+$0x10]  }
0xe8: {  	v32 =	vand.u32 $0xFF, v32;
	v41 =	vmul.f32 v41, v17;
	v25 =	vsub.f32 v37, v16;
	[tilespmem:s11+$0xE0] =	vst v28  }
0xe9: {  	v45 =	vsub.f32 v45, v16;
	v37 =	vshrl.u32 v48, $0x8;
	v28 =	vsub.f32 v27, v16;
	[tilespmem:s16+$0x50] =	vst v33  }
0xea: {  	v29 =	vand.u32 $0xFF, v29;
	v48 =	vcvt.s32.f32 v36;
	v54 =	vmul.f32 v25, v17;
	[tilespmem:s11+$0xFFFFFFC0] =	vst v49  }
0xeb: {  	v26 =	vsub.f32 v26, v16;
	v37 =	vand.u32 $0xFF, v37;
	v25 =	vand.u32 $0xFF, v43;
	[tilespmem:s11+$0xC0] =	vst v53  }
0xec: {  	v36 =	vand.u32 $0xFF, v50;
	[tilespmem:s17+$0x0] =	vst v41;
	v33 =	vand.u32 $0xFF, v52;
	v50 =	vshrl.u32 v52, $0x8;
	v27 =	vld [tilespmem:s19+$0x30]  }
0xed: {  	v26 =	vmul.f32 v26, v17;
	v43 =	vsub.f32 v44, v16;
	[tilespmem:s11+$0xFFFFFFE0] =	vst v47;
	v44 =	vcvt.s32.f32 v33  }
0xee: {  	v38 =	vmul.f32 v38, v17;
	v46 =	vcvt.s32.f32 v46;
	v41 =	vshrl.u32 v52, $0x10;
	v42 =	vld [tilespmem:s19+$0xFFFFFFF0];
	[tilespmem:s16+$0xFFFFFF30] =	vst v51  }
0xef: {  	v49 =	vshrl.u32 v52, $0x18;
	v33 =	vmul.f32 v43, v17;
	v47 =	vsub.f32 v44, v16;
	v43 =	vld.idx.msk [tilespmem:v40+s24+$0x0], $0xffff;
	[tilespmem:s16+$0x90] =	vst v26  }
.Ltmp0:
0xf0: {  	v26 =	vsub.f32 v48, v16;
	v44 =	vsub.f32 v46, v16;
	v40 =	vcvt.s32.f32 v49;
	[tilespmem:s16+$0xFFFFFF90] =	vst v38;
	v48 =	vld.idx.msk [tilespmem:v29+s24+$0x0], $0xffff;
	(pc) =	sbr.rel @p1 .LBB2_3-.Ltmp0, $4  }
0xf1: {  	v38 =	vmul.f32 v45, v17;
	v51 =	vmul.f32 v47, v17;
	v29 =	vand.u32 $0xFF, v27;
	v49 =	vld.idx.msk [tilespmem:v32+s24+$0x0], $0xffff;
	[tilespmem:s16+$0x70] =	vst v39  }
0xf2: {  	v46 =	vand.u32 $0xFF, v50;
	v47 =	vmul.f32 v26, v17;
	v39 =	vsub.f32 v40, v16;
	v45 =	vld.idx.msk [tilespmem:v37+s24+$0x0], $0xffff;
	[tilespmem:s17+$0x80] =	vst v54  }
0xf3: {  	v26 =	vcvt.s32.f32 v29;
	v29 =	vshrl.u32 v27, $0x8;
	v40 =	vld [tilespmem:s19+$0xFFFFFFD0];
	v32 =	vand.u32 $0xFF, v42;
	[tilespmem:s16+$0xFFFFFF70] =	vst v38;
	s19 =	smov.u32 s21  }
0xf4: {  	s21 =	sadd.s32 $0x80, s21;
	v37 =	vshrl.u32 v42, $0x10;
	v38 =	vcvt.s32.f32 v32;
	v32 =	vshrl.u32 v42, $0x8;
	[tilespmem:s11+$0x10] =	vst v51  }
0xf5: {  	[tilespmem:s17+$0xFFFFFF00] =	vst v35  }
0xf6: {  	[tilespmem:s16+$0xB0] =	vst v48  }
0xf7: {  	[tilespmem:s16+$0xFFFFFF50] =	vst v43  }
0xf8: {  	[tilespmem:s17+$0xFFFFFF80] =	vst v47  }
0xf9: {  	v19 =	vmul.f32 v19, v17;
	[tilespmem:s16+$0xFFFFFFB0] =	vst v49;
	v34 =	vld.idx.msk [tilespmem:v34+s24+$0x0], $0xffff  }
0xfa: {  	v31 =	vld.idx.msk [tilespmem:v31+s24+$0x0], $0xffff;
	[tilespmem:s16+$0xF0] =	vst v24;
	v53 =	vsub.f32 v38, v16  }
0xfb: {  	v23 =	vand.u32 $0xFF, v23;
	v43 =	vmul.f32 v44, v17;
	v21 =	vld.idx.msk [tilespmem:v21+s24+$0x0], $0xffff;
	[tilespmem:s16+$0xFFFFFFF0] =	vst v19  }
0xfc: {  	v30 =	vand.u32 $0xFF, v30;
	v49 =	vmul.f32 v28, v17;
	[tilespmem:s17+$0x20] =	vst v45;
	v19 =	vld.idx.msk [tilespmem:v46+s24+$0x0], $0xffff;
	v28 =	vmul.f32 v53, v17  }
0xfd: {  	v36 =	vld.idx.msk [tilespmem:v36+s24+$0x0], $0xffff;
	[tilespmem:s17+$0x60] =	vst v43  }
0xfe: {  	[tilespmem:s11+$0xFFFFFF90] =	vst v28  }
0xff: {  	[tilespmem:s16+$0xD0] =	vst v34  }
0x100: {  	v46 =	vand.u32 $0xFF, v41;
	v44 =	vand.u32 $0xFF, v40;
	v23 =	vld.idx.msk [tilespmem:v23+s24+$0x0], $0xffff;
	[tilespmem:s17+$0xFFFFFF20] =	vst v31  }
0x101: {  	v18 =	vand.u32 $0xFF, v18;
	v45 =	vcvt.s32.f32 v44;
	v30 =	vld.idx.msk [tilespmem:v30+s24+$0x0], $0xffff;
	[tilespmem:s16+$0xFFFFFFD0] =	vst v21  }
0x102: {  	v22 =	vand.u32 $0xFF, v22;
	[tilespmem:s11+$0x30] =	vst v19  }
0x103: {  	v21 =	vsub.f32 v45, v16;
	v25 =	vld.idx.msk [tilespmem:v25+s24+$0x0], $0xffff;
	[tilespmem:s17+$0xFFFFFF60] =	vst v33  }
0x104: {  	[tilespmem:s17+$0x40] =	vst v36  }
0x105: {  	v56 =	vand.u32 $0xFF, v32;
	v47 =	vshrl.u32 v40, $0x8;
	v48 =	vld.idx.msk [tilespmem:v46+s24+$0x0], $0xffff;
	v19 =	vmul.f32 v21, v17;
	[tilespmem:s17+$0xA0] =	vst v23  }
0x106: {  	v59 =	vmul.f32 v39, v17;
	v21 =	vand.u32 $0xFF, v47;
	[tilespmem:s17+$0xFFFFFFA0] =	vst v30;
	v18 =	vld.idx.msk [tilespmem:v18+s24+$0x0], $0xffff  }
0x107: {  	[tilespmem:s11+$0xFFFFFF10] =	vst v19;
	v19 =	vshrl.u32 v20, $0x18;
	v22 =	vld.idx.msk [tilespmem:v22+s24+$0x0], $0xffff  }
0x108: {  	[tilespmem:s11+$0x70] =	vst v59;
	v24 =	vld [tilespmem:s19+$0x10];
	v19 =	vcvt.s32.f32 v19  }
0x109: {  	v50 =	vshrl.u32 v42, $0x18;
	v52 =	vand.u32 $0xFF, v29;
	v26 =	vsub.f32 v26, v16;
	[tilespmem:s17+$0xE0] =	vst v49  }
0x10a: {  	v51 =	vshrl.u32 v27, $0x10;
	v61 =	vshrl.u32 v27, $0x18;
	v35 =	vld.idx.msk [tilespmem:v56+s24+$0x0], $0xffff;
	[tilespmem:s17+$0xFFFFFF40] =	vst v25;
	v19 =	vsub.f32 v19, v16  }
0x10b: {  	v38 =	vand.u32 $0xFF, v37;
	v54 =	vshrl.u32 v40, $0x18;
	v21 =	vld.idx.msk [tilespmem:v21+s24+$0x0], $0xffff;
	[tilespmem:s17+$0xC0] =	vst v18;
	v18 =	vmul.f32 v26, v17  }
0x10c: {  	v55 =	vshrl.u32 v40, $0x10;
	v23 =	vcvt.s32.f32 v50;
	v19 =	vmul.f32 v19, v17;
	[tilespmem:s17+$0xFFFFFFC0] =	vst v22;
	v22 =	vld [tilespmem:s19+$0x30]  }
0x10d: {  	v57 =	vcvt.s32.f32 v54;
	v58 =	vand.u32 $0xFF, v55;
	v60 =	vand.u32 $0xFF, v24;
	[tilespmem:s11+$0x90] =	vst v18;
	v18 =	vld [tilespmem:s19+$0xFFFFFFD0]  }
0x10e: {  	v27 =	vcvt.s32.f32 v61;
	v23 =	vsub.f32 v23, v16;
	[tilespmem:s17+$0xFFFFFFE0] =	vst v19;
	v19 =	vcvt.s32.f32 v60;
	v20 =	vld.idx.msk [tilespmem:v52+s24+$0x0], $0xffff  }
0x10f: {  	[tilespmem:s11+$0xFFFFFFB0] =	vst v35;
	v25 =	vand.u32 $0xFF, v51;
	v62 =	vshrl.u32 v24, $0x8;
	v26 =	vsub.f32 v57, v16;
	v63 =	vld [tilespmem:s19+$0xFFFFFFF0]  }
0x110: {  	v46 =	vld.idx.msk [tilespmem:v38+s24+$0x0], $0xffff;
	[tilespmem:s11+$0x50] =	vst v48;
	v23 =	vmul.f32 v23, v17;
	v36 =	vand.u32 $0xFF, v62;
	v19 =	vsub.f32 v19, v16  }
0x111: {  	v41 =	vshrl.u32 v24, $0x10;
	v34 =	vmul.f32 v26, v17;
	[tilespmem:s11+$0xFFFFFF30] =	vst v21;
	v42 =	vand.u32 $0xFF, v22  }
0x112: {  	[tilespmem:s11+$0xFFFFFFF0] =	vst v23;
	v29 =	vld.idx.msk [tilespmem:v58+s24+$0x0], $0xffff;
	v19 =	vmul.f32 v19, v17;
	v39 =	vand.u32 $0xFF, v18;
	v30 =	vcvt.s32.f32 v42  }
0x113: {  	v47 =	vshrl.u32 v22, $0x8;
	v43 =	vshrl.u32 v18, $0x8;
	[tilespmem:s11+$0xB0] =	vst v20;
	v40 =	vcvt.s32.f32 v39  }
0x114: {  	v49 =	vand.u32 $0xFF, v47;
	[tilespmem:s17+$0x10] =	vst v19;
	v45 =	vand.u32 $0xFF, v63;
	v19 =	vld.idx.msk [tilespmem:v25+s24+$0x0], $0xffff;
	v30 =	vsub.f32 v30, v16  }
0x115: {  	[tilespmem:s11+$0xFFFFFFD0] =	vst v46;
	v44 =	vld.idx.msk [tilespmem:v36+s24+$0x0], $0xffff;
	v25 =	vand.u32 $0xFF, v43;
	v28 =	vcvt.s32.f32 v45;
	v20 =	vsub.f32 v40, v16  }
0x116: {  	v21 =	vand.u32 $0xFF, v41;
	[tilespmem:s11+$0xFFFFFF70] =	vst v34;
	v48 =	vshrl.u32 v63, $0x8;
	v53 =	vmul.f32 v30, v17  }
0x117: {  	[tilespmem:s11+$0xFFFFFF50] =	vst v29;
	v50 =	vand.u32 $0xFF, v48;
	v28 =	vsub.f32 v28, v16;
	v20 =	vmul.f32 v20, v17  }
0x118: {  	v27 =	vsub.f32 v27, v16;
	[tilespmem:s17+$0x90] =	vst v53  }
0x119: {  	v51 =	vshrl.u32 v24, $0x18;
	v54 =	vmul.f32 v28, v17;
	[tilespmem:s17+$0xFFFFFF10] =	vst v20;
	v56 =	vld.idx.msk [tilespmem:v49+s24+$0x0], $0xffff  }
0x11a: {  	v27 =	vmul.f32 v27, v17;
	v23 =	vcvt.s32.f32 v51;
	[tilespmem:s17+$0x30] =	vst v44;
	v25 =	vld.idx.msk [tilespmem:v25+s24+$0x0], $0xffff  }
0x11b: {  	v55 =	vshrl.u32 v22, $0x10;
	v52 =	vshrl.u32 v18, $0x10;
	v18 =	vshrl.u32 v18, $0x18;
	v21 =	vld.idx.msk [tilespmem:v21+s24+$0x0], $0xffff;
	[tilespmem:s17+$0xFFFFFF90] =	vst v54  }
0x11c: {  	v22 =	vshrl.u32 v22, $0x18;
	v26 =	vand.u32 $0xFF, v55;
	v18 =	vcvt.s32.f32 v18;
	[tilespmem:s11+$0xF0] =	vst v27;
	v20 =	vld.idx.msk [tilespmem:v50+s24+$0x0], $0xffff  }
0x11d: {  	v57 =	vshrl.u32 v63, $0x10;
	v58 =	vshrl.u32 v63, $0x18;
	[tilespmem:s11+$0xD0] =	vst v19;
	v19 =	vand.u32 $0xFF, v52  }
0x11e: {  	v27 =	vand.u32 $0xFF, v57;
	v59 =	vcvt.s32.f32 v58;
	v18 =	vsub.f32 v18, v16;
	[tilespmem:s17+$0xB0] =	vst v56  }
0x11f: {  	v23 =	vsub.f32 v23, v16;
	v60 =	vcvt.s32.f32 v22;
	[tilespmem:s17+$0xFFFFFF30] =	vst v25  }
0x120: {  	v61 =	vsub.f32 v59, v16;
	v18 =	vmul.f32 v18, v17;
	[tilespmem:s17+$0x50] =	vst v21  }
0x121: {  	v23 =	vmul.f32 v23, v17;
	v21 =	vsub.f32 v60, v16;
	v62 =	vld.idx.msk [tilespmem:v26+s24+$0x0], $0xffff;
	[tilespmem:s17+$0xFFFFFFB0] =	vst v20  }
0x122: {  	v19 =	vld.idx.msk [tilespmem:v19+s24+$0x0], $0xffff;
	[tilespmem:s17+$0xFFFFFF70] =	vst v18;
	v18 =	vmul.f32 v61, v17  }
0x123: {  	[tilespmem:s17+$0x70] =	vst v23;
	v63 =	vld.idx.msk [tilespmem:v27+s24+$0x0], $0xffff;
	v21 =	vmul.f32 v21, v17  }
0x124: {  	p1 =	sne.s32 s7, $0x9;
	s11 =	smul.u32 $0x280000, s7;
	[tilespmem:s17+$0xFFFFFFF0] =	vst v18  }
.Ltmp1:
0x125: {  	[tilespmem:s17+$0xF0] =	vst v21;
	(pc) =	sbr.rel @p1 .LBB2_6-.Ltmp1, $4  }
0x126: {  	s22 =	sor.u32 s6, s11;
	[tilespmem:s17+$0xD0] =	vst v62  }
0x127: {  	s16 =	sshrl.u32 s22, $0x3;
	[tilespmem:s17+$0xFFFFFF50] =	vst v19  }
0x128: {  	s25 =	simm.s32 $0x6900;
	s16 =	sadd.s32 s1, s16;
	[tilespmem:s17+$0xFFFFFFD0] =	vst v63  }
0x129: {  	[hbm4b:s16+s3] =	stream.linear.scatter [tilespmem:s25], [sflag:$0x6], $0x4000, $0x38;
	[tilespmem:$0x1AA20] =	vst v63  }
.Ltmp2:
0x12a: {  	(pc) =	sbr.rel .LBB2_7-.Ltmp2, $4  }
0x12b: {  	_ = 	snop  }
0x12c: {  	_ =	swait.ge [sflag:s26], $0x1000  }
0x12d: {  	[sflag:s26] =	ssyncset.done $0x0  }
0x12e: {  	[sflag:s26] =	ssyncadd.s32 $0xFFFFF000  }
.LBB2_6:
0x12f: {  	s16 =	smul.u32 $0xA00, s7;
	_ =	sdelay $0x1  }
0x130: {  	s16 =	sshra.s32 s16, $0x2  }
.Ltmp3:
0x131: {  	s17 =	simm.s32 $0x1900;
	s16 =	sadd.s32 $0x280, s16;
	(pc) =	sbr.rel @p0 .LBB2_8-.Ltmp3, $4  }
0x132: {  	[tilespmem:s17], [sflag:$0x1] =	stream.indirect.gather [hbm4b:s4+s14], $0x20, s16, s14, $0xb8;
	[tilespmem:$0x1AA20] =	vst v63  }
0x133: {  	_ =	swait.ge [sflag:s26], $0x1000  }
0x134: {  	[sflag:s26] =	ssyncset.done $0x0  }
0x135: {  	[sflag:s26] =	ssyncadd.s32 $0xFFFFF000  }
.LBB2_7:
0x136: {  	_ =	swait.ge [sflag:s28], $0x4000  }
0x137: {  	[sflag:s28] =	ssyncset.done $0x0  }
0x138: {  	[sflag:s28] =	ssyncadd.s32 $0xFFFFC000  }
.LBB2_8:
0x139: {  	s16 =	simm.s32 $0x2970  }
0x13a: {  	v18 =	vld [tilespmem:s16+$0xFFFFFFF0]  }
0x13b: {  	v19 =	vld [tilespmem:s16+$0xFFFFFFD0]  }
0x13c: {  	v20 =	vld [tilespmem:s16+$0xFFFFFF90];
	_ =	sdelay $0x1  }
0x13d: {  	s22 =	simm.s32 $0x29F0;
	v21 =	vld [tilespmem:s16+$0xFFFFFFB0]  }
0x13e: {  	v57 =	vld [tilespmem:s22+$0xFFFFFFF0]  }
0x13f: {  	s21 =	simm.s32 $0x2A70;
	v33 =	vld [tilespmem:s22+$0xFFFFFF90];
	v22 =	vshrl.u32 v18, $0x18;
	v23 =	vshrl.u32 v18, $0x10;
	v24 =	vand.u32 $0xFF, v19  }
0x140: {  	v63 =	vld [tilespmem:s21+$0xFFFFFFF0];
	v25 =	vand.u32 $0xFF, v18;
	v18 =	vshrl.u32 v18, $0x8;
	v26 =	vshrl.u32 v20, $0x10  }
0x141: {  	v27 =	vand.u32 $0xFF, v20;
	v28 =	vshrl.u32 v19, $0x8;
	v29 =	vshrl.u32 v20, $0x18  }
0x142: {  	v30 =	vshrl.u32 v19, $0x10;
	v31 =	vand.u32 $0xFF, v21;
	v20 =	vshrl.u32 v20, $0x8  }
0x143: {  	v32 =	vshrl.u32 v21, $0x8;
	v19 =	vshrl.u32 v19, $0x18;
	v34 =	vshrl.u32 v21, $0x10  }
0x144: {  	v21 =	vshrl.u32 v21, $0x18;
	v58 =	vshrl.u32 v57, $0x10;
	v35 =	vand.u32 $0xFF, v57  }
0x145: {  	v37 =	vand.u32 $0xFF, v33;
	v51 =	vshrl.u32 v63, $0x18;
	v24 =	vcvt.s32.f32 v24  }
0x146: {  	v52 =	vand.u32 $0xFF, v63;
	v27 =	vcvt.s32.f32 v27;
	v31 =	vcvt.s32.f32 v31  }
0x147: {  	v28 =	vand.u32 $0xFF, v28;
	v25 =	vcvt.s32.f32 v25;
	v22 =	vcvt.s32.f32 v22  }
0x148: {  	v18 =	vand.u32 $0xFF, v18;
	v29 =	vcvt.s32.f32 v29;
	v24 =	vsub.f32 v24, v16  }
0x149: {  	v30 =	vand.u32 $0xFF, v30;
	v19 =	vcvt.s32.f32 v19;
	v25 =	vsub.f32 v25, v16  }
0x14a: {  	v21 =	vcvt.s32.f32 v21;
	v27 =	vsub.f32 v27, v16;
	v24 =	vmul.f32 v24, v17  }
0x14b: {  	s17 =	simm.s32 $0xA900;
	v20 =	vand.u32 $0xFF, v20;
	v37 =	vcvt.s32.f32 v37;
	v25 =	vmul.f32 v25, v17  }
0x14c: {  	v27 =	vmul.f32 v27, v17;
	[tilespmem:s17+$0x100] =	vst v24;
	v24 =	vsub.f32 v31, v16;
	v31 =	vand.u32 $0xFF, v32  }
0x14d: {  	v26 =	vand.u32 $0xFF, v26;
	v35 =	vcvt.s32.f32 v35;
	v51 =	vcvt.s32.f32 v51;
	[tilespmem:s17+$0x180] =	vst v25;
	v28 =	vld.idx.msk [tilespmem:v28+s24+$0x0], $0xffff  }
0x14e: {  	v49 =	vld [tilespmem:s21+$0xFFFFFFD0];
	v29 =	vsub.f32 v29, v16;
	[tilespmem:s17+$0x0] =	vst v27;
	v27 =	vshrl.u32 v57, $0x18;
	v24 =	vmul.f32 v24, v17  }
0x14f: {  	v22 =	vsub.f32 v22, v16;
	v19 =	vsub.f32 v19, v16;
	v18 =	vld.idx.msk [tilespmem:v18+s24+$0x0], $0xffff;
	v27 =	vcvt.s32.f32 v27  }
0x150: {  	v21 =	vsub.f32 v21, v16;
	v35 =	vsub.f32 v35, v16;
	v29 =	vmul.f32 v29, v17;
	[tilespmem:s17+$0x80] =	vst v24;
	v24 =	vld [tilespmem:s22+$0xFFFFFFD0]  }
0x151: {  	v19 =	vmul.f32 v19, v17;
	v22 =	vmul.f32 v22, v17;
	v27 =	vsub.f32 v27, v16;
	v25 =	vld.idx.msk [tilespmem:v31+s24+$0x0], $0xffff  }
0x152: {  	v23 =	vand.u32 $0xFF, v23;
	v21 =	vmul.f32 v21, v17;
	v35 =	vmul.f32 v35, v17;
	v31 =	vld [tilespmem:s22+$0xFFFFFFB0];
	[tilespmem:s17+$0x120] =	vst v28  }
0x153: {  	v32 =	vshrl.u32 v57, $0x8;
	v27 =	vmul.f32 v27, v17;
	v28 =	vand.u32 $0xFF, v34;
	v30 =	vld.idx.msk [tilespmem:v30+s24+$0x0], $0xffff  }
0x154: {  	v34 =	vand.u32 $0xFF, v58;
	v58 =	vand.u32 $0xFF, v49;
	[tilespmem:s17+$0x160] =	vst v19;
	v19 =	vld.idx.msk [tilespmem:v20+s24+$0x0], $0xffff;
	v20 =	vshrl.u32 v33, $0x10  }
0x155: {  	v48 =	vld [tilespmem:s21+$0xFFFFFF90];
	[tilespmem:s17+$0x1A0] =	vst v18;
	v60 =	vand.u32 $0xFF, v20;
	v36 =	vand.u32 $0xFF, v24;
	v18 =	vshrl.u32 v24, $0x10  }
0x156: {  	[tilespmem:s17+$0xA0] =	vst v25;
	v25 =	vshrl.u32 v33, $0x18;
	v33 =	vshrl.u32 v33, $0x8;
	v36 =	vcvt.s32.f32 v36  }
0x157: {  	v23 =	vld.idx.msk [tilespmem:v23+s24+$0x0], $0xffff;
	v59 =	vshrl.u32 v31, $0x8;
	v39 =	vshrl.u32 v31, $0x10;
	v40 =	vand.u32 $0xFF, v31  }
0x158: {  	[tilespmem:s17+$0x1E0] =	vst v22;
	v18 =	vand.u32 $0xFF, v18;
	v31 =	vshrl.u32 v31, $0x18;
	v28 =	vld.idx.msk [tilespmem:v28+s24+$0x0], $0xffff;
	v33 =	vand.u32 $0xFF, v33  }
0x159: {  	v25 =	vcvt.s32.f32 v25;
	v31 =	vcvt.s32.f32 v31;
	[tilespmem:s17+$0x140] =	vst v30;
	v30 =	vsub.f32 v37, v16  }
0x15a: {  	[tilespmem:s17+$0xE0] =	vst v21;
	v36 =	vsub.f32 v36, v16;
	v37 =	vand.u32 $0xFF, v59;
	v59 =	vshrl.u32 v48, $0x18;
	v38 =	vld [tilespmem:s16+$0xFFFFFFE0]  }
0x15b: {  	[tilespmem:s17+$0x20] =	vst v19;
	v25 =	vsub.f32 v25, v16;
	v19 =	vmul.f32 v30, v17;
	v30 =	vshrl.u32 v24, $0x18  }
0x15c: {  	[tilespmem:s17+$0x1C0] =	vst v23;
	v26 =	vld.idx.msk [tilespmem:v26+s24+$0x0], $0xffff;
	v31 =	vsub.f32 v31, v16;
	v24 =	vshrl.u32 v24, $0x8;
	v30 =	vcvt.s32.f32 v30  }
0x15d: {  	v22 =	vmul.f32 v36, v17;
	v20 =	vand.u32 $0xFF, v24;
	v24 =	vld [tilespmem:s16+$0x0];
	[tilespmem:s17+$0xC0] =	vst v28;
	v28 =	vcvt.s32.f32 v40  }
0x15e: {  	[tilespmem:s17+$0x60] =	vst v29;
	v25 =	vmul.f32 v25, v17;
	v53 =	vmul.f32 v31, v17;
	v29 =	vsub.f32 v30, v16  }
0x15f: {  	v61 =	vld [tilespmem:s16+$0xFFFFFFC0];
	v23 =	vand.u32 $0xFF, v38;
	v41 =	vshrl.u32 v38, $0x10;
	v28 =	vsub.f32 v28, v16  }
0x160: {  	v21 =	vcvt.s32.f32 v23;
	v23 =	vshrl.u32 v38, $0x8;
	v38 =	vshrl.u32 v38, $0x18  }
0x161: {  	[tilespmem:s17+$0x40] =	vst v26;
	v29 =	vmul.f32 v29, v17;
	v41 =	vand.u32 $0xFF, v41;
	v30 =	vcvt.s32.f32 v38  }
0x162: {  	v62 =	vld [tilespmem:s16+$0xFFFFFFA0];
	v26 =	vand.u32 $0xFF, v24;
	v28 =	vmul.f32 v28, v17;
	v23 =	vand.u32 $0xFF, v23  }
0x163: {  	s16 =	simm.s32 $0xAB00;
	v43 =	vshrl.u32 v24, $0x8;
	v45 =	vshrl.u32 v24, $0x10;
	v21 =	vsub.f32 v21, v16  }
0x164: {  	[tilespmem:s16+$0x100] =	vst v22;
	v26 =	vcvt.s32.f32 v26;
	v30 =	vsub.f32 v30, v16;
	v42 =	vand.u32 $0xFF, v61  }
0x165: {  	[tilespmem:s16+$0x0] =	vst v19;
	v20 =	vld.idx.msk [tilespmem:v20+s24+$0x0], $0xffff;
	v44 =	vshrl.u32 v61, $0x8;
	v40 =	vshrl.u32 v61, $0x18;
	v21 =	vmul.f32 v21, v17  }
0x166: {  	v33 =	vld.idx.msk [tilespmem:v33+s24+$0x0], $0xffff;
	v22 =	vshrl.u32 v61, $0x10;
	v42 =	vcvt.s32.f32 v42;
	v19 =	vcvt.s32.f32 v40  }
0x167: {  	[tilespmem:s16+$0x80] =	vst v28;
	v26 =	vsub.f32 v26, v16;
	v54 =	vand.u32 $0xFF, v62;
	v55 =	vshrl.u32 v62, $0x18  }
0x168: {  	v50 =	vmul.f32 v30, v17;
	v46 =	vsub.f32 v42, v16;
	[tilespmem:s17+$0x110] =	vst v21;
	v21 =	vand.u32 $0xFF, v32  }
0x169: {  	[tilespmem:s16+$0x180] =	vst v35;
	v56 =	vld.idx.msk [tilespmem:v37+s24+$0x0], $0xffff;
	v32 =	vcvt.s32.f32 v54;
	v19 =	vsub.f32 v19, v16;
	v40 =	vcvt.s32.f32 v55  }
0x16a: {  	v42 =	vcvt.s32.f32 v59;
	v26 =	vmul.f32 v26, v17;
	v47 =	vld.idx.msk [tilespmem:v23+s24+$0x0], $0xffff;
	v23 =	vshrl.u32 v62, $0x8;
	[tilespmem:s16+$0x120] =	vst v20  }
0x16b: {  	v20 =	vshrl.u32 v24, $0x18;
	[tilespmem:s16+$0x20] =	vst v33;
	v33 =	vshrl.u32 v48, $0x10;
	v30 =	vsub.f32 v32, v16  }
0x16c: {  	v28 =	vld.idx.msk [tilespmem:v18+s24+$0x0], $0xffff;
	v32 =	vand.u32 $0xFF, v23;
	v24 =	vcvt.s32.f32 v20;
	v20 =	vshrl.u32 v62, $0x10;
	[tilespmem:s16+$0x160] =	vst v29  }
0x16d: {  	v18 =	vshrl.u32 v63, $0x10;
	v23 =	vshrl.u32 v63, $0x8;
	v29 =	vand.u32 $0xFF, v48;
	v36 =	vld.idx.msk [tilespmem:v60+s24+$0x0], $0xffff;
	[tilespmem:s16+$0x60] =	vst v25  }
0x16e: {  	v25 =	vshrl.u32 v48, $0x8;
	[tilespmem:s17+$0x190] =	vst v26;
	v57 =	vld.idx.msk [tilespmem:v21+s24+$0x0], $0xffff;
	v21 =	vand.u32 $0xFF, v22;
	v22 =	vand.u32 $0xFF, v39  }
0x16f: {  	v62 =	vcvt.s32.f32 v52;
	v40 =	vsub.f32 v40, v16;
	v55 =	vsub.f32 v42, v16;
	[tilespmem:s16+$0xA0] =	vst v56  }
0x170: {  	v29 =	vcvt.s32.f32 v29;
	v24 =	vsub.f32 v24, v16;
	v60 =	vmul.f32 v30, v17;
	[tilespmem:s17+$0x130] =	vst v47  }
0x171: {  	v38 =	vand.u32 $0xFF, v20;
	v20 =	vld [tilespmem:s21+$0xFFFFFFB0];
	v59 =	vsub.f32 v62, v16;
	v39 =	vcvt.s32.f32 v58;
	[tilespmem:s16+$0x140] =	vst v28  }
0x172: {  	v31 =	vand.u32 $0xFF, v25;
	v29 =	vsub.f32 v29, v16;
	v24 =	vmul.f32 v24, v17;
	[tilespmem:s17+$0x10] =	vst v60;
	v54 =	vld [tilespmem:s22+$0xFFFFFFE0]  }
0x173: {  	v47 =	vshrl.u32 v49, $0x10;
	v37 =	vmul.f32 v59, v17;
	v61 =	vsub.f32 v39, v16;
	[tilespmem:s16+$0x1A0] =	vst v57;
	v25 =	vld.idx.msk [tilespmem:v22+s24+$0x0], $0xffff  }
0x174: {  	v35 =	vmul.f32 v29, v17;
	v29 =	vshrl.u32 v49, $0x18;
	[tilespmem:s16+$0x40] =	vst v36;
	v39 =	vand.u32 $0xFF, v44;
	v63 =	vld.idx.msk [tilespmem:v34+s24+$0x0], $0xffff  }
0x175: {  	v41 =	vld.idx.msk [tilespmem:v41+s24+$0x0], $0xffff;
	v28 =	vsub.f32 v51, v16;
	v36 =	vand.u32 $0xFF, v47;
	[tilespmem:s17+$0x170] =	vst v50;
	v29 =	vcvt.s32.f32 v29  }
0x176: {  	v30 =	vshrl.u32 v20, $0x8;
	v58 =	vmul.f32 v61, v17;
	v61 =	vand.u32 $0xFF, v43;
	[tilespmem:s16+$0xE0] =	vst v53  }
0x177: {  	v22 =	vshrl.u32 v20, $0x10;
	v57 =	vand.u32 $0xFF, v20;
	v44 =	vsub.f32 v29, v16;
	[tilespmem:s16+$0x1E0] =	vst v27  }
0x178: {  	v32 =	vld.idx.msk [tilespmem:v32+s24+$0x0], $0xffff;
	v34 =	vand.u32 $0xFF, v45;
	v27 =	vshrl.u32 v49, $0x8;
	v60 =	vcvt.s32.f32 v57;
	[tilespmem:s16+$0xC0] =	vst v25  }
0x179: {  	v57 =	vmul.f32 v46, v17;
	v51 =	vand.u32 $0xFF, v27;
	v62 =	vand.u32 $0xFF, v54;
	[tilespmem:s16+$0x1C0] =	vst v63;
	v42 =	vld [tilespmem:s22+$0xFFFFFFC0]  }
0x17a: {  	s19 =	simm.s32 $0xAD00;
	[tilespmem:s17+$0x150] =	vst v41;
	v41 =	vshrl.u32 v54, $0x10;
	v59 =	vshrl.u32 v54, $0x18;
	v56 =	vcvt.s32.f32 v62;
	v27 =	vld [tilespmem:s22+$0x0]  }
0x17b: {  	[tilespmem:s19+$0x100] =	vst v58;
	v26 =	vsub.f32 v60, v16;
	v29 =	vcvt.s32.f32 v59;
	v62 =	vmul.f32 v40, v17  }
0x17c: {  	[tilespmem:s17+$0x90] =	vst v57;
	v48 =	vld.idx.msk [tilespmem:v61+s24+$0x0], $0xffff;
	v25 =	vand.u32 $0xFF, v33;
	v33 =	vmul.f32 v55, v17;
	v58 =	vsub.f32 v56, v16  }
0x17d: {  	[tilespmem:s17+$0x30] =	vst v32;
	v49 =	vld.idx.msk [tilespmem:v39+s24+$0x0], $0xffff;
	v47 =	vmul.f32 v26, v17;
	v63 =	vshrl.u32 v54, $0x8;
	v39 =	vsub.f32 v29, v16  }
0x17e: {  	[tilespmem:s19+$0x180] =	vst v37;
	v43 =	vld.idx.msk [tilespmem:v38+s24+$0x0], $0xffff;
	v46 =	vand.u32 $0xFF, v63;
	v60 =	vmul.f32 v58, v17;
	v63 =	vand.u32 $0xFF, v42  }
0x17f: {  	v40 =	vld [tilespmem:s22+$0xFFFFFFA0];
	[tilespmem:s17+$0x70] =	vst v62;
	v32 =	vshrl.u32 v42, $0x8;
	v37 =	vshrl.u32 v42, $0x10;
	v61 =	vand.u32 $0xFF, v27  }
0x180: {  	s25 =	simm.s32 $0x8;
	v45 =	vld.idx.msk [tilespmem:v51+s24+$0x0], $0xffff;
	s22 =	simm.s32 $0x2AF0;
	[tilespmem:s16+$0x110] =	vst v60;
	v29 =	vshrl.u32 v27, $0x8;
	v38 =	vcvt.s32.f32 v63;
	v26 =	vcvt.s32.f32 v61  }
.LBB2_9:
0x181: {  	v50 =	vld [tilespmem:s22+$0xFFFFFFF0];
	s25 =	sadd.s32 $0x4, s25;
	[tilespmem:s19+$0x0] =	vst v35;
	v20 =	vshrl.u32 v20, $0x18;
	v35 =	vshrl.u32 v42, $0x18;
	v42 =	vshrl.u32 v27, $0x10  }
0x182: {  	p2 =	slt.u32 s25, $0x7C;
	v31 =	vld.idx.msk [tilespmem:v31+s24+$0x0], $0xffff;
	v20 =	vcvt.s32.f32 v20;
	v38 =	vsub.f32 v38, v16;
	v35 =	vcvt.s32.f32 v35;
	[tilespmem:s17+$0x1B0] =	vst v48  }
0x183: {  	v30 =	vand.u32 $0xFF, v30;
	v44 =	vmul.f32 v44, v17;
	v48 =	vmul.f32 v19, v17;
	[tilespmem:s17+$0xB0] =	vst v49;
	v34 =	vld.idx.msk [tilespmem:v34+s24+$0x0], $0xffff  }
0x184: {  	v23 =	vand.u32 $0xFF, v23;
	v19 =	vand.u32 $0xFF, v40;
	v49 =	vshrl.u32 v40, $0x18;
	[tilespmem:s17+$0x50] =	vst v43;
	v43 =	vld.idx.msk [tilespmem:v21+s24+$0x0], $0xffff  }
0x185: {  	v41 =	vand.u32 $0xFF, v41;
	[tilespmem:s19+$0x80] =	vst v47;
	v21 =	vcvt.s32.f32 v19;
	v19 =	vsub.f32 v35, v16;
	v35 =	vld.idx.msk [tilespmem:v46+s24+$0x0], $0xffff  }
0x186: {  	v28 =	vmul.f32 v28, v17;
	v47 =	vsub.f32 v20, v16;
	v20 =	vshrl.u32 v40, $0x8;
	v46 =	vld [tilespmem:s22+$0xFFFFFF90];
	[tilespmem:s17+$0xF0] =	vst v48  }
0x187: {  	v39 =	vmul.f32 v39, v17;
	v27 =	vshrl.u32 v27, $0x18;
	v48 =	vld [tilespmem:s22+$0xFFFFFFD0];
	[tilespmem:s19+$0x120] =	vst v45;
	v45 =	vcvt.s32.f32 v49  }
0x188: {  	v27 =	vcvt.s32.f32 v27;
	v51 =	vand.u32 $0xFF, v20;
	v49 =	vsub.f32 v21, v16;
	v36 =	vld.idx.msk [tilespmem:v36+s24+$0x0], $0xffff;
	[tilespmem:s17+$0x1F0] =	vst v24  }
0x189: {  	v53 =	vand.u32 $0xFF, v18;
	v52 =	vshrl.u32 v50, $0x18;
	v20 =	vshrl.u32 v40, $0x10;
	v30 =	vld.idx.msk [tilespmem:v30+s24+$0x0], $0xffff;
	[tilespmem:s17+$0x1D0] =	vst v34  }
0x18a: {  	v18 =	vshrl.u32 v50, $0x10;
	v40 =	vand.u32 $0xFF, v20;
	v21 =	vand.u32 $0xFF, v37;
	v34 =	vld.idx.msk [tilespmem:v23+s24+$0x0], $0xffff;
	[tilespmem:s17+$0xD0] =	vst v43;
	s17 =	smov.u32 s16;
	s16 =	smov.u32 s19  }
0x18b: {  	v22 =	vand.u32 $0xFF, v22;
	v37 =	vand.u32 $0xFF, v50;
	v23 =	vshrl.u32 v50, $0x8;
	v20 =	vld [tilespmem:s22+$0xFFFFFFB0];
	[tilespmem:s19+$0x20] =	vst v31  }
0x18c: {  	v24 =	vsub.f32 v27, v16;
	v43 =	vshrl.u32 v46, $0x10;
	s19 =	sadd.s32 $0x200, s19;
	v31 =	vand.u32 $0xFF, v48;
	[tilespmem:s16+$0x160] =	vst v44  }
0x18d: {  	v47 =	vmul.f32 v47, v17;
	v27 =	vand.u32 $0xFF, v46;
	v44 =	vshrl.u32 v46, $0x18;
	v25 =	vld.idx.msk [tilespmem:v25+s24+$0x0], $0xffff;
	[tilespmem:s17+$0x130] =	vst v35  }
0x18e: {  	v24 =	vmul.f32 v24, v17;
	v27 =	vcvt.s32.f32 v27;
	v50 =	vshrl.u32 v48, $0x10;
	[tilespmem:s16+$0x60] =	vst v33;
	v33 =	vld.idx.msk [tilespmem:v41+s24+$0x0], $0xffff  }
0x18f: {  	v35 =	vshrl.u32 v46, $0x8;
	v46 =	vmul.f32 v49, v17;
	v41 =	vcvt.s32.f32 v31;
	[tilespmem:s16+$0xA0] =	vst v30  }
0x190: {  	v27 =	vsub.f32 v27, v16;
	v31 =	vand.u32 $0xFF, v35;
	v30 =	vshrl.u32 v20, $0x8;
	v49 =	vld.idx.msk [tilespmem:v22+s24+$0x0], $0xffff;
	[tilespmem:s16+$0x1A0] =	vst v34  }
0x191: {  	v37 =	vcvt.s32.f32 v37;
	v22 =	vshrl.u32 v20, $0x10;
	v41 =	vsub.f32 v41, v16;
	v53 =	vld.idx.msk [tilespmem:v53+s24+$0x0], $0xffff;
	[tilespmem:s17+$0x10] =	vst v46  }
0x192: {  	v35 =	vmul.f32 v27, v17;
	v27 =	vcvt.s32.f32 v52;
	v46 =	vshrl.u32 v48, $0x18;
	[tilespmem:s16+$0x140] =	vst v36;
	v51 =	vld.idx.msk [tilespmem:v51+s24+$0x0], $0xffff  }
0x193: {  	v44 =	vcvt.s32.f32 v44;
	v34 =	vand.u32 $0xFF, v42;
	v36 =	vand.u32 $0xFF, v20;
	[tilespmem:s16+$0x40] =	vst v25;
	v52 =	vld [tilespmem:s21+$0xFFFFFFE0]  }
0x194: {  	v32 =	vand.u32 $0xFF, v32;
	v41 =	vmul.f32 v41, v17;
	v25 =	vsub.f32 v37, v16;
	[tilespmem:s16+$0x1E0] =	vst v28  }
0x195: {  	v45 =	vsub.f32 v45, v16;
	v37 =	vshrl.u32 v48, $0x8;
	v28 =	vsub.f32 v27, v16;
	[tilespmem:s17+$0x150] =	vst v33  }
0x196: {  	v29 =	vand.u32 $0xFF, v29;
	v48 =	vcvt.s32.f32 v36;
	v54 =	vmul.f32 v25, v17;
	[tilespmem:s16+$0xC0] =	vst v49  }
0x197: {  	v26 =	vsub.f32 v26, v16;
	v37 =	vand.u32 $0xFF, v37;
	v25 =	vand.u32 $0xFF, v43;
	[tilespmem:s16+$0x1C0] =	vst v53  }
0x198: {  	v36 =	vand.u32 $0xFF, v50;
	[tilespmem:s19+$0x100] =	vst v41;
	v33 =	vand.u32 $0xFF, v52;
	v50 =	vshrl.u32 v52, $0x8;
	v27 =	vld [tilespmem:s21+$0x0]  }
0x199: {  	v26 =	vmul.f32 v26, v17;
	v43 =	vsub.f32 v44, v16;
	[tilespmem:s16+$0xE0] =	vst v47;
	v44 =	vcvt.s32.f32 v33  }
0x19a: {  	v38 =	vmul.f32 v38, v17;
	v46 =	vcvt.s32.f32 v46;
	v41 =	vshrl.u32 v52, $0x10;
	v42 =	vld [tilespmem:s21+$0xFFFFFFC0];
	[tilespmem:s17+$0x30] =	vst v51  }
0x19b: {  	v49 =	vshrl.u32 v52, $0x18;
	v33 =	vmul.f32 v43, v17;
	v47 =	vsub.f32 v44, v16;
	v43 =	vld.idx.msk [tilespmem:v40+s24+$0x0], $0xffff;
	[tilespmem:s17+$0x190] =	vst v26  }
.Ltmp4:
0x19c: {  	v26 =	vsub.f32 v48, v16;
	v44 =	vsub.f32 v46, v16;
	v40 =	vcvt.s32.f32 v49;
	[tilespmem:s17+$0x90] =	vst v38;
	v48 =	vld.idx.msk [tilespmem:v29+s24+$0x0], $0xffff;
	(pc) =	sbr.rel @p2 .LBB2_9-.Ltmp4, $4  }
0x19d: {  	v38 =	vmul.f32 v45, v17;
	v51 =	vmul.f32 v47, v17;
	v29 =	vand.u32 $0xFF, v27;
	v49 =	vld.idx.msk [tilespmem:v32+s24+$0x0], $0xffff;
	[tilespmem:s17+$0x170] =	vst v39  }
0x19e: {  	v46 =	vand.u32 $0xFF, v50;
	v47 =	vmul.f32 v26, v17;
	v39 =	vsub.f32 v40, v16;
	v45 =	vld.idx.msk [tilespmem:v37+s24+$0x0], $0xffff;
	[tilespmem:s19+$0x180] =	vst v54  }
0x19f: {  	v26 =	vcvt.s32.f32 v29;
	v29 =	vshrl.u32 v27, $0x8;
	v40 =	vld [tilespmem:s21+$0xFFFFFFA0];
	v32 =	vand.u32 $0xFF, v42;
	[tilespmem:s17+$0x70] =	vst v38;
	s21 =	smov.u32 s22  }
0x1a0: {  	s22 =	sadd.s32 $0x80, s22;
	v37 =	vshrl.u32 v42, $0x10;
	v38 =	vcvt.s32.f32 v32;
	v32 =	vshrl.u32 v42, $0x8;
	[tilespmem:s16+$0x110] =	vst v51  }
0x1a1: {  	[tilespmem:s19+$0x0] =	vst v35  }
0x1a2: {  	[tilespmem:s17+$0x1B0] =	vst v48  }
0x1a3: {  	[tilespmem:s17+$0x50] =	vst v43  }
0x1a4: {  	[tilespmem:s19+$0x80] =	vst v47  }
0x1a5: {  	v19 =	vmul.f32 v19, v17;
	[tilespmem:s17+$0xB0] =	vst v49;
	v34 =	vld.idx.msk [tilespmem:v34+s24+$0x0], $0xffff  }
0x1a6: {  	v31 =	vld.idx.msk [tilespmem:v31+s24+$0x0], $0xffff;
	[tilespmem:s17+$0x1F0] =	vst v24;
	v53 =	vsub.f32 v38, v16  }
0x1a7: {  	v23 =	vand.u32 $0xFF, v23;
	v43 =	vmul.f32 v44, v17;
	v21 =	vld.idx.msk [tilespmem:v21+s24+$0x0], $0xffff;
	[tilespmem:s17+$0xF0] =	vst v19  }
0x1a8: {  	v30 =	vand.u32 $0xFF, v30;
	v49 =	vmul.f32 v28, v17;
	[tilespmem:s19+$0x120] =	vst v45;
	v19 =	vld.idx.msk [tilespmem:v46+s24+$0x0], $0xffff;
	v28 =	vmul.f32 v53, v17  }
0x1a9: {  	v36 =	vld.idx.msk [tilespmem:v36+s24+$0x0], $0xffff;
	[tilespmem:s19+$0x160] =	vst v43  }
0x1aa: {  	[tilespmem:s16+$0x90] =	vst v28  }
0x1ab: {  	[tilespmem:s17+$0x1D0] =	vst v34  }
0x1ac: {  	v46 =	vand.u32 $0xFF, v41;
	v44 =	vand.u32 $0xFF, v40;
	v23 =	vld.idx.msk [tilespmem:v23+s24+$0x0], $0xffff;
	[tilespmem:s19+$0x20] =	vst v31  }
0x1ad: {  	v18 =	vand.u32 $0xFF, v18;
	v45 =	vcvt.s32.f32 v44;
	v30 =	vld.idx.msk [tilespmem:v30+s24+$0x0], $0xffff;
	[tilespmem:s17+$0xD0] =	vst v21  }
0x1ae: {  	v22 =	vand.u32 $0xFF, v22;
	[tilespmem:s16+$0x130] =	vst v19  }
0x1af: {  	v21 =	vsub.f32 v45, v16;
	v25 =	vld.idx.msk [tilespmem:v25+s24+$0x0], $0xffff;
	[tilespmem:s19+$0x60] =	vst v33  }
0x1b0: {  	[tilespmem:s19+$0x140] =	vst v36  }
0x1b1: {  	v56 =	vand.u32 $0xFF, v32;
	v47 =	vshrl.u32 v40, $0x8;
	v48 =	vld.idx.msk [tilespmem:v46+s24+$0x0], $0xffff;
	v19 =	vmul.f32 v21, v17;
	[tilespmem:s19+$0x1A0] =	vst v23  }
0x1b2: {  	v59 =	vmul.f32 v39, v17;
	v21 =	vand.u32 $0xFF, v47;
	[tilespmem:s19+$0xA0] =	vst v30;
	v18 =	vld.idx.msk [tilespmem:v18+s24+$0x0], $0xffff  }
0x1b3: {  	[tilespmem:s16+$0x10] =	vst v19;
	v19 =	vshrl.u32 v20, $0x18;
	v22 =	vld.idx.msk [tilespmem:v22+s24+$0x0], $0xffff  }
0x1b4: {  	[tilespmem:s16+$0x170] =	vst v59;
	v24 =	vld [tilespmem:s21+$0xFFFFFFE0];
	v19 =	vcvt.s32.f32 v19  }
0x1b5: {  	v50 =	vshrl.u32 v42, $0x18;
	v52 =	vand.u32 $0xFF, v29;
	v26 =	vsub.f32 v26, v16;
	[tilespmem:s19+$0x1E0] =	vst v49  }
0x1b6: {  	v51 =	vshrl.u32 v27, $0x10;
	v61 =	vshrl.u32 v27, $0x18;
	v35 =	vld.idx.msk [tilespmem:v56+s24+$0x0], $0xffff;
	[tilespmem:s19+$0x40] =	vst v25;
	v19 =	vsub.f32 v19, v16  }
0x1b7: {  	v38 =	vand.u32 $0xFF, v37;
	v54 =	vshrl.u32 v40, $0x18;
	v21 =	vld.idx.msk [tilespmem:v21+s24+$0x0], $0xffff;
	[tilespmem:s19+$0x1C0] =	vst v18;
	v18 =	vmul.f32 v26, v17  }
0x1b8: {  	v55 =	vshrl.u32 v40, $0x10;
	v23 =	vcvt.s32.f32 v50;
	v19 =	vmul.f32 v19, v17;
	[tilespmem:s19+$0xC0] =	vst v22;
	v22 =	vld [tilespmem:s21+$0x0]  }
0x1b9: {  	v57 =	vcvt.s32.f32 v54;
	v58 =	vand.u32 $0xFF, v55;
	v60 =	vand.u32 $0xFF, v24;
	[tilespmem:s16+$0x190] =	vst v18;
	v18 =	vld [tilespmem:s21+$0xFFFFFFA0]  }
0x1ba: {  	v27 =	vcvt.s32.f32 v61;
	v23 =	vsub.f32 v23, v16;
	[tilespmem:s19+$0xE0] =	vst v19;
	v19 =	vcvt.s32.f32 v60;
	v20 =	vld.idx.msk [tilespmem:v52+s24+$0x0], $0xffff  }
0x1bb: {  	[tilespmem:s16+$0xB0] =	vst v35;
	v25 =	vand.u32 $0xFF, v51;
	v62 =	vshrl.u32 v24, $0x8;
	v26 =	vsub.f32 v57, v16;
	v63 =	vld [tilespmem:s21+$0xFFFFFFC0]  }
0x1bc: {  	v46 =	vld.idx.msk [tilespmem:v38+s24+$0x0], $0xffff;
	[tilespmem:s16+$0x150] =	vst v48;
	v23 =	vmul.f32 v23, v17;
	v36 =	vand.u32 $0xFF, v62;
	v19 =	vsub.f32 v19, v16  }
0x1bd: {  	v41 =	vshrl.u32 v24, $0x10;
	v34 =	vmul.f32 v26, v17;
	[tilespmem:s16+$0x30] =	vst v21;
	v42 =	vand.u32 $0xFF, v22  }
0x1be: {  	[tilespmem:s16+$0xF0] =	vst v23;
	v29 =	vld.idx.msk [tilespmem:v58+s24+$0x0], $0xffff;
	v19 =	vmul.f32 v19, v17;
	v39 =	vand.u32 $0xFF, v18;
	v30 =	vcvt.s32.f32 v42  }
0x1bf: {  	v47 =	vshrl.u32 v22, $0x8;
	v43 =	vshrl.u32 v18, $0x8;
	[tilespmem:s16+$0x1B0] =	vst v20;
	v40 =	vcvt.s32.f32 v39  }
0x1c0: {  	v49 =	vand.u32 $0xFF, v47;
	[tilespmem:s19+$0x110] =	vst v19;
	v45 =	vand.u32 $0xFF, v63;
	v19 =	vld.idx.msk [tilespmem:v25+s24+$0x0], $0xffff;
	v30 =	vsub.f32 v30, v16  }
0x1c1: {  	[tilespmem:s16+$0xD0] =	vst v46;
	v44 =	vld.idx.msk [tilespmem:v36+s24+$0x0], $0xffff;
	v25 =	vand.u32 $0xFF, v43;
	v28 =	vcvt.s32.f32 v45;
	v20 =	vsub.f32 v40, v16  }
0x1c2: {  	v21 =	vand.u32 $0xFF, v41;
	[tilespmem:s16+$0x70] =	vst v34;
	v48 =	vshrl.u32 v63, $0x8;
	v53 =	vmul.f32 v30, v17  }
0x1c3: {  	[tilespmem:s16+$0x50] =	vst v29;
	v50 =	vand.u32 $0xFF, v48;
	v28 =	vsub.f32 v28, v16;
	v20 =	vmul.f32 v20, v17  }
0x1c4: {  	v27 =	vsub.f32 v27, v16;
	[tilespmem:s19+$0x190] =	vst v53  }
0x1c5: {  	v51 =	vshrl.u32 v24, $0x18;
	v54 =	vmul.f32 v28, v17;
	[tilespmem:s19+$0x10] =	vst v20;
	v56 =	vld.idx.msk [tilespmem:v49+s24+$0x0], $0xffff  }
0x1c6: {  	v27 =	vmul.f32 v27, v17;
	v23 =	vcvt.s32.f32 v51;
	[tilespmem:s19+$0x130] =	vst v44;
	v25 =	vld.idx.msk [tilespmem:v25+s24+$0x0], $0xffff  }
0x1c7: {  	v55 =	vshrl.u32 v22, $0x10;
	v52 =	vshrl.u32 v18, $0x10;
	v18 =	vshrl.u32 v18, $0x18;
	v21 =	vld.idx.msk [tilespmem:v21+s24+$0x0], $0xffff;
	[tilespmem:s19+$0x90] =	vst v54  }
0x1c8: {  	v22 =	vshrl.u32 v22, $0x18;
	v26 =	vand.u32 $0xFF, v55;
	v18 =	vcvt.s32.f32 v18;
	[tilespmem:s16+$0x1F0] =	vst v27;
	v20 =	vld.idx.msk [tilespmem:v50+s24+$0x0], $0xffff  }
0x1c9: {  	v57 =	vshrl.u32 v63, $0x10;
	v58 =	vshrl.u32 v63, $0x18;
	[tilespmem:s16+$0x1D0] =	vst v19;
	v19 =	vand.u32 $0xFF, v52  }
0x1ca: {  	v27 =	vand.u32 $0xFF, v57;
	v59 =	vcvt.s32.f32 v58;
	v18 =	vsub.f32 v18, v16;
	[tilespmem:s19+$0x1B0] =	vst v56  }
0x1cb: {  	v23 =	vsub.f32 v23, v16;
	v60 =	vcvt.s32.f32 v22;
	[tilespmem:s19+$0x30] =	vst v25  }
0x1cc: {  	v61 =	vsub.f32 v59, v16;
	v18 =	vmul.f32 v18, v17;
	[tilespmem:s19+$0x150] =	vst v21  }
0x1cd: {  	v23 =	vmul.f32 v23, v17;
	v21 =	vsub.f32 v60, v16;
	v62 =	vld.idx.msk [tilespmem:v26+s24+$0x0], $0xffff;
	[tilespmem:s19+$0xB0] =	vst v20  }
0x1ce: {  	v19 =	vld.idx.msk [tilespmem:v19+s24+$0x0], $0xffff;
	[tilespmem:s19+$0x70] =	vst v18;
	v18 =	vmul.f32 v61, v17  }
0x1cf: {  	[tilespmem:s19+$0x170] =	vst v23;
	v63 =	vld.idx.msk [tilespmem:v27+s24+$0x0], $0xffff;
	v21 =	vmul.f32 v21, v17  }
0x1d0: {  	[tilespmem:s19+$0xF0] =	vst v18  }
.Ltmp5:
0x1d1: {  	[tilespmem:s19+$0x1F0] =	vst v21;
	(pc) =	sbr.rel @p1 .LBB2_12-.Ltmp5, $4  }
0x1d2: {  	s25 =	sadd.s32 s8, s11;
	[tilespmem:s19+$0x1D0] =	vst v62  }
0x1d3: {  	s16 =	sshrl.u32 s25, $0x3;
	[tilespmem:s19+$0x50] =	vst v19  }
0x1d4: {  	s16 =	sadd.s32 s1, s16;
	[tilespmem:s19+$0xD0] =	vst v63  }
0x1d5: {  	[hbm4b:s16+s3] =	stream.linear.scatter [tilespmem:s29], [sflag:$0x7], $0x4000, $0x38;
	[tilespmem:$0x1AA20] =	vst v63  }
.Ltmp6:
0x1d6: {  	(pc) =	sbr.rel .LBB2_13-.Ltmp6, $4  }
0x1d7: {  	_ = 	snop  }
0x1d8: {  	_ =	swait.ge [sflag:s30], $0x1000  }
0x1d9: {  	[sflag:s30] =	ssyncset.done $0x0  }
0x1da: {  	[sflag:s30] =	ssyncadd.s32 $0xFFFFF000  }
.LBB2_12:
0x1db: {  	s16 =	smul.u32 $0xA00, s7;
	_ =	sdelay $0x1  }
0x1dc: {  	s16 =	sshra.s32 s16, $0x2  }
.Ltmp7:
0x1dd: {  	s17 =	simm.s32 $0x2900;
	s16 =	sadd.s32 $0x300, s16;
	(pc) =	sbr.rel @p0 .LBB2_14-.Ltmp7, $4  }
0x1de: {  	[tilespmem:s17], [sflag:$0x2] =	stream.indirect.gather [hbm4b:s4+s14], $0x20, s16, s14, $0xb8;
	[tilespmem:$0x1AA20] =	vst v63  }
0x1df: {  	_ =	swait.ge [sflag:s30], $0x1000  }
0x1e0: {  	[sflag:s30] =	ssyncset.done $0x0  }
0x1e1: {  	[sflag:s30] =	ssyncadd.s32 $0xFFFFF000  }
.LBB2_13:
0x1e2: {  	_ =	swait.ge [sflag:s31], $0x4000  }
0x1e3: {  	[sflag:s31] =	ssyncset.done $0x0  }
0x1e4: {  	[sflag:s31] =	ssyncadd.s32 $0xFFFFC000  }
.LBB2_14:
0x1e5: {  	s16 =	simm.s32 $0x3970  }
0x1e6: {  	v18 =	vld [tilespmem:s16+$0xFFFFFFF0]  }
0x1e7: {  	v19 =	vld [tilespmem:s16+$0xFFFFFFD0]  }
0x1e8: {  	v20 =	vld [tilespmem:s16+$0xFFFFFF90];
	_ =	sdelay $0x1  }
0x1e9: {  	s22 =	simm.s32 $0x39F0;
	v21 =	vld [tilespmem:s16+$0xFFFFFFB0]  }
0x1ea: {  	v57 =	vld [tilespmem:s22+$0xFFFFFFF0]  }
0x1eb: {  	s21 =	simm.s32 $0x3A70;
	v33 =	vld [tilespmem:s22+$0xFFFFFF90];
	v22 =	vshrl.u32 v18, $0x18;
	v23 =	vshrl.u32 v18, $0x10;
	v24 =	vand.u32 $0xFF, v19  }
0x1ec: {  	v63 =	vld [tilespmem:s21+$0xFFFFFFF0];
	v25 =	vand.u32 $0xFF, v18;
	v18 =	vshrl.u32 v18, $0x8;
	v26 =	vshrl.u32 v20, $0x10  }
0x1ed: {  	v27 =	vand.u32 $0xFF, v20;
	v28 =	vshrl.u32 v19, $0x8;
	v29 =	vshrl.u32 v20, $0x18  }
0x1ee: {  	v30 =	vshrl.u32 v19, $0x10;
	v31 =	vand.u32 $0xFF, v21;
	v20 =	vshrl.u32 v20, $0x8  }
0x1ef: {  	v32 =	vshrl.u32 v21, $0x8;
	v19 =	vshrl.u32 v19, $0x18;
	v34 =	vshrl.u32 v21, $0x10  }
0x1f0: {  	v21 =	vshrl.u32 v21, $0x18;
	v58 =	vshrl.u32 v57, $0x10;
	v35 =	vand.u32 $0xFF, v57  }
0x1f1: {  	v37 =	vand.u32 $0xFF, v33;
	v51 =	vshrl.u32 v63, $0x18;
	v24 =	vcvt.s32.f32 v24  }
0x1f2: {  	v52 =	vand.u32 $0xFF, v63;
	v27 =	vcvt.s32.f32 v27;
	v31 =	vcvt.s32.f32 v31  }
0x1f3: {  	v28 =	vand.u32 $0xFF, v28;
	v25 =	vcvt.s32.f32 v25;
	v22 =	vcvt.s32.f32 v22  }
0x1f4: {  	v18 =	vand.u32 $0xFF, v18;
	v29 =	vcvt.s32.f32 v29;
	v24 =	vsub.f32 v24, v16  }
0x1f5: {  	v30 =	vand.u32 $0xFF, v30;
	v19 =	vcvt.s32.f32 v19;
	v25 =	vsub.f32 v25, v16  }
0x1f6: {  	v21 =	vcvt.s32.f32 v21;
	v27 =	vsub.f32 v27, v16;
	v24 =	vmul.f32 v24, v17  }
0x1f7: {  	s17 =	simm.s32 $0xE900;
	v20 =	vand.u32 $0xFF, v20;
	v37 =	vcvt.s32.f32 v37;
	v25 =	vmul.f32 v25, v17  }
0x1f8: {  	v27 =	vmul.f32 v27, v17;
	[tilespmem:s17+$0x100] =	vst v24;
	v24 =	vsub.f32 v31, v16;
	v31 =	vand.u32 $0xFF, v32  }
0x1f9: {  	v26 =	vand.u32 $0xFF, v26;
	v35 =	vcvt.s32.f32 v35;
	v51 =	vcvt.s32.f32 v51;
	[tilespmem:s17+$0x180] =	vst v25;
	v28 =	vld.idx.msk [tilespmem:v28+s24+$0x0], $0xffff  }
0x1fa: {  	v49 =	vld [tilespmem:s21+$0xFFFFFFD0];
	v29 =	vsub.f32 v29, v16;
	[tilespmem:s17+$0x0] =	vst v27;
	v27 =	vshrl.u32 v57, $0x18;
	v24 =	vmul.f32 v24, v17  }
0x1fb: {  	v22 =	vsub.f32 v22, v16;
	v19 =	vsub.f32 v19, v16;
	v18 =	vld.idx.msk [tilespmem:v18+s24+$0x0], $0xffff;
	v27 =	vcvt.s32.f32 v27  }
0x1fc: {  	v21 =	vsub.f32 v21, v16;
	v35 =	vsub.f32 v35, v16;
	v29 =	vmul.f32 v29, v17;
	[tilespmem:s17+$0x80] =	vst v24;
	v24 =	vld [tilespmem:s22+$0xFFFFFFD0]  }
0x1fd: {  	v19 =	vmul.f32 v19, v17;
	v22 =	vmul.f32 v22, v17;
	v27 =	vsub.f32 v27, v16;
	v25 =	vld.idx.msk [tilespmem:v31+s24+$0x0], $0xffff  }
0x1fe: {  	v23 =	vand.u32 $0xFF, v23;
	v21 =	vmul.f32 v21, v17;
	v35 =	vmul.f32 v35, v17;
	v31 =	vld [tilespmem:s22+$0xFFFFFFB0];
	[tilespmem:s17+$0x120] =	vst v28  }
0x1ff: {  	v32 =	vshrl.u32 v57, $0x8;
	v27 =	vmul.f32 v27, v17;
	v28 =	vand.u32 $0xFF, v34;
	v30 =	vld.idx.msk [tilespmem:v30+s24+$0x0], $0xffff  }
0x200: {  	v34 =	vand.u32 $0xFF, v58;
	v58 =	vand.u32 $0xFF, v49;
	[tilespmem:s17+$0x160] =	vst v19;
	v19 =	vld.idx.msk [tilespmem:v20+s24+$0x0], $0xffff;
	v20 =	vshrl.u32 v33, $0x10  }
0x201: {  	v48 =	vld [tilespmem:s21+$0xFFFFFF90];
	[tilespmem:s17+$0x1A0] =	vst v18;
	v60 =	vand.u32 $0xFF, v20;
	v36 =	vand.u32 $0xFF, v24;
	v18 =	vshrl.u32 v24, $0x10  }
0x202: {  	[tilespmem:s17+$0xA0] =	vst v25;
	v25 =	vshrl.u32 v33, $0x18;
	v33 =	vshrl.u32 v33, $0x8;
	v36 =	vcvt.s32.f32 v36  }
0x203: {  	v23 =	vld.idx.msk [tilespmem:v23+s24+$0x0], $0xffff;
	v59 =	vshrl.u32 v31, $0x8;
	v39 =	vshrl.u32 v31, $0x10;
	v40 =	vand.u32 $0xFF, v31  }
0x204: {  	[tilespmem:s17+$0x1E0] =	vst v22;
	v18 =	vand.u32 $0xFF, v18;
	v31 =	vshrl.u32 v31, $0x18;
	v28 =	vld.idx.msk [tilespmem:v28+s24+$0x0], $0xffff;
	v33 =	vand.u32 $0xFF, v33  }
0x205: {  	v25 =	vcvt.s32.f32 v25;
	v31 =	vcvt.s32.f32 v31;
	[tilespmem:s17+$0x140] =	vst v30;
	v30 =	vsub.f32 v37, v16  }
0x206: {  	[tilespmem:s17+$0xE0] =	vst v21;
	v36 =	vsub.f32 v36, v16;
	v37 =	vand.u32 $0xFF, v59;
	v59 =	vshrl.u32 v48, $0x18;
	v38 =	vld [tilespmem:s16+$0xFFFFFFE0]  }
0x207: {  	[tilespmem:s17+$0x20] =	vst v19;
	v25 =	vsub.f32 v25, v16;
	v19 =	vmul.f32 v30, v17;
	v30 =	vshrl.u32 v24, $0x18  }
0x208: {  	[tilespmem:s17+$0x1C0] =	vst v23;
	v26 =	vld.idx.msk [tilespmem:v26+s24+$0x0], $0xffff;
	v31 =	vsub.f32 v31, v16;
	v24 =	vshrl.u32 v24, $0x8;
	v30 =	vcvt.s32.f32 v30  }
0x209: {  	v22 =	vmul.f32 v36, v17;
	v20 =	vand.u32 $0xFF, v24;
	v24 =	vld [tilespmem:s16+$0x0];
	[tilespmem:s17+$0xC0] =	vst v28;
	v28 =	vcvt.s32.f32 v40  }
0x20a: {  	[tilespmem:s17+$0x60] =	vst v29;
	v25 =	vmul.f32 v25, v17;
	v53 =	vmul.f32 v31, v17;
	v29 =	vsub.f32 v30, v16  }
0x20b: {  	v61 =	vld [tilespmem:s16+$0xFFFFFFC0];
	v23 =	vand.u32 $0xFF, v38;
	v41 =	vshrl.u32 v38, $0x10;
	v28 =	vsub.f32 v28, v16  }
0x20c: {  	v21 =	vcvt.s32.f32 v23;
	v23 =	vshrl.u32 v38, $0x8;
	v38 =	vshrl.u32 v38, $0x18  }
0x20d: {  	[tilespmem:s17+$0x40] =	vst v26;
	v29 =	vmul.f32 v29, v17;
	v41 =	vand.u32 $0xFF, v41;
	v30 =	vcvt.s32.f32 v38  }
0x20e: {  	v62 =	vld [tilespmem:s16+$0xFFFFFFA0];
	v26 =	vand.u32 $0xFF, v24;
	v28 =	vmul.f32 v28, v17;
	v23 =	vand.u32 $0xFF, v23  }
0x20f: {  	s16 =	simm.s32 $0xEB00;
	v43 =	vshrl.u32 v24, $0x8;
	v45 =	vshrl.u32 v24, $0x10;
	v21 =	vsub.f32 v21, v16  }
0x210: {  	[tilespmem:s16+$0x100] =	vst v22;
	v26 =	vcvt.s32.f32 v26;
	v30 =	vsub.f32 v30, v16;
	v42 =	vand.u32 $0xFF, v61  }
0x211: {  	[tilespmem:s16+$0x0] =	vst v19;
	v20 =	vld.idx.msk [tilespmem:v20+s24+$0x0], $0xffff;
	v44 =	vshrl.u32 v61, $0x8;
	v40 =	vshrl.u32 v61, $0x18;
	v21 =	vmul.f32 v21, v17  }
0x212: {  	v33 =	vld.idx.msk [tilespmem:v33+s24+$0x0], $0xffff;
	v22 =	vshrl.u32 v61, $0x10;
	v42 =	vcvt.s32.f32 v42;
	v19 =	vcvt.s32.f32 v40  }
0x213: {  	[tilespmem:s16+$0x80] =	vst v28;
	v26 =	vsub.f32 v26, v16;
	v54 =	vand.u32 $0xFF, v62;
	v55 =	vshrl.u32 v62, $0x18  }
0x214: {  	v50 =	vmul.f32 v30, v17;
	v46 =	vsub.f32 v42, v16;
	[tilespmem:s17+$0x110] =	vst v21;
	v21 =	vand.u32 $0xFF, v32  }
0x215: {  	[tilespmem:s16+$0x180] =	vst v35;
	v56 =	vld.idx.msk [tilespmem:v37+s24+$0x0], $0xffff;
	v32 =	vcvt.s32.f32 v54;
	v19 =	vsub.f32 v19, v16;
	v40 =	vcvt.s32.f32 v55  }
0x216: {  	v42 =	vcvt.s32.f32 v59;
	v26 =	vmul.f32 v26, v17;
	v47 =	vld.idx.msk [tilespmem:v23+s24+$0x0], $0xffff;
	v23 =	vshrl.u32 v62, $0x8;
	[tilespmem:s16+$0x120] =	vst v20  }
0x217: {  	v20 =	vshrl.u32 v24, $0x18;
	[tilespmem:s16+$0x20] =	vst v33;
	v33 =	vshrl.u32 v48, $0x10;
	v30 =	vsub.f32 v32, v16  }
0x218: {  	v28 =	vld.idx.msk [tilespmem:v18+s24+$0x0], $0xffff;
	v32 =	vand.u32 $0xFF, v23;
	v24 =	vcvt.s32.f32 v20;
	v20 =	vshrl.u32 v62, $0x10;
	[tilespmem:s16+$0x160] =	vst v29  }
0x219: {  	v18 =	vshrl.u32 v63, $0x10;
	v23 =	vshrl.u32 v63, $0x8;
	v29 =	vand.u32 $0xFF, v48;
	v36 =	vld.idx.msk [tilespmem:v60+s24+$0x0], $0xffff;
	[tilespmem:s16+$0x60] =	vst v25  }
0x21a: {  	v25 =	vshrl.u32 v48, $0x8;
	[tilespmem:s17+$0x190] =	vst v26;
	v57 =	vld.idx.msk [tilespmem:v21+s24+$0x0], $0xffff;
	v21 =	vand.u32 $0xFF, v22;
	v22 =	vand.u32 $0xFF, v39  }
0x21b: {  	v62 =	vcvt.s32.f32 v52;
	v40 =	vsub.f32 v40, v16;
	v55 =	vsub.f32 v42, v16;
	[tilespmem:s16+$0xA0] =	vst v56  }
0x21c: {  	v29 =	vcvt.s32.f32 v29;
	v24 =	vsub.f32 v24, v16;
	v60 =	vmul.f32 v30, v17;
	[tilespmem:s17+$0x130] =	vst v47  }
0x21d: {  	v38 =	vand.u32 $0xFF, v20;
	v20 =	vld [tilespmem:s21+$0xFFFFFFB0];
	v59 =	vsub.f32 v62, v16;
	v39 =	vcvt.s32.f32 v58;
	[tilespmem:s16+$0x140] =	vst v28  }
0x21e: {  	v31 =	vand.u32 $0xFF, v25;
	v29 =	vsub.f32 v29, v16;
	v24 =	vmul.f32 v24, v17;
	[tilespmem:s17+$0x10] =	vst v60;
	v54 =	vld [tilespmem:s22+$0xFFFFFFE0]  }
0x21f: {  	v47 =	vshrl.u32 v49, $0x10;
	v37 =	vmul.f32 v59, v17;
	v61 =	vsub.f32 v39, v16;
	[tilespmem:s16+$0x1A0] =	vst v57;
	v25 =	vld.idx.msk [tilespmem:v22+s24+$0x0], $0xffff  }
0x220: {  	v35 =	vmul.f32 v29, v17;
	v29 =	vshrl.u32 v49, $0x18;
	[tilespmem:s16+$0x40] =	vst v36;
	v39 =	vand.u32 $0xFF, v44;
	v63 =	vld.idx.msk [tilespmem:v34+s24+$0x0], $0xffff  }
0x221: {  	v41 =	vld.idx.msk [tilespmem:v41+s24+$0x0], $0xffff;
	v28 =	vsub.f32 v51, v16;
	v36 =	vand.u32 $0xFF, v47;
	[tilespmem:s17+$0x170] =	vst v50;
	v29 =	vcvt.s32.f32 v29  }
0x222: {  	v30 =	vshrl.u32 v20, $0x8;
	v58 =	vmul.f32 v61, v17;
	v61 =	vand.u32 $0xFF, v43;
	[tilespmem:s16+$0xE0] =	vst v53  }
0x223: {  	v22 =	vshrl.u32 v20, $0x10;
	v57 =	vand.u32 $0xFF, v20;
	v44 =	vsub.f32 v29, v16;
	[tilespmem:s16+$0x1E0] =	vst v27  }
0x224: {  	v32 =	vld.idx.msk [tilespmem:v32+s24+$0x0], $0xffff;
	v34 =	vand.u32 $0xFF, v45;
	v27 =	vshrl.u32 v49, $0x8;
	v60 =	vcvt.s32.f32 v57;
	[tilespmem:s16+$0xC0] =	vst v25  }
0x225: {  	v57 =	vmul.f32 v46, v17;
	v51 =	vand.u32 $0xFF, v27;
	v62 =	vand.u32 $0xFF, v54;
	[tilespmem:s16+$0x1C0] =	vst v63;
	v42 =	vld [tilespmem:s22+$0xFFFFFFC0]  }
0x226: {  	s19 =	simm.s32 $0xED00;
	[tilespmem:s17+$0x150] =	vst v41;
	v41 =	vshrl.u32 v54, $0x10;
	v59 =	vshrl.u32 v54, $0x18;
	v56 =	vcvt.s32.f32 v62;
	v27 =	vld [tilespmem:s22+$0x0]  }
0x227: {  	[tilespmem:s19+$0x100] =	vst v58;
	v26 =	vsub.f32 v60, v16;
	v29 =	vcvt.s32.f32 v59;
	v62 =	vmul.f32 v40, v17  }
0x228: {  	[tilespmem:s17+$0x90] =	vst v57;
	v48 =	vld.idx.msk [tilespmem:v61+s24+$0x0], $0xffff;
	v25 =	vand.u32 $0xFF, v33;
	v33 =	vmul.f32 v55, v17;
	v58 =	vsub.f32 v56, v16  }
0x229: {  	[tilespmem:s17+$0x30] =	vst v32;
	v49 =	vld.idx.msk [tilespmem:v39+s24+$0x0], $0xffff;
	v47 =	vmul.f32 v26, v17;
	v63 =	vshrl.u32 v54, $0x8;
	v39 =	vsub.f32 v29, v16  }
0x22a: {  	[tilespmem:s19+$0x180] =	vst v37;
	v43 =	vld.idx.msk [tilespmem:v38+s24+$0x0], $0xffff;
	v46 =	vand.u32 $0xFF, v63;
	v60 =	vmul.f32 v58, v17;
	v63 =	vand.u32 $0xFF, v42  }
0x22b: {  	v40 =	vld [tilespmem:s22+$0xFFFFFFA0];
	[tilespmem:s17+$0x70] =	vst v62;
	v32 =	vshrl.u32 v42, $0x8;
	v37 =	vshrl.u32 v42, $0x10;
	v61 =	vand.u32 $0xFF, v27  }
0x22c: {  	s25 =	simm.s32 $0x8;
	v45 =	vld.idx.msk [tilespmem:v51+s24+$0x0], $0xffff;
	s22 =	simm.s32 $0x3AF0;
	[tilespmem:s16+$0x110] =	vst v60;
	v29 =	vshrl.u32 v27, $0x8;
	v38 =	vcvt.s32.f32 v63;
	v26 =	vcvt.s32.f32 v61  }
.LBB2_15:
0x22d: {  	v50 =	vld [tilespmem:s22+$0xFFFFFFF0];
	s25 =	sadd.s32 $0x4, s25;
	[tilespmem:s19+$0x0] =	vst v35;
	v20 =	vshrl.u32 v20, $0x18;
	v35 =	vshrl.u32 v42, $0x18;
	v42 =	vshrl.u32 v27, $0x10  }
0x22e: {  	p2 =	slt.u32 s25, $0x7C;
	v31 =	vld.idx.msk [tilespmem:v31+s24+$0x0], $0xffff;
	v20 =	vcvt.s32.f32 v20;
	v38 =	vsub.f32 v38, v16;
	v35 =	vcvt.s32.f32 v35;
	[tilespmem:s17+$0x1B0] =	vst v48  }
0x22f: {  	v30 =	vand.u32 $0xFF, v30;
	v44 =	vmul.f32 v44, v17;
	v48 =	vmul.f32 v19, v17;
	[tilespmem:s17+$0xB0] =	vst v49;
	v34 =	vld.idx.msk [tilespmem:v34+s24+$0x0], $0xffff  }
0x230: {  	v23 =	vand.u32 $0xFF, v23;
	v19 =	vand.u32 $0xFF, v40;
	v49 =	vshrl.u32 v40, $0x18;
	[tilespmem:s17+$0x50] =	vst v43;
	v43 =	vld.idx.msk [tilespmem:v21+s24+$0x0], $0xffff  }
0x231: {  	v41 =	vand.u32 $0xFF, v41;
	[tilespmem:s19+$0x80] =	vst v47;
	v21 =	vcvt.s32.f32 v19;
	v19 =	vsub.f32 v35, v16;
	v35 =	vld.idx.msk [tilespmem:v46+s24+$0x0], $0xffff  }
0x232: {  	v28 =	vmul.f32 v28, v17;
	v47 =	vsub.f32 v20, v16;
	v20 =	vshrl.u32 v40, $0x8;
	v46 =	vld [tilespmem:s22+$0xFFFFFF90];
	[tilespmem:s17+$0xF0] =	vst v48  }
0x233: {  	v39 =	vmul.f32 v39, v17;
	v27 =	vshrl.u32 v27, $0x18;
	v48 =	vld [tilespmem:s22+$0xFFFFFFD0];
	[tilespmem:s19+$0x120] =	vst v45;
	v45 =	vcvt.s32.f32 v49  }
0x234: {  	v27 =	vcvt.s32.f32 v27;
	v51 =	vand.u32 $0xFF, v20;
	v49 =	vsub.f32 v21, v16;
	v36 =	vld.idx.msk [tilespmem:v36+s24+$0x0], $0xffff;
	[tilespmem:s17+$0x1F0] =	vst v24  }
0x235: {  	v53 =	vand.u32 $0xFF, v18;
	v52 =	vshrl.u32 v50, $0x18;
	v20 =	vshrl.u32 v40, $0x10;
	v30 =	vld.idx.msk [tilespmem:v30+s24+$0x0], $0xffff;
	[tilespmem:s17+$0x1D0] =	vst v34  }
0x236: {  	v18 =	vshrl.u32 v50, $0x10;
	v40 =	vand.u32 $0xFF, v20;
	v21 =	vand.u32 $0xFF, v37;
	v34 =	vld.idx.msk [tilespmem:v23+s24+$0x0], $0xffff;
	[tilespmem:s17+$0xD0] =	vst v43;
	s17 =	smov.u32 s16;
	s16 =	smov.u32 s19  }
0x237: {  	v22 =	vand.u32 $0xFF, v22;
	v37 =	vand.u32 $0xFF, v50;
	v23 =	vshrl.u32 v50, $0x8;
	v20 =	vld [tilespmem:s22+$0xFFFFFFB0];
	[tilespmem:s19+$0x20] =	vst v31  }
0x238: {  	v24 =	vsub.f32 v27, v16;
	v43 =	vshrl.u32 v46, $0x10;
	s19 =	sadd.s32 $0x200, s19;
	v31 =	vand.u32 $0xFF, v48;
	[tilespmem:s16+$0x160] =	vst v44  }
0x239: {  	v47 =	vmul.f32 v47, v17;
	v27 =	vand.u32 $0xFF, v46;
	v44 =	vshrl.u32 v46, $0x18;
	v25 =	vld.idx.msk [tilespmem:v25+s24+$0x0], $0xffff;
	[tilespmem:s17+$0x130] =	vst v35  }
0x23a: {  	v24 =	vmul.f32 v24, v17;
	v27 =	vcvt.s32.f32 v27;
	v50 =	vshrl.u32 v48, $0x10;
	[tilespmem:s16+$0x60] =	vst v33;
	v33 =	vld.idx.msk [tilespmem:v41+s24+$0x0], $0xffff  }
0x23b: {  	v35 =	vshrl.u32 v46, $0x8;
	v46 =	vmul.f32 v49, v17;
	v41 =	vcvt.s32.f32 v31;
	[tilespmem:s16+$0xA0] =	vst v30  }
0x23c: {  	v27 =	vsub.f32 v27, v16;
	v31 =	vand.u32 $0xFF, v35;
	v30 =	vshrl.u32 v20, $0x8;
	v49 =	vld.idx.msk [tilespmem:v22+s24+$0x0], $0xffff;
	[tilespmem:s16+$0x1A0] =	vst v34  }
0x23d: {  	v37 =	vcvt.s32.f32 v37;
	v22 =	vshrl.u32 v20, $0x10;
	v41 =	vsub.f32 v41, v16;
	v53 =	vld.idx.msk [tilespmem:v53+s24+$0x0], $0xffff;
	[tilespmem:s17+$0x10] =	vst v46  }
0x23e: {  	v35 =	vmul.f32 v27, v17;
	v27 =	vcvt.s32.f32 v52;
	v46 =	vshrl.u32 v48, $0x18;
	[tilespmem:s16+$0x140] =	vst v36;
	v51 =	vld.idx.msk [tilespmem:v51+s24+$0x0], $0xffff  }
0x23f: {  	v44 =	vcvt.s32.f32 v44;
	v34 =	vand.u32 $0xFF, v42;
	v36 =	vand.u32 $0xFF, v20;
	[tilespmem:s16+$0x40] =	vst v25;
	v52 =	vld [tilespmem:s21+$0xFFFFFFE0]  }
0x240: {  	v32 =	vand.u32 $0xFF, v32;
	v41 =	vmul.f32 v41, v17;
	v25 =	vsub.f32 v37, v16;
	[tilespmem:s16+$0x1E0] =	vst v28  }
0x241: {  	v45 =	vsub.f32 v45, v16;
	v37 =	vshrl.u32 v48, $0x8;
	v28 =	vsub.f32 v27, v16;
	[tilespmem:s17+$0x150] =	vst v33  }
0x242: {  	v29 =	vand.u32 $0xFF, v29;
	v48 =	vcvt.s32.f32 v36;
	v54 =	vmul.f32 v25, v17;
	[tilespmem:s16+$0xC0] =	vst v49  }
0x243: {  	v26 =	vsub.f32 v26, v16;
	v37 =	vand.u32 $0xFF, v37;
	v25 =	vand.u32 $0xFF, v43;
	[tilespmem:s16+$0x1C0] =	vst v53  }
0x244: {  	v36 =	vand.u32 $0xFF, v50;
	[tilespmem:s19+$0x100] =	vst v41;
	v33 =	vand.u32 $0xFF, v52;
	v50 =	vshrl.u32 v52, $0x8;
	v27 =	vld [tilespmem:s21+$0x0]  }
0x245: {  	v26 =	vmul.f32 v26, v17;
	v43 =	vsub.f32 v44, v16;
	[tilespmem:s16+$0xE0] =	vst v47;
	v44 =	vcvt.s32.f32 v33  }
0x246: {  	v38 =	vmul.f32 v38, v17;
	v46 =	vcvt.s32.f32 v46;
	v41 =	vshrl.u32 v52, $0x10;
	v42 =	vld [tilespmem:s21+$0xFFFFFFC0];
	[tilespmem:s17+$0x30] =	vst v51  }
0x247: {  	v49 =	vshrl.u32 v52, $0x18;
	v33 =	vmul.f32 v43, v17;
	v47 =	vsub.f32 v44, v16;
	v43 =	vld.idx.msk [tilespmem:v40+s24+$0x0], $0xffff;
	[tilespmem:s17+$0x190] =	vst v26  }
.Ltmp8:
0x248: {  	v26 =	vsub.f32 v48, v16;
	v44 =	vsub.f32 v46, v16;
	v40 =	vcvt.s32.f32 v49;
	[tilespmem:s17+$0x90] =	vst v38;
	v48 =	vld.idx.msk [tilespmem:v29+s24+$0x0], $0xffff;
	(pc) =	sbr.rel @p2 .LBB2_15-.Ltmp8, $4  }
0x249: {  	v38 =	vmul.f32 v45, v17;
	v51 =	vmul.f32 v47, v17;
	v29 =	vand.u32 $0xFF, v27;
	v49 =	vld.idx.msk [tilespmem:v32+s24+$0x0], $0xffff;
	[tilespmem:s17+$0x170] =	vst v39  }
0x24a: {  	v46 =	vand.u32 $0xFF, v50;
	v47 =	vmul.f32 v26, v17;
	v39 =	vsub.f32 v40, v16;
	v45 =	vld.idx.msk [tilespmem:v37+s24+$0x0], $0xffff;
	[tilespmem:s19+$0x180] =	vst v54  }
0x24b: {  	v26 =	vcvt.s32.f32 v29;
	v29 =	vshrl.u32 v27, $0x8;
	v40 =	vld [tilespmem:s21+$0xFFFFFFA0];
	v32 =	vand.u32 $0xFF, v42;
	[tilespmem:s17+$0x70] =	vst v38;
	s21 =	smov.u32 s22  }
0x24c: {  	s22 =	sadd.s32 $0x80, s22;
	v37 =	vshrl.u32 v42, $0x10;
	v38 =	vcvt.s32.f32 v32;
	v32 =	vshrl.u32 v42, $0x8;
	[tilespmem:s16+$0x110] =	vst v51  }
0x24d: {  	[tilespmem:s19+$0x0] =	vst v35  }
0x24e: {  	[tilespmem:s17+$0x1B0] =	vst v48  }
0x24f: {  	[tilespmem:s17+$0x50] =	vst v43  }
0x250: {  	[tilespmem:s19+$0x80] =	vst v47  }
0x251: {  	v19 =	vmul.f32 v19, v17;
	[tilespmem:s17+$0xB0] =	vst v49;
	v34 =	vld.idx.msk [tilespmem:v34+s24+$0x0], $0xffff  }
0x252: {  	v31 =	vld.idx.msk [tilespmem:v31+s24+$0x0], $0xffff;
	[tilespmem:s17+$0x1F0] =	vst v24;
	v53 =	vsub.f32 v38, v16  }
0x253: {  	v23 =	vand.u32 $0xFF, v23;
	v43 =	vmul.f32 v44, v17;
	v21 =	vld.idx.msk [tilespmem:v21+s24+$0x0], $0xffff;
	[tilespmem:s17+$0xF0] =	vst v19  }
0x254: {  	v30 =	vand.u32 $0xFF, v30;
	v49 =	vmul.f32 v28, v17;
	[tilespmem:s19+$0x120] =	vst v45;
	v19 =	vld.idx.msk [tilespmem:v46+s24+$0x0], $0xffff;
	v28 =	vmul.f32 v53, v17  }
0x255: {  	v36 =	vld.idx.msk [tilespmem:v36+s24+$0x0], $0xffff;
	[tilespmem:s19+$0x160] =	vst v43  }
0x256: {  	[tilespmem:s16+$0x90] =	vst v28  }
0x257: {  	[tilespmem:s17+$0x1D0] =	vst v34  }
0x258: {  	v46 =	vand.u32 $0xFF, v41;
	v44 =	vand.u32 $0xFF, v40;
	v23 =	vld.idx.msk [tilespmem:v23+s24+$0x0], $0xffff;
	[tilespmem:s19+$0x20] =	vst v31  }
0x259: {  	v18 =	vand.u32 $0xFF, v18;
	v45 =	vcvt.s32.f32 v44;
	v30 =	vld.idx.msk [tilespmem:v30+s24+$0x0], $0xffff;
	[tilespmem:s17+$0xD0] =	vst v21  }
0x25a: {  	v22 =	vand.u32 $0xFF, v22;
	[tilespmem:s16+$0x130] =	vst v19  }
0x25b: {  	v21 =	vsub.f32 v45, v16;
	v25 =	vld.idx.msk [tilespmem:v25+s24+$0x0], $0xffff;
	[tilespmem:s19+$0x60] =	vst v33  }
0x25c: {  	[tilespmem:s19+$0x140] =	vst v36  }
0x25d: {  	v56 =	vand.u32 $0xFF, v32;
	v47 =	vshrl.u32 v40, $0x8;
	v48 =	vld.idx.msk [tilespmem:v46+s24+$0x0], $0xffff;
	v19 =	vmul.f32 v21, v17;
	[tilespmem:s19+$0x1A0] =	vst v23  }
0x25e: {  	v59 =	vmul.f32 v39, v17;
	v21 =	vand.u32 $0xFF, v47;
	[tilespmem:s19+$0xA0] =	vst v30;
	v18 =	vld.idx.msk [tilespmem:v18+s24+$0x0], $0xffff  }
0x25f: {  	[tilespmem:s16+$0x10] =	vst v19;
	v19 =	vshrl.u32 v20, $0x18;
	v22 =	vld.idx.msk [tilespmem:v22+s24+$0x0], $0xffff  }
0x260: {  	[tilespmem:s16+$0x170] =	vst v59;
	v24 =	vld [tilespmem:s21+$0xFFFFFFE0];
	v19 =	vcvt.s32.f32 v19  }
0x261: {  	v50 =	vshrl.u32 v42, $0x18;
	v52 =	vand.u32 $0xFF, v29;
	v26 =	vsub.f32 v26, v16;
	[tilespmem:s19+$0x1E0] =	vst v49  }
0x262: {  	v51 =	vshrl.u32 v27, $0x10;
	v61 =	vshrl.u32 v27, $0x18;
	v35 =	vld.idx.msk [tilespmem:v56+s24+$0x0], $0xffff;
	[tilespmem:s19+$0x40] =	vst v25;
	v19 =	vsub.f32 v19, v16  }
0x263: {  	v38 =	vand.u32 $0xFF, v37;
	v54 =	vshrl.u32 v40, $0x18;
	v21 =	vld.idx.msk [tilespmem:v21+s24+$0x0], $0xffff;
	[tilespmem:s19+$0x1C0] =	vst v18;
	v18 =	vmul.f32 v26, v17  }
0x264: {  	v55 =	vshrl.u32 v40, $0x10;
	v23 =	vcvt.s32.f32 v50;
	v19 =	vmul.f32 v19, v17;
	[tilespmem:s19+$0xC0] =	vst v22;
	v22 =	vld [tilespmem:s21+$0x0]  }
0x265: {  	v57 =	vcvt.s32.f32 v54;
	v58 =	vand.u32 $0xFF, v55;
	v60 =	vand.u32 $0xFF, v24;
	[tilespmem:s16+$0x190] =	vst v18;
	v18 =	vld [tilespmem:s21+$0xFFFFFFA0]  }
0x266: {  	v27 =	vcvt.s32.f32 v61;
	v23 =	vsub.f32 v23, v16;
	[tilespmem:s19+$0xE0] =	vst v19;
	v19 =	vcvt.s32.f32 v60;
	v20 =	vld.idx.msk [tilespmem:v52+s24+$0x0], $0xffff  }
0x267: {  	[tilespmem:s16+$0xB0] =	vst v35;
	v25 =	vand.u32 $0xFF, v51;
	v62 =	vshrl.u32 v24, $0x8;
	v26 =	vsub.f32 v57, v16;
	v63 =	vld [tilespmem:s21+$0xFFFFFFC0]  }
0x268: {  	v46 =	vld.idx.msk [tilespmem:v38+s24+$0x0], $0xffff;
	[tilespmem:s16+$0x150] =	vst v48;
	v23 =	vmul.f32 v23, v17;
	v36 =	vand.u32 $0xFF, v62;
	v19 =	vsub.f32 v19, v16  }
0x269: {  	v41 =	vshrl.u32 v24, $0x10;
	v34 =	vmul.f32 v26, v17;
	[tilespmem:s16+$0x30] =	vst v21;
	v42 =	vand.u32 $0xFF, v22  }
0x26a: {  	[tilespmem:s16+$0xF0] =	vst v23;
	v29 =	vld.idx.msk [tilespmem:v58+s24+$0x0], $0xffff;
	v19 =	vmul.f32 v19, v17;
	v39 =	vand.u32 $0xFF, v18;
	v30 =	vcvt.s32.f32 v42  }
0x26b: {  	v47 =	vshrl.u32 v22, $0x8;
	v43 =	vshrl.u32 v18, $0x8;
	[tilespmem:s16+$0x1B0] =	vst v20;
	v40 =	vcvt.s32.f32 v39  }
0x26c: {  	v49 =	vand.u32 $0xFF, v47;
	[tilespmem:s19+$0x110] =	vst v19;
	v45 =	vand.u32 $0xFF, v63;
	v19 =	vld.idx.msk [tilespmem:v25+s24+$0x0], $0xffff;
	v30 =	vsub.f32 v30, v16  }
0x26d: {  	[tilespmem:s16+$0xD0] =	vst v46;
	v44 =	vld.idx.msk [tilespmem:v36+s24+$0x0], $0xffff;
	v25 =	vand.u32 $0xFF, v43;
	v28 =	vcvt.s32.f32 v45;
	v20 =	vsub.f32 v40, v16  }
0x26e: {  	v21 =	vand.u32 $0xFF, v41;
	[tilespmem:s16+$0x70] =	vst v34;
	v48 =	vshrl.u32 v63, $0x8;
	v53 =	vmul.f32 v30, v17  }
0x26f: {  	[tilespmem:s16+$0x50] =	vst v29;
	v50 =	vand.u32 $0xFF, v48;
	v28 =	vsub.f32 v28, v16;
	v20 =	vmul.f32 v20, v17  }
0x270: {  	v27 =	vsub.f32 v27, v16;
	[tilespmem:s19+$0x190] =	vst v53  }
0x271: {  	v51 =	vshrl.u32 v24, $0x18;
	v54 =	vmul.f32 v28, v17;
	[tilespmem:s19+$0x10] =	vst v20;
	v56 =	vld.idx.msk [tilespmem:v49+s24+$0x0], $0xffff  }
0x272: {  	v27 =	vmul.f32 v27, v17;
	v23 =	vcvt.s32.f32 v51;
	[tilespmem:s19+$0x130] =	vst v44;
	v25 =	vld.idx.msk [tilespmem:v25+s24+$0x0], $0xffff  }
0x273: {  	v55 =	vshrl.u32 v22, $0x10;
	v52 =	vshrl.u32 v18, $0x10;
	v18 =	vshrl.u32 v18, $0x18;
	v21 =	vld.idx.msk [tilespmem:v21+s24+$0x0], $0xffff;
	[tilespmem:s19+$0x90] =	vst v54  }
0x274: {  	v22 =	vshrl.u32 v22, $0x18;
	v26 =	vand.u32 $0xFF, v55;
	v18 =	vcvt.s32.f32 v18;
	[tilespmem:s16+$0x1F0] =	vst v27;
	v20 =	vld.idx.msk [tilespmem:v50+s24+$0x0], $0xffff  }
0x275: {  	v57 =	vshrl.u32 v63, $0x10;
	v58 =	vshrl.u32 v63, $0x18;
	[tilespmem:s16+$0x1D0] =	vst v19;
	v19 =	vand.u32 $0xFF, v52  }
0x276: {  	v27 =	vand.u32 $0xFF, v57;
	v59 =	vcvt.s32.f32 v58;
	v18 =	vsub.f32 v18, v16;
	[tilespmem:s19+$0x1B0] =	vst v56  }
0x277: {  	v23 =	vsub.f32 v23, v16;
	v60 =	vcvt.s32.f32 v22;
	[tilespmem:s19+$0x30] =	vst v25  }
0x278: {  	v61 =	vsub.f32 v59, v16;
	v18 =	vmul.f32 v18, v17;
	[tilespmem:s19+$0x150] =	vst v21  }
0x279: {  	v23 =	vmul.f32 v23, v17;
	v21 =	vsub.f32 v60, v16;
	v62 =	vld.idx.msk [tilespmem:v26+s24+$0x0], $0xffff;
	[tilespmem:s19+$0xB0] =	vst v20  }
0x27a: {  	v19 =	vld.idx.msk [tilespmem:v19+s24+$0x0], $0xffff;
	[tilespmem:s19+$0x70] =	vst v18;
	v18 =	vmul.f32 v61, v17  }
0x27b: {  	[tilespmem:s19+$0x170] =	vst v23;
	v63 =	vld.idx.msk [tilespmem:v27+s24+$0x0], $0xffff;
	v21 =	vmul.f32 v21, v17  }
0x27c: {  	[tilespmem:s19+$0xF0] =	vst v18  }
.Ltmp9:
0x27d: {  	[tilespmem:s19+$0x1F0] =	vst v21;
	(pc) =	sbr.rel @p1 .LBB2_18-.Ltmp9, $4  }
0x27e: {  	s25 =	sadd.s32 s9, s11;
	[tilespmem:s19+$0x1D0] =	vst v62  }
0x27f: {  	s16 =	sshrl.u32 s25, $0x3;
	[tilespmem:s19+$0x50] =	vst v19  }
0x280: {  	s16 =	sadd.s32 s1, s16;
	[tilespmem:s19+$0xD0] =	vst v63  }
0x281: {  	[hbm4b:s16+s3] =	stream.linear.scatter [tilespmem:s0], [sflag:$0x8], $0x4000, $0x38;
	[tilespmem:$0x1AA20] =	vst v63  }
.Ltmp10:
0x282: {  	(pc) =	sbr.rel .LBB2_19-.Ltmp10, $4  }
0x283: {  	_ = 	snop  }
0x284: {  	_ =	swait.ge [sflag:s2], $0x1000  }
0x285: {  	[sflag:s2] =	ssyncset.done $0x0  }
0x286: {  	[sflag:s2] =	ssyncadd.s32 $0xFFFFF000  }
.LBB2_18:
0x287: {  	s16 =	smul.u32 $0xA00, s7;
	_ =	sdelay $0x1  }
0x288: {  	s16 =	sshra.s32 s16, $0x2  }
.Ltmp11:
0x289: {  	s17 =	simm.s32 $0x3900;
	s16 =	sadd.s32 $0x380, s16;
	(pc) =	sbr.rel @p0 .LBB2_20-.Ltmp11, $4  }
0x28a: {  	[tilespmem:s17], [sflag:$0x3] =	stream.indirect.gather [hbm4b:s4+s14], $0x20, s16, s14, $0xb8;
	[tilespmem:$0x1AA20] =	vst v63  }
0x28b: {  	_ =	swait.ge [sflag:s2], $0x1000  }
0x28c: {  	[sflag:s2] =	ssyncset.done $0x0  }
0x28d: {  	[sflag:s2] =	ssyncadd.s32 $0xFFFFF000  }
.LBB2_19:
0x28e: {  	_ =	swait.ge [sflag:s12], $0x4000  }
0x28f: {  	[sflag:s12] =	ssyncset.done $0x0  }
0x290: {  	[sflag:s12] =	ssyncadd.s32 $0xFFFFC000  }
.LBB2_20:
0x291: {  	s16 =	simm.s32 $0x4970  }
0x292: {  	v18 =	vld [tilespmem:s16+$0xFFFFFFF0]  }
0x293: {  	v19 =	vld [tilespmem:s16+$0xFFFFFFD0]  }
0x294: {  	v20 =	vld [tilespmem:s16+$0xFFFFFF90];
	_ =	sdelay $0x1  }
0x295: {  	s22 =	simm.s32 $0x49F0;
	v21 =	vld [tilespmem:s16+$0xFFFFFFB0]  }
0x296: {  	v57 =	vld [tilespmem:s22+$0xFFFFFFF0]  }
0x297: {  	s21 =	simm.s32 $0x4A70;
	v33 =	vld [tilespmem:s22+$0xFFFFFF90];
	v22 =	vshrl.u32 v18, $0x18;
	v23 =	vshrl.u32 v18, $0x10;
	v24 =	vand.u32 $0xFF, v19  }
0x298: {  	v63 =	vld [tilespmem:s21+$0xFFFFFFF0];
	v25 =	vand.u32 $0xFF, v18;
	v18 =	vshrl.u32 v18, $0x8;
	v26 =	vshrl.u32 v20, $0x10  }
0x299: {  	v27 =	vand.u32 $0xFF, v20;
	v28 =	vshrl.u32 v19, $0x8;
	v29 =	vshrl.u32 v20, $0x18  }
0x29a: {  	v30 =	vshrl.u32 v19, $0x10;
	v31 =	vand.u32 $0xFF, v21;
	v20 =	vshrl.u32 v20, $0x8  }
0x29b: {  	v32 =	vshrl.u32 v21, $0x8;
	v19 =	vshrl.u32 v19, $0x18;
	v34 =	vshrl.u32 v21, $0x10  }
0x29c: {  	v21 =	vshrl.u32 v21, $0x18;
	v58 =	vshrl.u32 v57, $0x10;
	v35 =	vand.u32 $0xFF, v57  }
0x29d: {  	v37 =	vand.u32 $0xFF, v33;
	v51 =	vshrl.u32 v63, $0x18;
	v24 =	vcvt.s32.f32 v24  }
0x29e: {  	v52 =	vand.u32 $0xFF, v63;
	v27 =	vcvt.s32.f32 v27;
	v31 =	vcvt.s32.f32 v31  }
0x29f: {  	v28 =	vand.u32 $0xFF, v28;
	v25 =	vcvt.s32.f32 v25;
	v22 =	vcvt.s32.f32 v22  }
0x2a0: {  	v18 =	vand.u32 $0xFF, v18;
	v29 =	vcvt.s32.f32 v29;
	v24 =	vsub.f32 v24, v16  }
0x2a1: {  	v30 =	vand.u32 $0xFF, v30;
	v19 =	vcvt.s32.f32 v19;
	v25 =	vsub.f32 v25, v16  }
0x2a2: {  	v21 =	vcvt.s32.f32 v21;
	v27 =	vsub.f32 v27, v16;
	v24 =	vmul.f32 v24, v17  }
0x2a3: {  	s17 =	simm.s32 $0x12900;
	v20 =	vand.u32 $0xFF, v20;
	v37 =	vcvt.s32.f32 v37;
	v25 =	vmul.f32 v25, v17  }
0x2a4: {  	v27 =	vmul.f32 v27, v17;
	[tilespmem:s17+$0x100] =	vst v24;
	v24 =	vsub.f32 v31, v16;
	v31 =	vand.u32 $0xFF, v32  }
0x2a5: {  	v26 =	vand.u32 $0xFF, v26;
	v35 =	vcvt.s32.f32 v35;
	v51 =	vcvt.s32.f32 v51;
	[tilespmem:s17+$0x180] =	vst v25;
	v28 =	vld.idx.msk [tilespmem:v28+s24+$0x0], $0xffff  }
0x2a6: {  	v49 =	vld [tilespmem:s21+$0xFFFFFFD0];
	v29 =	vsub.f32 v29, v16;
	[tilespmem:s17+$0x0] =	vst v27;
	v27 =	vshrl.u32 v57, $0x18;
	v24 =	vmul.f32 v24, v17  }
0x2a7: {  	v22 =	vsub.f32 v22, v16;
	v19 =	vsub.f32 v19, v16;
	v18 =	vld.idx.msk [tilespmem:v18+s24+$0x0], $0xffff;
	v27 =	vcvt.s32.f32 v27  }
0x2a8: {  	v21 =	vsub.f32 v21, v16;
	v35 =	vsub.f32 v35, v16;
	v29 =	vmul.f32 v29, v17;
	[tilespmem:s17+$0x80] =	vst v24;
	v24 =	vld [tilespmem:s22+$0xFFFFFFD0]  }
0x2a9: {  	v19 =	vmul.f32 v19, v17;
	v22 =	vmul.f32 v22, v17;
	v27 =	vsub.f32 v27, v16;
	v25 =	vld.idx.msk [tilespmem:v31+s24+$0x0], $0xffff  }
0x2aa: {  	v23 =	vand.u32 $0xFF, v23;
	v21 =	vmul.f32 v21, v17;
	v35 =	vmul.f32 v35, v17;
	v31 =	vld [tilespmem:s22+$0xFFFFFFB0];
	[tilespmem:s17+$0x120] =	vst v28  }
0x2ab: {  	v32 =	vshrl.u32 v57, $0x8;
	v27 =	vmul.f32 v27, v17;
	v28 =	vand.u32 $0xFF, v34;
	v30 =	vld.idx.msk [tilespmem:v30+s24+$0x0], $0xffff  }
0x2ac: {  	v34 =	vand.u32 $0xFF, v58;
	v58 =	vand.u32 $0xFF, v49;
	[tilespmem:s17+$0x160] =	vst v19;
	v19 =	vld.idx.msk [tilespmem:v20+s24+$0x0], $0xffff;
	v20 =	vshrl.u32 v33, $0x10  }
0x2ad: {  	v48 =	vld [tilespmem:s21+$0xFFFFFF90];
	[tilespmem:s17+$0x1A0] =	vst v18;
	v60 =	vand.u32 $0xFF, v20;
	v36 =	vand.u32 $0xFF, v24;
	v18 =	vshrl.u32 v24, $0x10  }
0x2ae: {  	[tilespmem:s17+$0xA0] =	vst v25;
	v25 =	vshrl.u32 v33, $0x18;
	v33 =	vshrl.u32 v33, $0x8;
	v36 =	vcvt.s32.f32 v36  }
0x2af: {  	v23 =	vld.idx.msk [tilespmem:v23+s24+$0x0], $0xffff;
	v59 =	vshrl.u32 v31, $0x8;
	v39 =	vshrl.u32 v31, $0x10;
	v40 =	vand.u32 $0xFF, v31  }
0x2b0: {  	[tilespmem:s17+$0x1E0] =	vst v22;
	v18 =	vand.u32 $0xFF, v18;
	v31 =	vshrl.u32 v31, $0x18;
	v28 =	vld.idx.msk [tilespmem:v28+s24+$0x0], $0xffff;
	v33 =	vand.u32 $0xFF, v33  }
0x2b1: {  	v25 =	vcvt.s32.f32 v25;
	v31 =	vcvt.s32.f32 v31;
	[tilespmem:s17+$0x140] =	vst v30;
	v30 =	vsub.f32 v37, v16  }
0x2b2: {  	[tilespmem:s17+$0xE0] =	vst v21;
	v36 =	vsub.f32 v36, v16;
	v37 =	vand.u32 $0xFF, v59;
	v59 =	vshrl.u32 v48, $0x18;
	v38 =	vld [tilespmem:s16+$0xFFFFFFE0]  }
0x2b3: {  	[tilespmem:s17+$0x20] =	vst v19;
	v25 =	vsub.f32 v25, v16;
	v19 =	vmul.f32 v30, v17;
	v30 =	vshrl.u32 v24, $0x18  }
0x2b4: {  	[tilespmem:s17+$0x1C0] =	vst v23;
	v26 =	vld.idx.msk [tilespmem:v26+s24+$0x0], $0xffff;
	v31 =	vsub.f32 v31, v16;
	v24 =	vshrl.u32 v24, $0x8;
	v30 =	vcvt.s32.f32 v30  }
0x2b5: {  	v22 =	vmul.f32 v36, v17;
	v20 =	vand.u32 $0xFF, v24;
	v24 =	vld [tilespmem:s16+$0x0];
	[tilespmem:s17+$0xC0] =	vst v28;
	v28 =	vcvt.s32.f32 v40  }
0x2b6: {  	[tilespmem:s17+$0x60] =	vst v29;
	v25 =	vmul.f32 v25, v17;
	v53 =	vmul.f32 v31, v17;
	v29 =	vsub.f32 v30, v16  }
0x2b7: {  	v61 =	vld [tilespmem:s16+$0xFFFFFFC0];
	v23 =	vand.u32 $0xFF, v38;
	v41 =	vshrl.u32 v38, $0x10;
	v28 =	vsub.f32 v28, v16  }
0x2b8: {  	v21 =	vcvt.s32.f32 v23;
	v23 =	vshrl.u32 v38, $0x8;
	v38 =	vshrl.u32 v38, $0x18  }
0x2b9: {  	[tilespmem:s17+$0x40] =	vst v26;
	v29 =	vmul.f32 v29, v17;
	v41 =	vand.u32 $0xFF, v41;
	v30 =	vcvt.s32.f32 v38  }
0x2ba: {  	v62 =	vld [tilespmem:s16+$0xFFFFFFA0];
	v26 =	vand.u32 $0xFF, v24;
	v28 =	vmul.f32 v28, v17;
	v23 =	vand.u32 $0xFF, v23  }
0x2bb: {  	s16 =	simm.s32 $0x12B00;
	v43 =	vshrl.u32 v24, $0x8;
	v45 =	vshrl.u32 v24, $0x10;
	v21 =	vsub.f32 v21, v16  }
0x2bc: {  	[tilespmem:s16+$0x100] =	vst v22;
	v26 =	vcvt.s32.f32 v26;
	v30 =	vsub.f32 v30, v16;
	v42 =	vand.u32 $0xFF, v61  }
0x2bd: {  	[tilespmem:s16+$0x0] =	vst v19;
	v20 =	vld.idx.msk [tilespmem:v20+s24+$0x0], $0xffff;
	v44 =	vshrl.u32 v61, $0x8;
	v40 =	vshrl.u32 v61, $0x18;
	v21 =	vmul.f32 v21, v17  }
0x2be: {  	v33 =	vld.idx.msk [tilespmem:v33+s24+$0x0], $0xffff;
	v22 =	vshrl.u32 v61, $0x10;
	v42 =	vcvt.s32.f32 v42;
	v19 =	vcvt.s32.f32 v40  }
0x2bf: {  	[tilespmem:s16+$0x80] =	vst v28;
	v26 =	vsub.f32 v26, v16;
	v54 =	vand.u32 $0xFF, v62;
	v55 =	vshrl.u32 v62, $0x18  }
0x2c0: {  	v50 =	vmul.f32 v30, v17;
	v46 =	vsub.f32 v42, v16;
	[tilespmem:s17+$0x110] =	vst v21;
	v21 =	vand.u32 $0xFF, v32  }
0x2c1: {  	[tilespmem:s16+$0x180] =	vst v35;
	v56 =	vld.idx.msk [tilespmem:v37+s24+$0x0], $0xffff;
	v32 =	vcvt.s32.f32 v54;
	v19 =	vsub.f32 v19, v16;
	v40 =	vcvt.s32.f32 v55  }
0x2c2: {  	v42 =	vcvt.s32.f32 v59;
	v26 =	vmul.f32 v26, v17;
	v47 =	vld.idx.msk [tilespmem:v23+s24+$0x0], $0xffff;
	v23 =	vshrl.u32 v62, $0x8;
	[tilespmem:s16+$0x120] =	vst v20  }
0x2c3: {  	v20 =	vshrl.u32 v24, $0x18;
	[tilespmem:s16+$0x20] =	vst v33;
	v33 =	vshrl.u32 v48, $0x10;
	v30 =	vsub.f32 v32, v16  }
0x2c4: {  	v28 =	vld.idx.msk [tilespmem:v18+s24+$0x0], $0xffff;
	v32 =	vand.u32 $0xFF, v23;
	v24 =	vcvt.s32.f32 v20;
	v20 =	vshrl.u32 v62, $0x10;
	[tilespmem:s16+$0x160] =	vst v29  }
0x2c5: {  	v18 =	vshrl.u32 v63, $0x10;
	v23 =	vshrl.u32 v63, $0x8;
	v29 =	vand.u32 $0xFF, v48;
	v36 =	vld.idx.msk [tilespmem:v60+s24+$0x0], $0xffff;
	[tilespmem:s16+$0x60] =	vst v25  }
0x2c6: {  	v25 =	vshrl.u32 v48, $0x8;
	[tilespmem:s17+$0x190] =	vst v26;
	v57 =	vld.idx.msk [tilespmem:v21+s24+$0x0], $0xffff;
	v21 =	vand.u32 $0xFF, v22;
	v22 =	vand.u32 $0xFF, v39  }
0x2c7: {  	v62 =	vcvt.s32.f32 v52;
	v40 =	vsub.f32 v40, v16;
	v55 =	vsub.f32 v42, v16;
	[tilespmem:s16+$0xA0] =	vst v56  }
0x2c8: {  	v29 =	vcvt.s32.f32 v29;
	v24 =	vsub.f32 v24, v16;
	v60 =	vmul.f32 v30, v17;
	[tilespmem:s17+$0x130] =	vst v47  }
0x2c9: {  	v38 =	vand.u32 $0xFF, v20;
	v20 =	vld [tilespmem:s21+$0xFFFFFFB0];
	v59 =	vsub.f32 v62, v16;
	v39 =	vcvt.s32.f32 v58;
	[tilespmem:s16+$0x140] =	vst v28  }
0x2ca: {  	v31 =	vand.u32 $0xFF, v25;
	v29 =	vsub.f32 v29, v16;
	v24 =	vmul.f32 v24, v17;
	[tilespmem:s17+$0x10] =	vst v60;
	v54 =	vld [tilespmem:s22+$0xFFFFFFE0]  }
0x2cb: {  	v47 =	vshrl.u32 v49, $0x10;
	v37 =	vmul.f32 v59, v17;
	v61 =	vsub.f32 v39, v16;
	[tilespmem:s16+$0x1A0] =	vst v57;
	v25 =	vld.idx.msk [tilespmem:v22+s24+$0x0], $0xffff  }
0x2cc: {  	v35 =	vmul.f32 v29, v17;
	v29 =	vshrl.u32 v49, $0x18;
	[tilespmem:s16+$0x40] =	vst v36;
	v39 =	vand.u32 $0xFF, v44;
	v63 =	vld.idx.msk [tilespmem:v34+s24+$0x0], $0xffff  }
0x2cd: {  	v41 =	vld.idx.msk [tilespmem:v41+s24+$0x0], $0xffff;
	v28 =	vsub.f32 v51, v16;
	v36 =	vand.u32 $0xFF, v47;
	[tilespmem:s17+$0x170] =	vst v50;
	v29 =	vcvt.s32.f32 v29  }
0x2ce: {  	v30 =	vshrl.u32 v20, $0x8;
	v58 =	vmul.f32 v61, v17;
	v61 =	vand.u32 $0xFF, v43;
	[tilespmem:s16+$0xE0] =	vst v53  }
0x2cf: {  	v22 =	vshrl.u32 v20, $0x10;
	v57 =	vand.u32 $0xFF, v20;
	v44 =	vsub.f32 v29, v16;
	[tilespmem:s16+$0x1E0] =	vst v27  }
0x2d0: {  	v32 =	vld.idx.msk [tilespmem:v32+s24+$0x0], $0xffff;
	v34 =	vand.u32 $0xFF, v45;
	v27 =	vshrl.u32 v49, $0x8;
	v60 =	vcvt.s32.f32 v57;
	[tilespmem:s16+$0xC0] =	vst v25  }
0x2d1: {  	v57 =	vmul.f32 v46, v17;
	v51 =	vand.u32 $0xFF, v27;
	v62 =	vand.u32 $0xFF, v54;
	[tilespmem:s16+$0x1C0] =	vst v63;
	v42 =	vld [tilespmem:s22+$0xFFFFFFC0]  }
0x2d2: {  	s19 =	simm.s32 $0x12D00;
	[tilespmem:s17+$0x150] =	vst v41;
	v41 =	vshrl.u32 v54, $0x10;
	v59 =	vshrl.u32 v54, $0x18;
	v56 =	vcvt.s32.f32 v62;
	v27 =	vld [tilespmem:s22+$0x0]  }
0x2d3: {  	[tilespmem:s19+$0x100] =	vst v58;
	v26 =	vsub.f32 v60, v16;
	v29 =	vcvt.s32.f32 v59;
	v62 =	vmul.f32 v40, v17  }
0x2d4: {  	[tilespmem:s17+$0x90] =	vst v57;
	v48 =	vld.idx.msk [tilespmem:v61+s24+$0x0], $0xffff;
	v25 =	vand.u32 $0xFF, v33;
	v33 =	vmul.f32 v55, v17;
	v58 =	vsub.f32 v56, v16  }
0x2d5: {  	[tilespmem:s17+$0x30] =	vst v32;
	v49 =	vld.idx.msk [tilespmem:v39+s24+$0x0], $0xffff;
	v47 =	vmul.f32 v26, v17;
	v63 =	vshrl.u32 v54, $0x8;
	v39 =	vsub.f32 v29, v16  }
0x2d6: {  	[tilespmem:s19+$0x180] =	vst v37;
	v43 =	vld.idx.msk [tilespmem:v38+s24+$0x0], $0xffff;
	v46 =	vand.u32 $0xFF, v63;
	v60 =	vmul.f32 v58, v17;
	v63 =	vand.u32 $0xFF, v42  }
0x2d7: {  	v40 =	vld [tilespmem:s22+$0xFFFFFFA0];
	[tilespmem:s17+$0x70] =	vst v62;
	v32 =	vshrl.u32 v42, $0x8;
	v37 =	vshrl.u32 v42, $0x10;
	v61 =	vand.u32 $0xFF, v27  }
0x2d8: {  	s25 =	simm.s32 $0x8;
	v45 =	vld.idx.msk [tilespmem:v51+s24+$0x0], $0xffff;
	s22 =	simm.s32 $0x4AF0;
	[tilespmem:s16+$0x110] =	vst v60;
	v29 =	vshrl.u32 v27, $0x8;
	v38 =	vcvt.s32.f32 v63;
	v26 =	vcvt.s32.f32 v61  }
.LBB2_21:
0x2d9: {  	v50 =	vld [tilespmem:s22+$0xFFFFFFF0];
	s25 =	sadd.s32 $0x4, s25;
	[tilespmem:s19+$0x0] =	vst v35;
	v20 =	vshrl.u32 v20, $0x18;
	v35 =	vshrl.u32 v42, $0x18;
	v42 =	vshrl.u32 v27, $0x10  }
0x2da: {  	p2 =	slt.u32 s25, $0x7C;
	v31 =	vld.idx.msk [tilespmem:v31+s24+$0x0], $0xffff;
	v20 =	vcvt.s32.f32 v20;
	v38 =	vsub.f32 v38, v16;
	v35 =	vcvt.s32.f32 v35;
	[tilespmem:s17+$0x1B0] =	vst v48  }
0x2db: {  	v30 =	vand.u32 $0xFF, v30;
	v44 =	vmul.f32 v44, v17;
	v48 =	vmul.f32 v19, v17;
	[tilespmem:s17+$0xB0] =	vst v49;
	v34 =	vld.idx.msk [tilespmem:v34+s24+$0x0], $0xffff  }
0x2dc: {  	v23 =	vand.u32 $0xFF, v23;
	v19 =	vand.u32 $0xFF, v40;
	v49 =	vshrl.u32 v40, $0x18;
	[tilespmem:s17+$0x50] =	vst v43;
	v43 =	vld.idx.msk [tilespmem:v21+s24+$0x0], $0xffff  }
0x2dd: {  	v41 =	vand.u32 $0xFF, v41;
	[tilespmem:s19+$0x80] =	vst v47;
	v21 =	vcvt.s32.f32 v19;
	v19 =	vsub.f32 v35, v16;
	v35 =	vld.idx.msk [tilespmem:v46+s24+$0x0], $0xffff  }
0x2de: {  	v28 =	vmul.f32 v28, v17;
	v47 =	vsub.f32 v20, v16;
	v20 =	vshrl.u32 v40, $0x8;
	v46 =	vld [tilespmem:s22+$0xFFFFFF90];
	[tilespmem:s17+$0xF0] =	vst v48  }
0x2df: {  	v39 =	vmul.f32 v39, v17;
	v27 =	vshrl.u32 v27, $0x18;
	v48 =	vld [tilespmem:s22+$0xFFFFFFD0];
	[tilespmem:s19+$0x120] =	vst v45;
	v45 =	vcvt.s32.f32 v49  }
0x2e0: {  	v27 =	vcvt.s32.f32 v27;
	v51 =	vand.u32 $0xFF, v20;
	v49 =	vsub.f32 v21, v16;
	v36 =	vld.idx.msk [tilespmem:v36+s24+$0x0], $0xffff;
	[tilespmem:s17+$0x1F0] =	vst v24  }
0x2e1: {  	v53 =	vand.u32 $0xFF, v18;
	v52 =	vshrl.u32 v50, $0x18;
	v20 =	vshrl.u32 v40, $0x10;
	v30 =	vld.idx.msk [tilespmem:v30+s24+$0x0], $0xffff;
	[tilespmem:s17+$0x1D0] =	vst v34  }
0x2e2: {  	v18 =	vshrl.u32 v50, $0x10;
	v40 =	vand.u32 $0xFF, v20;
	v21 =	vand.u32 $0xFF, v37;
	v34 =	vld.idx.msk [tilespmem:v23+s24+$0x0], $0xffff;
	[tilespmem:s17+$0xD0] =	vst v43;
	s17 =	smov.u32 s16;
	s16 =	smov.u32 s19  }
0x2e3: {  	v22 =	vand.u32 $0xFF, v22;
	v37 =	vand.u32 $0xFF, v50;
	v23 =	vshrl.u32 v50, $0x8;
	v20 =	vld [tilespmem:s22+$0xFFFFFFB0];
	[tilespmem:s19+$0x20] =	vst v31  }
0x2e4: {  	v24 =	vsub.f32 v27, v16;
	v43 =	vshrl.u32 v46, $0x10;
	s19 =	sadd.s32 $0x200, s19;
	v31 =	vand.u32 $0xFF, v48;
	[tilespmem:s16+$0x160] =	vst v44  }
0x2e5: {  	v47 =	vmul.f32 v47, v17;
	v27 =	vand.u32 $0xFF, v46;
	v44 =	vshrl.u32 v46, $0x18;
	v25 =	vld.idx.msk [tilespmem:v25+s24+$0x0], $0xffff;
	[tilespmem:s17+$0x130] =	vst v35  }
0x2e6: {  	v24 =	vmul.f32 v24, v17;
	v27 =	vcvt.s32.f32 v27;
	v50 =	vshrl.u32 v48, $0x10;
	[tilespmem:s16+$0x60] =	vst v33;
	v33 =	vld.idx.msk [tilespmem:v41+s24+$0x0], $0xffff  }
0x2e7: {  	v35 =	vshrl.u32 v46, $0x8;
	v46 =	vmul.f32 v49, v17;
	v41 =	vcvt.s32.f32 v31;
	[tilespmem:s16+$0xA0] =	vst v30  }
0x2e8: {  	v27 =	vsub.f32 v27, v16;
	v31 =	vand.u32 $0xFF, v35;
	v30 =	vshrl.u32 v20, $0x8;
	v49 =	vld.idx.msk [tilespmem:v22+s24+$0x0], $0xffff;
	[tilespmem:s16+$0x1A0] =	vst v34  }
0x2e9: {  	v37 =	vcvt.s32.f32 v37;
	v22 =	vshrl.u32 v20, $0x10;
	v41 =	vsub.f32 v41, v16;
	v53 =	vld.idx.msk [tilespmem:v53+s24+$0x0], $0xffff;
	[tilespmem:s17+$0x10] =	vst v46  }
0x2ea: {  	v35 =	vmul.f32 v27, v17;
	v27 =	vcvt.s32.f32 v52;
	v46 =	vshrl.u32 v48, $0x18;
	[tilespmem:s16+$0x140] =	vst v36;
	v51 =	vld.idx.msk [tilespmem:v51+s24+$0x0], $0xffff  }
0x2eb: {  	v44 =	vcvt.s32.f32 v44;
	v34 =	vand.u32 $0xFF, v42;
	v36 =	vand.u32 $0xFF, v20;
	[tilespmem:s16+$0x40] =	vst v25;
	v52 =	vld [tilespmem:s21+$0xFFFFFFE0]  }
0x2ec: {  	v32 =	vand.u32 $0xFF, v32;
	v41 =	vmul.f32 v41, v17;
	v25 =	vsub.f32 v37, v16;
	[tilespmem:s16+$0x1E0] =	vst v28  }
0x2ed: {  	v45 =	vsub.f32 v45, v16;
	v37 =	vshrl.u32 v48, $0x8;
	v28 =	vsub.f32 v27, v16;
	[tilespmem:s17+$0x150] =	vst v33  }
0x2ee: {  	v29 =	vand.u32 $0xFF, v29;
	v48 =	vcvt.s32.f32 v36;
	v54 =	vmul.f32 v25, v17;
	[tilespmem:s16+$0xC0] =	vst v49  }
0x2ef: {  	v26 =	vsub.f32 v26, v16;
	v37 =	vand.u32 $0xFF, v37;
	v25 =	vand.u32 $0xFF, v43;
	[tilespmem:s16+$0x1C0] =	vst v53  }
0x2f0: {  	v36 =	vand.u32 $0xFF, v50;
	[tilespmem:s19+$0x100] =	vst v41;
	v33 =	vand.u32 $0xFF, v52;
	v50 =	vshrl.u32 v52, $0x8;
	v27 =	vld [tilespmem:s21+$0x0]  }
0x2f1: {  	v26 =	vmul.f32 v26, v17;
	v43 =	vsub.f32 v44, v16;
	[tilespmem:s16+$0xE0] =	vst v47;
	v44 =	vcvt.s32.f32 v33  }
0x2f2: {  	v38 =	vmul.f32 v38, v17;
	v46 =	vcvt.s32.f32 v46;
	v41 =	vshrl.u32 v52, $0x10;
	v42 =	vld [tilespmem:s21+$0xFFFFFFC0];
	[tilespmem:s17+$0x30] =	vst v51  }
0x2f3: {  	v49 =	vshrl.u32 v52, $0x18;
	v33 =	vmul.f32 v43, v17;
	v47 =	vsub.f32 v44, v16;
	v43 =	vld.idx.msk [tilespmem:v40+s24+$0x0], $0xffff;
	[tilespmem:s17+$0x190] =	vst v26  }
.Ltmp12:
0x2f4: {  	v26 =	vsub.f32 v48, v16;
	v44 =	vsub.f32 v46, v16;
	v40 =	vcvt.s32.f32 v49;
	[tilespmem:s17+$0x90] =	vst v38;
	v48 =	vld.idx.msk [tilespmem:v29+s24+$0x0], $0xffff;
	(pc) =	sbr.rel @p2 .LBB2_21-.Ltmp12, $4  }
0x2f5: {  	v38 =	vmul.f32 v45, v17;
	v51 =	vmul.f32 v47, v17;
	v29 =	vand.u32 $0xFF, v27;
	v49 =	vld.idx.msk [tilespmem:v32+s24+$0x0], $0xffff;
	[tilespmem:s17+$0x170] =	vst v39  }
0x2f6: {  	v46 =	vand.u32 $0xFF, v50;
	v47 =	vmul.f32 v26, v17;
	v39 =	vsub.f32 v40, v16;
	v45 =	vld.idx.msk [tilespmem:v37+s24+$0x0], $0xffff;
	[tilespmem:s19+$0x180] =	vst v54  }
0x2f7: {  	v26 =	vcvt.s32.f32 v29;
	v29 =	vshrl.u32 v27, $0x8;
	v40 =	vld [tilespmem:s21+$0xFFFFFFA0];
	v32 =	vand.u32 $0xFF, v42;
	[tilespmem:s17+$0x70] =	vst v38;
	s21 =	smov.u32 s22  }
0x2f8: {  	s22 =	sadd.s32 $0x80, s22;
	v37 =	vshrl.u32 v42, $0x10;
	v38 =	vcvt.s32.f32 v32;
	v32 =	vshrl.u32 v42, $0x8;
	[tilespmem:s16+$0x110] =	vst v51  }
0x2f9: {  	[tilespmem:s19+$0x0] =	vst v35  }
0x2fa: {  	[tilespmem:s17+$0x1B0] =	vst v48  }
0x2fb: {  	[tilespmem:s17+$0x50] =	vst v43  }
0x2fc: {  	[tilespmem:s19+$0x80] =	vst v47  }
0x2fd: {  	v19 =	vmul.f32 v19, v17;
	[tilespmem:s17+$0xB0] =	vst v49;
	v34 =	vld.idx.msk [tilespmem:v34+s24+$0x0], $0xffff  }
0x2fe: {  	v31 =	vld.idx.msk [tilespmem:v31+s24+$0x0], $0xffff;
	[tilespmem:s17+$0x1F0] =	vst v24;
	v53 =	vsub.f32 v38, v16  }
0x2ff: {  	v23 =	vand.u32 $0xFF, v23;
	v43 =	vmul.f32 v44, v17;
	v21 =	vld.idx.msk [tilespmem:v21+s24+$0x0], $0xffff;
	[tilespmem:s17+$0xF0] =	vst v19  }
0x300: {  	v30 =	vand.u32 $0xFF, v30;
	v49 =	vmul.f32 v28, v17;
	[tilespmem:s19+$0x120] =	vst v45;
	v19 =	vld.idx.msk [tilespmem:v46+s24+$0x0], $0xffff;
	v28 =	vmul.f32 v53, v17  }
0x301: {  	v36 =	vld.idx.msk [tilespmem:v36+s24+$0x0], $0xffff;
	[tilespmem:s19+$0x160] =	vst v43  }
0x302: {  	[tilespmem:s16+$0x90] =	vst v28  }
0x303: {  	[tilespmem:s17+$0x1D0] =	vst v34  }
0x304: {  	v46 =	vand.u32 $0xFF, v41;
	v44 =	vand.u32 $0xFF, v40;
	v23 =	vld.idx.msk [tilespmem:v23+s24+$0x0], $0xffff;
	[tilespmem:s19+$0x20] =	vst v31  }
0x305: {  	v18 =	vand.u32 $0xFF, v18;
	v45 =	vcvt.s32.f32 v44;
	v30 =	vld.idx.msk [tilespmem:v30+s24+$0x0], $0xffff;
	[tilespmem:s17+$0xD0] =	vst v21  }
0x306: {  	v22 =	vand.u32 $0xFF, v22;
	[tilespmem:s16+$0x130] =	vst v19  }
0x307: {  	v21 =	vsub.f32 v45, v16;
	v25 =	vld.idx.msk [tilespmem:v25+s24+$0x0], $0xffff;
	[tilespmem:s19+$0x60] =	vst v33  }
0x308: {  	[tilespmem:s19+$0x140] =	vst v36  }
0x309: {  	v56 =	vand.u32 $0xFF, v32;
	v47 =	vshrl.u32 v40, $0x8;
	v48 =	vld.idx.msk [tilespmem:v46+s24+$0x0], $0xffff;
	v19 =	vmul.f32 v21, v17;
	[tilespmem:s19+$0x1A0] =	vst v23  }
0x30a: {  	v59 =	vmul.f32 v39, v17;
	v21 =	vand.u32 $0xFF, v47;
	[tilespmem:s19+$0xA0] =	vst v30;
	v18 =	vld.idx.msk [tilespmem:v18+s24+$0x0], $0xffff  }
0x30b: {  	[tilespmem:s16+$0x10] =	vst v19;
	v19 =	vshrl.u32 v20, $0x18;
	v22 =	vld.idx.msk [tilespmem:v22+s24+$0x0], $0xffff  }
0x30c: {  	[tilespmem:s16+$0x170] =	vst v59;
	v24 =	vld [tilespmem:s21+$0xFFFFFFE0];
	v19 =	vcvt.s32.f32 v19  }
0x30d: {  	v50 =	vshrl.u32 v42, $0x18;
	v52 =	vand.u32 $0xFF, v29;
	v26 =	vsub.f32 v26, v16;
	[tilespmem:s19+$0x1E0] =	vst v49  }
0x30e: {  	v51 =	vshrl.u32 v27, $0x10;
	v61 =	vshrl.u32 v27, $0x18;
	v35 =	vld.idx.msk [tilespmem:v56+s24+$0x0], $0xffff;
	[tilespmem:s19+$0x40] =	vst v25;
	v19 =	vsub.f32 v19, v16  }
0x30f: {  	v38 =	vand.u32 $0xFF, v37;
	v54 =	vshrl.u32 v40, $0x18;
	v21 =	vld.idx.msk [tilespmem:v21+s24+$0x0], $0xffff;
	[tilespmem:s19+$0x1C0] =	vst v18;
	v18 =	vmul.f32 v26, v17  }
0x310: {  	v55 =	vshrl.u32 v40, $0x10;
	v23 =	vcvt.s32.f32 v50;
	v19 =	vmul.f32 v19, v17;
	[tilespmem:s19+$0xC0] =	vst v22;
	v22 =	vld [tilespmem:s21+$0x0]  }
0x311: {  	v57 =	vcvt.s32.f32 v54;
	v58 =	vand.u32 $0xFF, v55;
	v60 =	vand.u32 $0xFF, v24;
	[tilespmem:s16+$0x190] =	vst v18;
	v18 =	vld [tilespmem:s21+$0xFFFFFFA0]  }
0x312: {  	v27 =	vcvt.s32.f32 v61;
	v23 =	vsub.f32 v23, v16;
	[tilespmem:s19+$0xE0] =	vst v19;
	v19 =	vcvt.s32.f32 v60;
	v20 =	vld.idx.msk [tilespmem:v52+s24+$0x0], $0xffff  }
0x313: {  	[tilespmem:s16+$0xB0] =	vst v35;
	v25 =	vand.u32 $0xFF, v51;
	v62 =	vshrl.u32 v24, $0x8;
	v26 =	vsub.f32 v57, v16;
	v63 =	vld [tilespmem:s21+$0xFFFFFFC0]  }
0x314: {  	v46 =	vld.idx.msk [tilespmem:v38+s24+$0x0], $0xffff;
	[tilespmem:s16+$0x150] =	vst v48;
	v23 =	vmul.f32 v23, v17;
	v36 =	vand.u32 $0xFF, v62;
	v19 =	vsub.f32 v19, v16  }
0x315: {  	v41 =	vshrl.u32 v24, $0x10;
	v34 =	vmul.f32 v26, v17;
	[tilespmem:s16+$0x30] =	vst v21;
	v42 =	vand.u32 $0xFF, v22  }
0x316: {  	[tilespmem:s16+$0xF0] =	vst v23;
	v29 =	vld.idx.msk [tilespmem:v58+s24+$0x0], $0xffff;
	v19 =	vmul.f32 v19, v17;
	v39 =	vand.u32 $0xFF, v18;
	v30 =	vcvt.s32.f32 v42  }
0x317: {  	v47 =	vshrl.u32 v22, $0x8;
	v43 =	vshrl.u32 v18, $0x8;
	[tilespmem:s16+$0x1B0] =	vst v20;
	v40 =	vcvt.s32.f32 v39  }
0x318: {  	v49 =	vand.u32 $0xFF, v47;
	[tilespmem:s19+$0x110] =	vst v19;
	v45 =	vand.u32 $0xFF, v63;
	v19 =	vld.idx.msk [tilespmem:v25+s24+$0x0], $0xffff;
	v30 =	vsub.f32 v30, v16  }
0x319: {  	[tilespmem:s16+$0xD0] =	vst v46;
	v44 =	vld.idx.msk [tilespmem:v36+s24+$0x0], $0xffff;
	v25 =	vand.u32 $0xFF, v43;
	v28 =	vcvt.s32.f32 v45;
	v20 =	vsub.f32 v40, v16  }
0x31a: {  	v21 =	vand.u32 $0xFF, v41;
	[tilespmem:s16+$0x70] =	vst v34;
	v48 =	vshrl.u32 v63, $0x8;
	v53 =	vmul.f32 v30, v17  }
0x31b: {  	[tilespmem:s16+$0x50] =	vst v29;
	v50 =	vand.u32 $0xFF, v48;
	v28 =	vsub.f32 v28, v16;
	v20 =	vmul.f32 v20, v17  }
0x31c: {  	v27 =	vsub.f32 v27, v16;
	[tilespmem:s19+$0x190] =	vst v53  }
0x31d: {  	v51 =	vshrl.u32 v24, $0x18;
	v54 =	vmul.f32 v28, v17;
	[tilespmem:s19+$0x10] =	vst v20;
	v56 =	vld.idx.msk [tilespmem:v49+s24+$0x0], $0xffff  }
0x31e: {  	v27 =	vmul.f32 v27, v17;
	v23 =	vcvt.s32.f32 v51;
	[tilespmem:s19+$0x130] =	vst v44;
	v25 =	vld.idx.msk [tilespmem:v25+s24+$0x0], $0xffff  }
0x31f: {  	v55 =	vshrl.u32 v22, $0x10;
	v52 =	vshrl.u32 v18, $0x10;
	v18 =	vshrl.u32 v18, $0x18;
	v21 =	vld.idx.msk [tilespmem:v21+s24+$0x0], $0xffff;
	[tilespmem:s19+$0x90] =	vst v54  }
0x320: {  	v22 =	vshrl.u32 v22, $0x18;
	v26 =	vand.u32 $0xFF, v55;
	v18 =	vcvt.s32.f32 v18;
	[tilespmem:s16+$0x1F0] =	vst v27;
	v20 =	vld.idx.msk [tilespmem:v50+s24+$0x0], $0xffff  }
0x321: {  	v57 =	vshrl.u32 v63, $0x10;
	v58 =	vshrl.u32 v63, $0x18;
	[tilespmem:s16+$0x1D0] =	vst v19;
	v19 =	vand.u32 $0xFF, v52  }
0x322: {  	v27 =	vand.u32 $0xFF, v57;
	v59 =	vcvt.s32.f32 v58;
	v18 =	vsub.f32 v18, v16;
	[tilespmem:s19+$0x1B0] =	vst v56  }
0x323: {  	v23 =	vsub.f32 v23, v16;
	v60 =	vcvt.s32.f32 v22;
	[tilespmem:s19+$0x30] =	vst v25  }
0x324: {  	v61 =	vsub.f32 v59, v16;
	v18 =	vmul.f32 v18, v17;
	[tilespmem:s19+$0x150] =	vst v21  }
0x325: {  	v23 =	vmul.f32 v23, v17;
	v21 =	vsub.f32 v60, v16;
	v62 =	vld.idx.msk [tilespmem:v26+s24+$0x0], $0xffff;
	[tilespmem:s19+$0xB0] =	vst v20  }
0x326: {  	v19 =	vld.idx.msk [tilespmem:v19+s24+$0x0], $0xffff;
	[tilespmem:s19+$0x70] =	vst v18;
	v18 =	vmul.f32 v61, v17  }
0x327: {  	[tilespmem:s19+$0x170] =	vst v23;
	v63 =	vld.idx.msk [tilespmem:v27+s24+$0x0], $0xffff;
	v21 =	vmul.f32 v21, v17  }
0x328: {  	[tilespmem:s19+$0xF0] =	vst v18  }
.Ltmp13:
0x329: {  	[tilespmem:s19+$0x1F0] =	vst v21;
	(pc) =	sbr.rel @p1 .LBB2_24-.Ltmp13, $4  }
0x32a: {  	s11 =	sadd.s32 s10, s11;
	[tilespmem:s19+$0x1D0] =	vst v62  }
0x32b: {  	s11 =	sshrl.u32 s11, $0x3;
	[tilespmem:s19+$0x50] =	vst v19  }
0x32c: {  	s11 =	sadd.s32 s1, s11;
	[tilespmem:s19+$0xD0] =	vst v63  }
0x32d: {  	[hbm4b:s11+s3] =	stream.linear.scatter [tilespmem:s15], [sflag:$0x9], $0x4000, $0x38;
	[tilespmem:$0x1AA20] =	vst v63  }
.Ltmp14:
0x32e: {  	(pc) =	sbr.rel .LBB2_25-.Ltmp14, $4  }
0x32f: {  	_ = 	snop  }
0x330: {  	_ =	swait.ge [sflag:s18], $0x1000  }
0x331: {  	[sflag:s18] =	ssyncset.done $0x0  }
0x332: {  	[sflag:s18] =	ssyncadd.s32 $0xFFFFF000  }
.LBB2_24:
0x333: {  	s11 =	smul.u32 $0xA00, s7;
	_ =	sdelay $0x1  }
0x334: {  	s11 =	sshra.s32 s11, $0x2  }
.Ltmp15:
0x335: {  	s16 =	simm.s32 $0x4900;
	s11 =	sadd.s32 $0x400, s11;
	(pc) =	sbr.rel @p0 .LBB2_26-.Ltmp15, $4  }
0x336: {  	[tilespmem:s16], [sflag:$0x4] =	stream.indirect.gather [hbm4b:s4+s14], $0x20, s11, s14, $0xb8;
	[tilespmem:$0x1AA20] =	vst v63  }
0x337: {  	_ =	swait.ge [sflag:s18], $0x1000  }
0x338: {  	[sflag:s18] =	ssyncset.done $0x0  }
0x339: {  	[sflag:s18] =	ssyncadd.s32 $0xFFFFF000  }
.LBB2_25:
0x33a: {  	_ =	swait.ge [sflag:s20], $0x4000  }
0x33b: {  	[sflag:s20] =	ssyncset.done $0x0  }
0x33c: {  	[sflag:s20] =	ssyncadd.s32 $0xFFFFC000  }
.LBB2_26:
0x33d: {  	s11 =	simm.s32 $0x5900  }
0x33e: {  	v18 =	vld [tilespmem:s11+$0x60]  }
0x33f: {  	v19 =	vld [tilespmem:s11+$0x40]  }
0x340: {  	v20 =	vld [tilespmem:s11+$0x0];
	_ =	sdelay $0x1  }
0x341: {  	s21 =	simm.s32 $0x5980;
	v21 =	vld [tilespmem:s11+$0x20]  }
0x342: {  	v57 =	vld [tilespmem:s21+$0x60]  }
0x343: {  	s19 =	simm.s32 $0x5A00;
	v33 =	vld [tilespmem:s21+$0x0];
	v22 =	vshrl.u32 v18, $0x18;
	v23 =	vshrl.u32 v18, $0x10;
	v24 =	vand.u32 $0xFF, v19  }
0x344: {  	v63 =	vld [tilespmem:s19+$0x60];
	v25 =	vand.u32 $0xFF, v18;
	v18 =	vshrl.u32 v18, $0x8;
	v26 =	vshrl.u32 v20, $0x10  }
0x345: {  	v27 =	vand.u32 $0xFF, v20;
	v28 =	vshrl.u32 v19, $0x8;
	v29 =	vshrl.u32 v20, $0x18  }
0x346: {  	v30 =	vshrl.u32 v19, $0x10;
	v31 =	vand.u32 $0xFF, v21;
	v20 =	vshrl.u32 v20, $0x8  }
0x347: {  	v32 =	vshrl.u32 v21, $0x8;
	v19 =	vshrl.u32 v19, $0x18;
	v34 =	vshrl.u32 v21, $0x10  }
0x348: {  	v21 =	vshrl.u32 v21, $0x18;
	v58 =	vshrl.u32 v57, $0x10;
	v35 =	vand.u32 $0xFF, v57  }
0x349: {  	v37 =	vand.u32 $0xFF, v33;
	v51 =	vshrl.u32 v63, $0x18;
	v24 =	vcvt.s32.f32 v24  }
0x34a: {  	v52 =	vand.u32 $0xFF, v63;
	v27 =	vcvt.s32.f32 v27;
	v31 =	vcvt.s32.f32 v31  }
0x34b: {  	v28 =	vand.u32 $0xFF, v28;
	v25 =	vcvt.s32.f32 v25;
	v22 =	vcvt.s32.f32 v22  }
0x34c: {  	v18 =	vand.u32 $0xFF, v18;
	v29 =	vcvt.s32.f32 v29;
	v24 =	vsub.f32 v24, v16  }
0x34d: {  	v30 =	vand.u32 $0xFF, v30;
	v19 =	vcvt.s32.f32 v19;
	v25 =	vsub.f32 v25, v16  }
0x34e: {  	v21 =	vcvt.s32.f32 v21;
	v27 =	vsub.f32 v27, v16;
	v24 =	vmul.f32 v24, v17  }
0x34f: {  	s16 =	simm.s32 $0x16900;
	v20 =	vand.u32 $0xFF, v20;
	v37 =	vcvt.s32.f32 v37;
	v25 =	vmul.f32 v25, v17  }
0x350: {  	v27 =	vmul.f32 v27, v17;
	[tilespmem:s16+$0x100] =	vst v24;
	v24 =	vsub.f32 v31, v16;
	v31 =	vand.u32 $0xFF, v32  }
0x351: {  	v26 =	vand.u32 $0xFF, v26;
	v35 =	vcvt.s32.f32 v35;
	v51 =	vcvt.s32.f32 v51;
	[tilespmem:s16+$0x180] =	vst v25;
	v28 =	vld.idx.msk [tilespmem:v28+s24+$0x0], $0xffff  }
0x352: {  	v49 =	vld [tilespmem:s19+$0x40];
	v29 =	vsub.f32 v29, v16;
	[tilespmem:s16+$0x0] =	vst v27;
	v27 =	vshrl.u32 v57, $0x18;
	v24 =	vmul.f32 v24, v17  }
0x353: {  	v22 =	vsub.f32 v22, v16;
	v19 =	vsub.f32 v19, v16;
	v18 =	vld.idx.msk [tilespmem:v18+s24+$0x0], $0xffff;
	v27 =	vcvt.s32.f32 v27  }
0x354: {  	v21 =	vsub.f32 v21, v16;
	v35 =	vsub.f32 v35, v16;
	v29 =	vmul.f32 v29, v17;
	[tilespmem:s16+$0x80] =	vst v24;
	v24 =	vld [tilespmem:s21+$0x40]  }
0x355: {  	v19 =	vmul.f32 v19, v17;
	v22 =	vmul.f32 v22, v17;
	v27 =	vsub.f32 v27, v16;
	v25 =	vld.idx.msk [tilespmem:v31+s24+$0x0], $0xffff  }
0x356: {  	v23 =	vand.u32 $0xFF, v23;
	v21 =	vmul.f32 v21, v17;
	v35 =	vmul.f32 v35, v17;
	v31 =	vld [tilespmem:s21+$0x20];
	[tilespmem:s16+$0x120] =	vst v28  }
0x357: {  	v32 =	vshrl.u32 v57, $0x8;
	v27 =	vmul.f32 v27, v17;
	v28 =	vand.u32 $0xFF, v34;
	v30 =	vld.idx.msk [tilespmem:v30+s24+$0x0], $0xffff  }
0x358: {  	v34 =	vand.u32 $0xFF, v58;
	v58 =	vand.u32 $0xFF, v49;
	[tilespmem:s16+$0x160] =	vst v19;
	v19 =	vld.idx.msk [tilespmem:v20+s24+$0x0], $0xffff;
	v20 =	vshrl.u32 v33, $0x10  }
0x359: {  	v48 =	vld [tilespmem:s19+$0x0];
	[tilespmem:s16+$0x1A0] =	vst v18;
	v60 =	vand.u32 $0xFF, v20;
	v36 =	vand.u32 $0xFF, v24;
	v18 =	vshrl.u32 v24, $0x10  }
0x35a: {  	[tilespmem:s16+$0xA0] =	vst v25;
	v25 =	vshrl.u32 v33, $0x18;
	v33 =	vshrl.u32 v33, $0x8;
	v36 =	vcvt.s32.f32 v36  }
0x35b: {  	v23 =	vld.idx.msk [tilespmem:v23+s24+$0x0], $0xffff;
	v59 =	vshrl.u32 v31, $0x8;
	v39 =	vshrl.u32 v31, $0x10;
	v40 =	vand.u32 $0xFF, v31  }
0x35c: {  	[tilespmem:s16+$0x1E0] =	vst v22;
	v18 =	vand.u32 $0xFF, v18;
	v31 =	vshrl.u32 v31, $0x18;
	v28 =	vld.idx.msk [tilespmem:v28+s24+$0x0], $0xffff;
	v33 =	vand.u32 $0xFF, v33  }
0x35d: {  	v25 =	vcvt.s32.f32 v25;
	v31 =	vcvt.s32.f32 v31;
	[tilespmem:s16+$0x140] =	vst v30;
	v30 =	vsub.f32 v37, v16  }
0x35e: {  	[tilespmem:s16+$0xE0] =	vst v21;
	v36 =	vsub.f32 v36, v16;
	v37 =	vand.u32 $0xFF, v59;
	v59 =	vshrl.u32 v48, $0x18;
	v38 =	vld [tilespmem:s11+$0x50]  }
0x35f: {  	[tilespmem:s16+$0x20] =	vst v19;
	v25 =	vsub.f32 v25, v16;
	v19 =	vmul.f32 v30, v17;
	v30 =	vshrl.u32 v24, $0x18  }
0x360: {  	[tilespmem:s16+$0x1C0] =	vst v23;
	v26 =	vld.idx.msk [tilespmem:v26+s24+$0x0], $0xffff;
	v31 =	vsub.f32 v31, v16;
	v24 =	vshrl.u32 v24, $0x8;
	v30 =	vcvt.s32.f32 v30  }
0x361: {  	v22 =	vmul.f32 v36, v17;
	v20 =	vand.u32 $0xFF, v24;
	v24 =	vld [tilespmem:s11+$0x70];
	[tilespmem:s16+$0xC0] =	vst v28;
	v28 =	vcvt.s32.f32 v40  }
0x362: {  	[tilespmem:s16+$0x60] =	vst v29;
	v25 =	vmul.f32 v25, v17;
	v53 =	vmul.f32 v31, v17;
	v29 =	vsub.f32 v30, v16  }
0x363: {  	v61 =	vld [tilespmem:s11+$0x30];
	v23 =	vand.u32 $0xFF, v38;
	v41 =	vshrl.u32 v38, $0x10;
	v28 =	vsub.f32 v28, v16  }
0x364: {  	v21 =	vcvt.s32.f32 v23;
	v23 =	vshrl.u32 v38, $0x8;
	v38 =	vshrl.u32 v38, $0x18  }
0x365: {  	[tilespmem:s16+$0x40] =	vst v26;
	v29 =	vmul.f32 v29, v17;
	v41 =	vand.u32 $0xFF, v41;
	v30 =	vcvt.s32.f32 v38  }
0x366: {  	v62 =	vld [tilespmem:s11+$0x10];
	v26 =	vand.u32 $0xFF, v24;
	v28 =	vmul.f32 v28, v17;
	v23 =	vand.u32 $0xFF, v23  }
0x367: {  	s11 =	simm.s32 $0x16B00;
	v43 =	vshrl.u32 v24, $0x8;
	v45 =	vshrl.u32 v24, $0x10;
	v21 =	vsub.f32 v21, v16  }
0x368: {  	[tilespmem:s11+$0x100] =	vst v22;
	v26 =	vcvt.s32.f32 v26;
	v30 =	vsub.f32 v30, v16;
	v42 =	vand.u32 $0xFF, v61  }
0x369: {  	[tilespmem:s11+$0x0] =	vst v19;
	v20 =	vld.idx.msk [tilespmem:v20+s24+$0x0], $0xffff;
	v44 =	vshrl.u32 v61, $0x8;
	v40 =	vshrl.u32 v61, $0x18;
	v21 =	vmul.f32 v21, v17  }
0x36a: {  	v33 =	vld.idx.msk [tilespmem:v33+s24+$0x0], $0xffff;
	v22 =	vshrl.u32 v61, $0x10;
	v42 =	vcvt.s32.f32 v42;
	v19 =	vcvt.s32.f32 v40  }
0x36b: {  	[tilespmem:s11+$0x80] =	vst v28;
	v26 =	vsub.f32 v26, v16;
	v54 =	vand.u32 $0xFF, v62;
	v55 =	vshrl.u32 v62, $0x18  }
0x36c: {  	v50 =	vmul.f32 v30, v17;
	v46 =	vsub.f32 v42, v16;
	[tilespmem:s16+$0x110] =	vst v21;
	v21 =	vand.u32 $0xFF, v32  }
0x36d: {  	[tilespmem:s11+$0x180] =	vst v35;
	v56 =	vld.idx.msk [tilespmem:v37+s24+$0x0], $0xffff;
	v32 =	vcvt.s32.f32 v54;
	v19 =	vsub.f32 v19, v16;
	v40 =	vcvt.s32.f32 v55  }
0x36e: {  	v42 =	vcvt.s32.f32 v59;
	v26 =	vmul.f32 v26, v17;
	v47 =	vld.idx.msk [tilespmem:v23+s24+$0x0], $0xffff;
	v23 =	vshrl.u32 v62, $0x8;
	[tilespmem:s11+$0x120] =	vst v20  }
0x36f: {  	v20 =	vshrl.u32 v24, $0x18;
	[tilespmem:s11+$0x20] =	vst v33;
	v33 =	vshrl.u32 v48, $0x10;
	v30 =	vsub.f32 v32, v16  }
0x370: {  	v28 =	vld.idx.msk [tilespmem:v18+s24+$0x0], $0xffff;
	v32 =	vand.u32 $0xFF, v23;
	v24 =	vcvt.s32.f32 v20;
	v20 =	vshrl.u32 v62, $0x10;
	[tilespmem:s11+$0x160] =	vst v29  }
0x371: {  	v18 =	vshrl.u32 v63, $0x10;
	v23 =	vshrl.u32 v63, $0x8;
	v29 =	vand.u32 $0xFF, v48;
	v36 =	vld.idx.msk [tilespmem:v60+s24+$0x0], $0xffff;
	[tilespmem:s11+$0x60] =	vst v25  }
0x372: {  	v25 =	vshrl.u32 v48, $0x8;
	[tilespmem:s16+$0x190] =	vst v26;
	v57 =	vld.idx.msk [tilespmem:v21+s24+$0x0], $0xffff;
	v21 =	vand.u32 $0xFF, v22;
	v22 =	vand.u32 $0xFF, v39  }
0x373: {  	v62 =	vcvt.s32.f32 v52;
	v40 =	vsub.f32 v40, v16;
	v55 =	vsub.f32 v42, v16;
	[tilespmem:s11+$0xA0] =	vst v56  }
0x374: {  	v29 =	vcvt.s32.f32 v29;
	v24 =	vsub.f32 v24, v16;
	v60 =	vmul.f32 v30, v17;
	[tilespmem:s16+$0x130] =	vst v47  }
0x375: {  	v38 =	vand.u32 $0xFF, v20;
	v20 =	vld [tilespmem:s19+$0x20];
	v59 =	vsub.f32 v62, v16;
	v39 =	vcvt.s32.f32 v58;
	[tilespmem:s11+$0x140] =	vst v28  }
0x376: {  	v31 =	vand.u32 $0xFF, v25;
	v29 =	vsub.f32 v29, v16;
	v24 =	vmul.f32 v24, v17;
	[tilespmem:s16+$0x10] =	vst v60;
	v54 =	vld [tilespmem:s21+$0x50]  }
0x377: {  	v47 =	vshrl.u32 v49, $0x10;
	v37 =	vmul.f32 v59, v17;
	v61 =	vsub.f32 v39, v16;
	[tilespmem:s11+$0x1A0] =	vst v57;
	v25 =	vld.idx.msk [tilespmem:v22+s24+$0x0], $0xffff  }
0x378: {  	v35 =	vmul.f32 v29, v17;
	v29 =	vshrl.u32 v49, $0x18;
	[tilespmem:s11+$0x40] =	vst v36;
	v39 =	vand.u32 $0xFF, v44;
	v63 =	vld.idx.msk [tilespmem:v34+s24+$0x0], $0xffff  }
0x379: {  	v41 =	vld.idx.msk [tilespmem:v41+s24+$0x0], $0xffff;
	v28 =	vsub.f32 v51, v16;
	v36 =	vand.u32 $0xFF, v47;
	[tilespmem:s16+$0x170] =	vst v50;
	v29 =	vcvt.s32.f32 v29  }
0x37a: {  	v30 =	vshrl.u32 v20, $0x8;
	v58 =	vmul.f32 v61, v17;
	v61 =	vand.u32 $0xFF, v43;
	[tilespmem:s11+$0xE0] =	vst v53  }
0x37b: {  	v22 =	vshrl.u32 v20, $0x10;
	v57 =	vand.u32 $0xFF, v20;
	v44 =	vsub.f32 v29, v16;
	[tilespmem:s11+$0x1E0] =	vst v27  }
0x37c: {  	v32 =	vld.idx.msk [tilespmem:v32+s24+$0x0], $0xffff;
	v34 =	vand.u32 $0xFF, v45;
	v27 =	vshrl.u32 v49, $0x8;
	v60 =	vcvt.s32.f32 v57;
	[tilespmem:s11+$0xC0] =	vst v25  }
0x37d: {  	v57 =	vmul.f32 v46, v17;
	v51 =	vand.u32 $0xFF, v27;
	v62 =	vand.u32 $0xFF, v54;
	[tilespmem:s11+$0x1C0] =	vst v63;
	v42 =	vld [tilespmem:s21+$0x30]  }
0x37e: {  	s17 =	simm.s32 $0x16D00;
	[tilespmem:s16+$0x150] =	vst v41;
	v41 =	vshrl.u32 v54, $0x10;
	v59 =	vshrl.u32 v54, $0x18;
	v56 =	vcvt.s32.f32 v62;
	v27 =	vld [tilespmem:s21+$0x70]  }
0x37f: {  	[tilespmem:s17+$0x100] =	vst v58;
	v26 =	vsub.f32 v60, v16;
	v29 =	vcvt.s32.f32 v59;
	v62 =	vmul.f32 v40, v17  }
0x380: {  	[tilespmem:s16+$0x90] =	vst v57;
	v48 =	vld.idx.msk [tilespmem:v61+s24+$0x0], $0xffff;
	v25 =	vand.u32 $0xFF, v33;
	v33 =	vmul.f32 v55, v17;
	v58 =	vsub.f32 v56, v16  }
0x381: {  	[tilespmem:s16+$0x30] =	vst v32;
	v49 =	vld.idx.msk [tilespmem:v39+s24+$0x0], $0xffff;
	v47 =	vmul.f32 v26, v17;
	v63 =	vshrl.u32 v54, $0x8;
	v39 =	vsub.f32 v29, v16  }
0x382: {  	[tilespmem:s17+$0x180] =	vst v37;
	v43 =	vld.idx.msk [tilespmem:v38+s24+$0x0], $0xffff;
	v46 =	vand.u32 $0xFF, v63;
	v60 =	vmul.f32 v58, v17;
	v63 =	vand.u32 $0xFF, v42  }
0x383: {  	v40 =	vld [tilespmem:s21+$0x10];
	[tilespmem:s16+$0x70] =	vst v62;
	v32 =	vshrl.u32 v42, $0x8;
	v37 =	vshrl.u32 v42, $0x10;
	v61 =	vand.u32 $0xFF, v27  }
0x384: {  	s22 =	simm.s32 $0x8;
	v45 =	vld.idx.msk [tilespmem:v51+s24+$0x0], $0xffff;
	s21 =	simm.s32 $0x5A80;
	[tilespmem:s11+$0x110] =	vst v60;
	v29 =	vshrl.u32 v27, $0x8;
	v38 =	vcvt.s32.f32 v63;
	v26 =	vcvt.s32.f32 v61  }
.LBB2_27:
0x385: {  	v50 =	vld [tilespmem:s21+$0x60];
	s22 =	sadd.s32 $0x4, s22;
	[tilespmem:s17+$0x0] =	vst v35;
	v20 =	vshrl.u32 v20, $0x18;
	v35 =	vshrl.u32 v42, $0x18;
	v42 =	vshrl.u32 v27, $0x10  }
0x386: {  	p0 =	slt.u32 s22, $0x7C;
	v31 =	vld.idx.msk [tilespmem:v31+s24+$0x0], $0xffff;
	v20 =	vcvt.s32.f32 v20;
	v38 =	vsub.f32 v38, v16;
	v35 =	vcvt.s32.f32 v35;
	[tilespmem:s16+$0x1B0] =	vst v48  }
0x387: {  	v30 =	vand.u32 $0xFF, v30;
	v44 =	vmul.f32 v44, v17;
	v48 =	vmul.f32 v19, v17;
	[tilespmem:s16+$0xB0] =	vst v49;
	v34 =	vld.idx.msk [tilespmem:v34+s24+$0x0], $0xffff  }
0x388: {  	v23 =	vand.u32 $0xFF, v23;
	v19 =	vand.u32 $0xFF, v40;
	v49 =	vshrl.u32 v40, $0x18;
	[tilespmem:s16+$0x50] =	vst v43;
	v43 =	vld.idx.msk [tilespmem:v21+s24+$0x0], $0xffff  }
0x389: {  	v41 =	vand.u32 $0xFF, v41;
	[tilespmem:s17+$0x80] =	vst v47;
	v21 =	vcvt.s32.f32 v19;
	v19 =	vsub.f32 v35, v16;
	v35 =	vld.idx.msk [tilespmem:v46+s24+$0x0], $0xffff  }
0x38a: {  	v28 =	vmul.f32 v28, v17;
	v47 =	vsub.f32 v20, v16;
	v20 =	vshrl.u32 v40, $0x8;
	v46 =	vld [tilespmem:s21+$0x0];
	[tilespmem:s16+$0xF0] =	vst v48  }
0x38b: {  	v39 =	vmul.f32 v39, v17;
	v27 =	vshrl.u32 v27, $0x18;
	v48 =	vld [tilespmem:s21+$0x40];
	[tilespmem:s17+$0x120] =	vst v45;
	v45 =	vcvt.s32.f32 v49  }
0x38c: {  	v27 =	vcvt.s32.f32 v27;
	v51 =	vand.u32 $0xFF, v20;
	v49 =	vsub.f32 v21, v16;
	v36 =	vld.idx.msk [tilespmem:v36+s24+$0x0], $0xffff;
	[tilespmem:s16+$0x1F0] =	vst v24  }
0x38d: {  	v53 =	vand.u32 $0xFF, v18;
	v52 =	vshrl.u32 v50, $0x18;
	v20 =	vshrl.u32 v40, $0x10;
	v30 =	vld.idx.msk [tilespmem:v30+s24+$0x0], $0xffff;
	[tilespmem:s16+$0x1D0] =	vst v34  }
0x38e: {  	v18 =	vshrl.u32 v50, $0x10;
	v40 =	vand.u32 $0xFF, v20;
	v21 =	vand.u32 $0xFF, v37;
	v34 =	vld.idx.msk [tilespmem:v23+s24+$0x0], $0xffff;
	[tilespmem:s16+$0xD0] =	vst v43;
	s16 =	smov.u32 s11;
	s11 =	smov.u32 s17  }
0x38f: {  	v22 =	vand.u32 $0xFF, v22;
	v37 =	vand.u32 $0xFF, v50;
	v23 =	vshrl.u32 v50, $0x8;
	v20 =	vld [tilespmem:s21+$0x20];
	[tilespmem:s17+$0x20] =	vst v31  }
0x390: {  	v24 =	vsub.f32 v27, v16;
	v43 =	vshrl.u32 v46, $0x10;
	s17 =	sadd.s32 $0x200, s17;
	v31 =	vand.u32 $0xFF, v48;
	[tilespmem:s11+$0x160] =	vst v44  }
0x391: {  	v47 =	vmul.f32 v47, v17;
	v27 =	vand.u32 $0xFF, v46;
	v44 =	vshrl.u32 v46, $0x18;
	v25 =	vld.idx.msk [tilespmem:v25+s24+$0x0], $0xffff;
	[tilespmem:s16+$0x130] =	vst v35  }
0x392: {  	v24 =	vmul.f32 v24, v17;
	v27 =	vcvt.s32.f32 v27;
	v50 =	vshrl.u32 v48, $0x10;
	[tilespmem:s11+$0x60] =	vst v33;
	v33 =	vld.idx.msk [tilespmem:v41+s24+$0x0], $0xffff  }
0x393: {  	v35 =	vshrl.u32 v46, $0x8;
	v46 =	vmul.f32 v49, v17;
	v41 =	vcvt.s32.f32 v31;
	[tilespmem:s11+$0xA0] =	vst v30  }
0x394: {  	v27 =	vsub.f32 v27, v16;
	v31 =	vand.u32 $0xFF, v35;
	v30 =	vshrl.u32 v20, $0x8;
	v49 =	vld.idx.msk [tilespmem:v22+s24+$0x0], $0xffff;
	[tilespmem:s11+$0x1A0] =	vst v34  }
0x395: {  	v37 =	vcvt.s32.f32 v37;
	v22 =	vshrl.u32 v20, $0x10;
	v41 =	vsub.f32 v41, v16;
	v53 =	vld.idx.msk [tilespmem:v53+s24+$0x0], $0xffff;
	[tilespmem:s16+$0x10] =	vst v46  }
0x396: {  	v35 =	vmul.f32 v27, v17;
	v27 =	vcvt.s32.f32 v52;
	v46 =	vshrl.u32 v48, $0x18;
	[tilespmem:s11+$0x140] =	vst v36;
	v51 =	vld.idx.msk [tilespmem:v51+s24+$0x0], $0xffff  }
0x397: {  	v44 =	vcvt.s32.f32 v44;
	v34 =	vand.u32 $0xFF, v42;
	v36 =	vand.u32 $0xFF, v20;
	[tilespmem:s11+$0x40] =	vst v25;
	v52 =	vld [tilespmem:s19+$0x50]  }
0x398: {  	v32 =	vand.u32 $0xFF, v32;
	v41 =	vmul.f32 v41, v17;
	v25 =	vsub.f32 v37, v16;
	[tilespmem:s11+$0x1E0] =	vst v28  }
0x399: {  	v45 =	vsub.f32 v45, v16;
	v37 =	vshrl.u32 v48, $0x8;
	v28 =	vsub.f32 v27, v16;
	[tilespmem:s16+$0x150] =	vst v33  }
0x39a: {  	v29 =	vand.u32 $0xFF, v29;
	v48 =	vcvt.s32.f32 v36;
	v54 =	vmul.f32 v25, v17;
	[tilespmem:s11+$0xC0] =	vst v49  }
0x39b: {  	v26 =	vsub.f32 v26, v16;
	v37 =	vand.u32 $0xFF, v37;
	v25 =	vand.u32 $0xFF, v43;
	[tilespmem:s11+$0x1C0] =	vst v53  }
0x39c: {  	v36 =	vand.u32 $0xFF, v50;
	[tilespmem:s17+$0x100] =	vst v41;
	v33 =	vand.u32 $0xFF, v52;
	v50 =	vshrl.u32 v52, $0x8;
	v27 =	vld [tilespmem:s19+$0x70]  }
0x39d: {  	v26 =	vmul.f32 v26, v17;
	v43 =	vsub.f32 v44, v16;
	[tilespmem:s11+$0xE0] =	vst v47;
	v44 =	vcvt.s32.f32 v33  }
0x39e: {  	v38 =	vmul.f32 v38, v17;
	v46 =	vcvt.s32.f32 v46;
	v41 =	vshrl.u32 v52, $0x10;
	v42 =	vld [tilespmem:s19+$0x30];
	[tilespmem:s16+$0x30] =	vst v51  }
0x39f: {  	v49 =	vshrl.u32 v52, $0x18;
	v33 =	vmul.f32 v43, v17;
	v47 =	vsub.f32 v44, v16;
	v43 =	vld.idx.msk [tilespmem:v40+s24+$0x0], $0xffff;
	[tilespmem:s16+$0x190] =	vst v26  }
.Ltmp16:
0x3a0: {  	v26 =	vsub.f32 v48, v16;
	v44 =	vsub.f32 v46, v16;
	v40 =	vcvt.s32.f32 v49;
	[tilespmem:s16+$0x90] =	vst v38;
	v48 =	vld.idx.msk [tilespmem:v29+s24+$0x0], $0xffff;
	(pc) =	sbr.rel @p0 .LBB2_27-.Ltmp16, $4  }
0x3a1: {  	v38 =	vmul.f32 v45, v17;
	v51 =	vmul.f32 v47, v17;
	v29 =	vand.u32 $0xFF, v27;
	v49 =	vld.idx.msk [tilespmem:v32+s24+$0x0], $0xffff;
	[tilespmem:s16+$0x170] =	vst v39  }
0x3a2: {  	v46 =	vand.u32 $0xFF, v50;
	v47 =	vmul.f32 v26, v17;
	v39 =	vsub.f32 v40, v16;
	v45 =	vld.idx.msk [tilespmem:v37+s24+$0x0], $0xffff;
	[tilespmem:s17+$0x180] =	vst v54  }
0x3a3: {  	v26 =	vcvt.s32.f32 v29;
	v29 =	vshrl.u32 v27, $0x8;
	v40 =	vld [tilespmem:s19+$0x10];
	v32 =	vand.u32 $0xFF, v42;
	[tilespmem:s16+$0x70] =	vst v38;
	s19 =	smov.u32 s21  }
0x3a4: {  	s21 =	sadd.s32 $0x80, s21;
	v37 =	vshrl.u32 v42, $0x10;
	v38 =	vcvt.s32.f32 v32;
	v32 =	vshrl.u32 v42, $0x8;
	[tilespmem:s11+$0x110] =	vst v51  }
0x3a5: {  	[tilespmem:s17+$0x0] =	vst v35  }
0x3a6: {  	[tilespmem:s16+$0x1B0] =	vst v48  }
0x3a7: {  	[tilespmem:s16+$0x50] =	vst v43  }
0x3a8: {  	[tilespmem:s17+$0x80] =	vst v47  }
0x3a9: {  	v19 =	vmul.f32 v19, v17;
	[tilespmem:s16+$0xB0] =	vst v49;
	v34 =	vld.idx.msk [tilespmem:v34+s24+$0x0], $0xffff  }
0x3aa: {  	v31 =	vld.idx.msk [tilespmem:v31+s24+$0x0], $0xffff;
	[tilespmem:s16+$0x1F0] =	vst v24;
	v53 =	vsub.f32 v38, v16  }
0x3ab: {  	v23 =	vand.u32 $0xFF, v23;
	v43 =	vmul.f32 v44, v17;
	v21 =	vld.idx.msk [tilespmem:v21+s24+$0x0], $0xffff;
	[tilespmem:s16+$0xF0] =	vst v19  }
0x3ac: {  	v30 =	vand.u32 $0xFF, v30;
	v49 =	vmul.f32 v28, v17;
	[tilespmem:s17+$0x120] =	vst v45;
	v19 =	vld.idx.msk [tilespmem:v46+s24+$0x0], $0xffff;
	v28 =	vmul.f32 v53, v17  }
0x3ad: {  	v36 =	vld.idx.msk [tilespmem:v36+s24+$0x0], $0xffff;
	[tilespmem:s17+$0x160] =	vst v43  }
0x3ae: {  	[tilespmem:s11+$0x90] =	vst v28  }
0x3af: {  	[tilespmem:s16+$0x1D0] =	vst v34  }
0x3b0: {  	v46 =	vand.u32 $0xFF, v41;
	v44 =	vand.u32 $0xFF, v40;
	v23 =	vld.idx.msk [tilespmem:v23+s24+$0x0], $0xffff;
	[tilespmem:s17+$0x20] =	vst v31  }
0x3b1: {  	v18 =	vand.u32 $0xFF, v18;
	v45 =	vcvt.s32.f32 v44;
	v30 =	vld.idx.msk [tilespmem:v30+s24+$0x0], $0xffff;
	[tilespmem:s16+$0xD0] =	vst v21  }
0x3b2: {  	v22 =	vand.u32 $0xFF, v22;
	[tilespmem:s11+$0x130] =	vst v19  }
0x3b3: {  	v21 =	vsub.f32 v45, v16;
	v25 =	vld.idx.msk [tilespmem:v25+s24+$0x0], $0xffff;
	[tilespmem:s17+$0x60] =	vst v33  }
0x3b4: {  	[tilespmem:s17+$0x140] =	vst v36  }
0x3b5: {  	v56 =	vand.u32 $0xFF, v32;
	v47 =	vshrl.u32 v40, $0x8;
	v48 =	vld.idx.msk [tilespmem:v46+s24+$0x0], $0xffff;
	v19 =	vmul.f32 v21, v17;
	[tilespmem:s17+$0x1A0] =	vst v23  }
0x3b6: {  	v59 =	vmul.f32 v39, v17;
	v21 =	vand.u32 $0xFF, v47;
	[tilespmem:s17+$0xA0] =	vst v30;
	v18 =	vld.idx.msk [tilespmem:v18+s24+$0x0], $0xffff  }
0x3b7: {  	[tilespmem:s11+$0x10] =	vst v19;
	v19 =	vshrl.u32 v20, $0x18;
	v22 =	vld.idx.msk [tilespmem:v22+s24+$0x0], $0xffff  }
0x3b8: {  	[tilespmem:s11+$0x170] =	vst v59;
	v24 =	vld [tilespmem:s19+$0x50];
	v19 =	vcvt.s32.f32 v19  }
0x3b9: {  	v50 =	vshrl.u32 v42, $0x18;
	v52 =	vand.u32 $0xFF, v29;
	v26 =	vsub.f32 v26, v16;
	[tilespmem:s17+$0x1E0] =	vst v49  }
0x3ba: {  	v51 =	vshrl.u32 v27, $0x10;
	v61 =	vshrl.u32 v27, $0x18;
	v35 =	vld.idx.msk [tilespmem:v56+s24+$0x0], $0xffff;
	[tilespmem:s17+$0x40] =	vst v25;
	v19 =	vsub.f32 v19, v16  }
0x3bb: {  	v38 =	vand.u32 $0xFF, v37;
	v54 =	vshrl.u32 v40, $0x18;
	v21 =	vld.idx.msk [tilespmem:v21+s24+$0x0], $0xffff;
	[tilespmem:s17+$0x1C0] =	vst v18;
	v18 =	vmul.f32 v26, v17  }
0x3bc: {  	v55 =	vshrl.u32 v40, $0x10;
	v23 =	vcvt.s32.f32 v50;
	v19 =	vmul.f32 v19, v17;
	[tilespmem:s17+$0xC0] =	vst v22;
	v22 =	vld [tilespmem:s19+$0x70]  }
0x3bd: {  	v57 =	vcvt.s32.f32 v54;
	v58 =	vand.u32 $0xFF, v55;
	v60 =	vand.u32 $0xFF, v24;
	[tilespmem:s11+$0x190] =	vst v18;
	v18 =	vld [tilespmem:s19+$0x10]  }
0x3be: {  	v27 =	vcvt.s32.f32 v61;
	v23 =	vsub.f32 v23, v16;
	[tilespmem:s17+$0xE0] =	vst v19;
	v19 =	vcvt.s32.f32 v60;
	v20 =	vld.idx.msk [tilespmem:v52+s24+$0x0], $0xffff  }
0x3bf: {  	[tilespmem:s11+$0xB0] =	vst v35;
	v25 =	vand.u32 $0xFF, v51;
	v62 =	vshrl.u32 v24, $0x8;
	v26 =	vsub.f32 v57, v16;
	v63 =	vld [tilespmem:s19+$0x30]  }
0x3c0: {  	v46 =	vld.idx.msk [tilespmem:v38+s24+$0x0], $0xffff;
	[tilespmem:s11+$0x150] =	vst v48;
	v23 =	vmul.f32 v23, v17;
	v36 =	vand.u32 $0xFF, v62;
	v19 =	vsub.f32 v19, v16  }
0x3c1: {  	v41 =	vshrl.u32 v24, $0x10;
	v34 =	vmul.f32 v26, v17;
	[tilespmem:s11+$0x30] =	vst v21;
	v42 =	vand.u32 $0xFF, v22  }
0x3c2: {  	[tilespmem:s11+$0xF0] =	vst v23;
	v29 =	vld.idx.msk [tilespmem:v58+s24+$0x0], $0xffff;
	v19 =	vmul.f32 v19, v17;
	v39 =	vand.u32 $0xFF, v18;
	v30 =	vcvt.s32.f32 v42  }
0x3c3: {  	v47 =	vshrl.u32 v22, $0x8;
	v43 =	vshrl.u32 v18, $0x8;
	[tilespmem:s11+$0x1B0] =	vst v20;
	v40 =	vcvt.s32.f32 v39  }
0x3c4: {  	v49 =	vand.u32 $0xFF, v47;
	[tilespmem:s17+$0x110] =	vst v19;
	v45 =	vand.u32 $0xFF, v63;
	v19 =	vld.idx.msk [tilespmem:v25+s24+$0x0], $0xffff;
	v30 =	vsub.f32 v30, v16  }
0x3c5: {  	[tilespmem:s11+$0xD0] =	vst v46;
	v44 =	vld.idx.msk [tilespmem:v36+s24+$0x0], $0xffff;
	v25 =	vand.u32 $0xFF, v43;
	v28 =	vcvt.s32.f32 v45;
	v20 =	vsub.f32 v40, v16  }
0x3c6: {  	v21 =	vand.u32 $0xFF, v41;
	[tilespmem:s11+$0x70] =	vst v34;
	v48 =	vshrl.u32 v63, $0x8;
	v53 =	vmul.f32 v30, v17  }
0x3c7: {  	[tilespmem:s11+$0x50] =	vst v29;
	v50 =	vand.u32 $0xFF, v48;
	v28 =	vsub.f32 v28, v16;
	v20 =	vmul.f32 v20, v17  }
0x3c8: {  	v27 =	vsub.f32 v27, v16;
	[tilespmem:s17+$0x190] =	vst v53  }
0x3c9: {  	v51 =	vshrl.u32 v24, $0x18;
	v54 =	vmul.f32 v28, v17;
	[tilespmem:s17+$0x10] =	vst v20;
	v56 =	vld.idx.msk [tilespmem:v49+s24+$0x0], $0xffff  }
0x3ca: {  	v27 =	vmul.f32 v27, v17;
	v23 =	vcvt.s32.f32 v51;
	[tilespmem:s17+$0x130] =	vst v44;
	v25 =	vld.idx.msk [tilespmem:v25+s24+$0x0], $0xffff  }
0x3cb: {  	v55 =	vshrl.u32 v22, $0x10;
	v52 =	vshrl.u32 v18, $0x10;
	v18 =	vshrl.u32 v18, $0x18;
	v21 =	vld.idx.msk [tilespmem:v21+s24+$0x0], $0xffff;
	[tilespmem:s17+$0x90] =	vst v54  }
0x3cc: {  	v22 =	vshrl.u32 v22, $0x18;
	v26 =	vand.u32 $0xFF, v55;
	v18 =	vcvt.s32.f32 v18;
	[tilespmem:s11+$0x1F0] =	vst v27;
	v20 =	vld.idx.msk [tilespmem:v50+s24+$0x0], $0xffff  }
0x3cd: {  	v57 =	vshrl.u32 v63, $0x10;
	v58 =	vshrl.u32 v63, $0x18;
	[tilespmem:s11+$0x1D0] =	vst v19;
	v19 =	vand.u32 $0xFF, v52  }
0x3ce: {  	v27 =	vand.u32 $0xFF, v57;
	v59 =	vcvt.s32.f32 v58;
	v18 =	vsub.f32 v18, v16;
	[tilespmem:s17+$0x1B0] =	vst v56  }
0x3cf: {  	v23 =	vsub.f32 v23, v16;
	v60 =	vcvt.s32.f32 v22;
	[tilespmem:s17+$0x30] =	vst v25  }
0x3d0: {  	v61 =	vsub.f32 v59, v16;
	v18 =	vmul.f32 v18, v17;
	[tilespmem:s17+$0x150] =	vst v21  }
0x3d1: {  	v23 =	vmul.f32 v23, v17;
	v21 =	vsub.f32 v60, v16;
	v62 =	vld.idx.msk [tilespmem:v26+s24+$0x0], $0xffff;
	[tilespmem:s17+$0xB0] =	vst v20  }
0x3d2: {  	v19 =	vld.idx.msk [tilespmem:v19+s24+$0x0], $0xffff;
	[tilespmem:s17+$0x70] =	vst v18;
	v18 =	vmul.f32 v61, v17  }
0x3d3: {  	s7 =	sadd.s32 $0x1, s7;
	[tilespmem:s17+$0x170] =	vst v23;
	v63 =	vld.idx.msk [tilespmem:v27+s24+$0x0], $0xffff;
	v21 =	vmul.f32 v21, v17  }
0x3d4: {  	p0 =	sne.s32 s7, $0xA;
	[tilespmem:s17+$0xF0] =	vst v18  }
.Ltmp17:
0x3d5: {  	s25 =	sshll.u32 s13, $0x13;
	[tilespmem:s17+$0x1F0] =	vst v21;
	(pc) =	sbr.rel @p0 .LBB2_2-.Ltmp17, $4  }
0x3d6: {  	s11 =	sor.u32 s6, s25;
	[tilespmem:s17+$0x1D0] =	vst v62  }
0x3d7: {  	s11 =	sshrl.u32 s11, $0x3;
	[tilespmem:s17+$0x50] =	vst v19  }
0x3d8: {  	s11 =	sadd.s32 s1, s11;
	[tilespmem:s17+$0xD0] =	vst v63  }
0x3d9: {  	[hbm4b:s11+s3] =	stream.linear.scatter [tilespmem:s5], [sflag:$0xA], $0x4000, $0x38;
	[tilespmem:$0x1AA20] =	vst v63  }
0x3da: {  	s7 =	simm.s32 $0x6  }
0x3db: {  	_ =	swait.ge [sflag:s7], $0x4000  }
0x3dc: {  	[sflag:s7] =	ssyncset.done $0x0  }
0x3dd: {  	[sflag:s7] =	ssyncadd.s32 $0xFFFFC000  }
0x3de: {  	_ =	swait.ge [sflag:s28], $0x4000  }
0x3df: {  	[sflag:s28] =	ssyncset.done $0x0  }
0x3e0: {  	[sflag:s28] =	ssyncadd.s32 $0xFFFFC000  }
0x3e1: {  	_ =	swait.ge [sflag:s31], $0x4000  }
0x3e2: {  	[sflag:s31] =	ssyncset.done $0x0  }
0x3e3: {  	[sflag:s31] =	ssyncadd.s32 $0xFFFFC000  }
0x3e4: {  	_ =	swait.ge [sflag:s12], $0x4000  }
0x3e5: {  	[sflag:s12] =	ssyncset.done $0x0  }
0x3e6: {  	[sflag:s12] =	ssyncadd.s32 $0xFFFFC000  }
0x3e7: {  	_ =	swait.ge [sflag:s20], $0x4000  }
0x3e8: {  	s11 =	rddreg [dreg:$0x6]  }
0x3e9: {  	s25 =	rddreg [dreg:$0x5];
	s11 =	sadd.s32 $0x1, s11  }
0x3ea: {  	p0 =	sne.s32 s11, s25  }
.Ltmp18:
0x3eb: {  	_ = 	snop;
	(pc) =	sbr.rel @p0 .LBB2_1-.Ltmp18, $3  }
0x3ec: {  	_ =	sdelay $0x1  }
0x3ed: {  	[sflag:s20] =	ssyncset.done $0x0  }
0x3ee: {  	[sflag:s20] =	ssyncadd.s32 $0xFFFFC000  }
0x3ef: {  	_ =	sfence.sel $0x180000  }
0x3f0: {  	[bflag:$0x0] =	sbarrier.arrive $0xFFFF  }
0x3f1: {  	_ =	strace $0x90000047  }
0x3f2: {  	s0 =	stileid.u32;
	[bflag:$0x2] =	sbarrier.arrive $0xFFFF  }
0x3f3: {  	p0 =	sne.s32 s0, $0x0;
	s0 =	rddreg [dreg:$0x2]  }
0x3f4: {  	s0 =	sadd.s32 @!p0 $0x100000, s0  }
0x3f5: {  	[sflag:s0] =	ssyncadd.tile.s32 @!p0 $0x1;
	_ =	shalt  }
.Lfunc_end2:
_tile_overlayer_lowered:
.L_overlay_start_2:
0x3f6: {  	(tag) =	ssettag $0x2  }
0x3f7: {  	s0 =	rddreg [dreg:$0x0];
	s2 =	stileid.u32  }
0x3f8: {  	s1 =	rddreg [dreg:$0x1];
	p0 =	sne.s32 s2, $0x0  }
0x3f9: {  	s3 =	rddreg [dreg:$0x2];
	[bflag:$0x3] =	sbarrier.arrive $0xFFFF;
	s2 =	simm.s32 @!p0 $0x1C0B  }
0x3fa: {  	[timem:s3], [sflag:s2] =	dma.local @!p0 [hbm:s0], s1  }
0x3fb: {  	s0 =	simm.s32 @!p0 $0xB  }
0x3fc: {  	_ =	swait.ge @!p0 [sflag:s0], s1  }
0x3fd: {  	s1 =	ssub.s32 @!p0 $0x0, s1;
	[sflag:s0] =	ssyncset.done @!p0 $0x0  }
0x3fe: {  	[sflag:s0] =	ssyncadd.s32 @!p0 s1  }
0x3ff: {  	[bflag:$0x3] =	sbarrier.arrive $0xFFFF  }
0x400: {  	_ =	shalt  }

</sc_bundles>
